<compile_context>
chip_gen: v7x
topology: tpu7x:2x2x1
jax: 0.10.2.dev20260603
libtpu: 0.0.44.dev20260713+nightly
codegen_flags: <defaults>
</compile_context>

<pallas_src>
import functools

import jax
import jax.numpy as jnp
from jax import lax
from jax.experimental import pallas as pl
from jax.experimental.pallas import tpu as pltpu
from jax.experimental.pallas import tpu_sc as plsc

B = 4096
L = 50
LQ = 5
D = 64
DENSE = 128

_NC = 2
_NS = 16
_NW = _NC * _NS
_CH = 128


_NBUF = 2


def _sc_gather_multi(table, idxs):
  d = table.shape[1]
  seg_ch = []
  for ix in idxs:
    n_ch = ix.shape[0] // _NW
    assert n_ch * _NW == ix.shape[0]
    seg_ch.append(n_ch)
  tot_ch = sum(seg_ch)

  mesh = plsc.VectorSubcoreMesh(core_axis_name="c", subcore_axis_name="s")

  @functools.partial(
      pl.kernel,
      mesh=mesh,
      out_type=tuple(
          jax.ShapeDtypeStruct((ix.shape[0] * _CH, d), jnp.float32)
          for ix in idxs),
      scratch_types=[
          pltpu.VMEM((tot_ch, _CH), jnp.int32),
          pltpu.VMEM((_NBUF, _CH, d), jnp.float32),
      ] + [pltpu.SemaphoreType.DMA] * _NBUF,
      compiler_params=pltpu.CompilerParams(use_tc_tiling_on_sc=False),
  )
  def k(table_hbm, *refs):
    idx_hbms = refs[:len(idxs)]
    out_hbms = refs[len(idxs):2 * len(idxs)]
    idx_v = refs[2 * len(idxs)]
    rows_v = refs[2 * len(idxs) + 1]
    sems = refs[2 * len(idxs) + 2:]
    wid = lax.axis_index("s") * _NC + lax.axis_index("c")

    soff = 0
    for s, n_ch in enumerate(seg_ch):
      pltpu.sync_copy(idx_hbms[s].at[pl.ds(wid * n_ch, n_ch)],
                      idx_v.at[pl.ds(soff, n_ch)])
      soff += n_ch

    soff = 0
    for s, n_ch in enumerate(seg_ch):
      out = out_hbms[s]
      rbase = wid * n_ch
      n_grp = n_ch // _NBUF

      def body(g, carry, soff=soff, out=out, rbase=rbase):
        handles = []
        for b in range(_NBUF):
          i = g * _NBUF + b
          handles.append(
              pltpu.async_copy(table_hbm.at[idx_v.at[soff + i]],
                               rows_v.at[b], sems[b]))
        for b in range(_NBUF):
          i = g * _NBUF + b
          handles[b].wait()
          pltpu.sync_copy(rows_v.at[b],
                          out.at[pl.ds((rbase + i) * _CH, _CH)])
        return carry

      if n_grp > 0:
        lax.fori_loop(0, n_grp, body, 0, unroll=False)
      for i in range(n_grp * _NBUF, n_ch):
        pltpu.async_copy(table_hbm.at[idx_v.at[soff + i]], rows_v.at[0],
                         sems[0]).wait()
        pltpu.sync_copy(rows_v.at[0], out.at[pl.ds((rbase + i) * _CH, _CH)])
      soff += n_ch

  return k(table, *idxs)


def _dense_body(
    s_raw, c_raw, b_raw, it_raw, iq_raw,
    src_i, clk_i, brw_i, iq_i, lbl,
    Wti, bti, Wtq, btq,
    Wsq, bsq, qsq, Wsc, bsc, qsc, Wbi, bbi, qbi,
    Wir, bir, Wur, bur, Wua, bua, qua,
    Wiv1, biv1, Wiv2, biv2,
    WuA1, buA1, WuA2, buA2, WiA1, biA1, WiA2, biA2,
    o_bce, o_s1, o_s1i,
):
  pid = pl.program_id(0)
  bb = src_i.shape[0]
  inv_b = jnp.float32(1.0 / B)

  def attn_pool(x2, idx, ll, Wt, bt, W, b, q):
    A = jnp.dot(Wt[...], W[...], preferred_element_type=jnp.float32)
    c = jnp.dot(bt[...], W[...], preferred_element_type=jnp.float32) + b[...]
    h = jnp.tanh(jnp.dot(x2, A, preferred_element_type=jnp.float32) + c)
    s = jnp.dot(h, q[...].reshape(DENSE, 1),
                preferred_element_type=jnp.float32).reshape(bb, ll)
    s = jnp.where(idx == 0, jnp.float32(-1e9), s)
    a = jax.nn.softmax(s, axis=-1)
    pooled = jnp.sum(a[:, :, None] * x2.reshape(bb, ll, D), axis=1)
    return jnp.dot(pooled, Wt[...], preferred_element_type=jnp.float32) + bt[...]

  def iv_pool(x2, idx, ll):
    m = (idx != 0).astype(jnp.float32)
    pooled = jnp.sum(m[:, :, None] * x2.reshape(bb, ll, D), axis=1)
    cnt = jnp.maximum(jnp.sum(m, axis=1, keepdims=True), 1.0)
    pooled = pooled / cnt
    h = jnp.tanh(jnp.dot(pooled, Wiv1[...],
                         preferred_element_type=jnp.float32) + biv1[...])
    return jnp.tanh(jnp.dot(h, Wiv2[...],
                            preferred_element_type=jnp.float32) + biv2[...])

  def fc_sig(x, W1, b1, W2, b2):
    h = jax.nn.relu(jnp.dot(x, W1[...],
                            preferred_element_type=jnp.float32) + b1[...])
    lg = jnp.sum(h * W2[...], axis=-1, keepdims=True) + b2[...]
    return jax.nn.sigmoid(lg)

  item_emb = jnp.dot(it_raw[...], Wti[...],
                     preferred_element_type=jnp.float32) + bti[...]
  query_rep = attn_pool(s_raw[...], src_i[...], L, Wtq, btq, Wsq, bsq, qsq)
  click_rep = attn_pool(c_raw[...], clk_i[...], L, Wti, bti, Wsc, bsc, qsc)
  browse_rep = attn_pool(b_raw[...], brw_i[...], L, Wti, bti, Wbi, bbi, qbi)

  iv_feats = iv_pool(s_raw[...], src_i[...], L)
  d1 = iv_feats - browse_rep
  s1_part = jnp.sum(d1 * d1) * (inv_b / D)

  uw = fc_sig(jnp.concatenate([iv_feats, browse_rep], axis=-1),
              WuA1, buA1, WuA2, buA2)
  iv_user = uw * iv_feats + (1.0 - uw) * browse_rep

  def u_branch(x):
    u = jnp.tanh(jnp.dot(x, Wur[...], preferred_element_type=jnp.float32)
                 + bur[...])
    hu = jnp.tanh(jnp.dot(u, Wua[...], preferred_element_type=jnp.float32)
                  + bua[...])
    su = jnp.dot(hu, qua[...].reshape(100, 1),
                 preferred_element_type=jnp.float32)
    return u, su

  u0, su0 = u_branch(iv_user)
  u1, su1 = u_branch(query_rep)
  u2, su2 = u_branch(click_rep)
  su = jnp.concatenate([su0, su1, su2], axis=-1)
  au = jax.nn.softmax(su, axis=-1)
  user_rep = (au[:, 0:1] * u0 + au[:, 1:2] * u1 + au[:, 2:3] * u2)

  iv_item = iv_pool(iq_raw[...], iq_i[...], LQ)
  d2 = iv_item - item_emb
  s1i_part = jnp.sum(d2 * d2) * (inv_b / D)

  iw = fc_sig(jnp.concatenate([iv_item, item_emb], axis=-1),
              WiA1, biA1, WiA2, biA2)
  item_rep0 = iw * iv_item + (1.0 - iw) * item_emb
  item_rep = jnp.tanh(jnp.dot(item_rep0, Wir[...],
                              preferred_element_type=jnp.float32) + bir[...])

  logits = jnp.sum(item_rep * user_rep, axis=-1, keepdims=True)
  prob = jnp.clip(jax.nn.sigmoid(logits), 1e-7, 1.0 - 1e-7)
  y = lbl[...]
  bce_part = jnp.sum(-(y * jnp.log(prob) + (1.0 - y) * jnp.log(1.0 - prob))
                     ) * inv_b

  @pl.when(pid == 0)
  def _():
    o_bce[...] = jnp.zeros_like(o_bce)
    o_s1[...] = jnp.zeros_like(o_s1)
    o_s1i[...] = jnp.zeros_like(o_s1i)

  o_bce[...] += bce_part
  o_s1[...] += s1_part
  o_s1i[...] += s1i_part


def _dense(interpret, *args):
  bb = 64
  grid = B // bb

  def full(x):
    return pl.BlockSpec(x.shape, lambda i: (0,) * x.ndim)

  def rows(x):
    blk = x.shape[0] // grid
    return pl.BlockSpec((blk,) + x.shape[1:],
                        lambda i: (i,) + (0,) * (x.ndim - 1))

  weights = args[10:]
  in_specs = [rows(a) for a in args[:10]] + [full(w) for w in weights]
  out_spec = pl.BlockSpec((1, 1), lambda i: (0, 0))
  return pl.pallas_call(
      _dense_body,
      grid=(grid,),
      in_specs=in_specs,
      out_specs=(out_spec, out_spec, out_spec),
      out_shape=tuple(jax.ShapeDtypeStruct((1, 1), jnp.float32)
                      for _ in range(3)),
      interpret=interpret,
  )(*args)


def kernel(browse_item, src_qry, search_click, item, item_qry, labels,
           item_table, qry_table, Wti, bti, Wtq, btq, Wsq, bsq, qsq,
           Wsc, bsc, qsc, Wbi, bbi, qbi, Wir, bir, Wur, bur, Wua, bua, qua,
           Wiv1, biv1, Wiv2, biv2, WuA1, buA1, WuA2, buA2,
           WiA1, biA1, WiA2, biA2):
  b_raw, c_raw, it_raw = _sc_gather_multi(
      item_table,
      [browse_item.reshape(-1, _CH), search_click.reshape(-1, _CH),
       item.reshape(-1, _CH)])
  s_raw, iq_raw = _sc_gather_multi(
      qry_table,
      [src_qry.reshape(-1, _CH), item_qry.reshape(-1, _CH)])

  r1 = lambda v: v.reshape(1, -1)
  o_bce, o_s1, o_s1i = _dense(
      False,
      s_raw, c_raw, b_raw, it_raw, iq_raw,
      src_qry, search_click, browse_item, item_qry, labels.reshape(B, 1),
      Wti, r1(bti), Wtq, r1(btq),
      Wsq, r1(bsq), r1(qsq), Wsc, r1(bsc), r1(qsc), Wbi, r1(bbi), r1(qbi),
      Wir, r1(bir), Wur, r1(bur), Wua, r1(bua), r1(qua),
      Wiv1, r1(biv1), Wiv2, r1(biv2),
      r1(WuA1) if WuA1.ndim == 1 else WuA1, r1(buA1),
      WuA2.reshape(1, -1), r1(buA2),
      WiA1, r1(biA1), WiA2.reshape(1, -1), r1(biA2),
  )
  return (o_bce[0, 0], o_s1[0, 0], o_s1i[0, 0])

# --- scband reference (transcript-rebuilt; emitter-appended) ---
"""Pipeline reference for scband-iv4-rec-ui-nrhub-kuaishou-55860344652414 (READ-ONLY COPY).

The authoritative reference and input builder live on the scoring server;
editing this copy changes nothing except your own understanding.
"""

import jax, jax.numpy as jnp
import numpy as np

B = 4096
L = 50
LQ = 5
V_ITEM = 1000000
V_QRY = 100000
D_EMB = 64
D_QRY = 64
D_ITEM = 64
DENSE = 128
REC_PAD = 0
SRC_PAD = 0


def _attn(x, W, b, q, mask=None):
    s = jnp.tanh(jnp.einsum('bld,dh->blh', x, W) + b)
    s = jnp.einsum('blh,h->bl', s, q)
    if mask is not None:
        s = jnp.where(mask, jnp.float32(-1e9), s)
    a = jax.nn.softmax(s, axis=-1)
    return jnp.einsum('bl,bld->bd', a, x)


def _iv(idx, table, W1, b1, W2, b2, pad):
    e = jnp.take(table, idx, axis=0)
    m = (idx != pad).astype(jnp.float32)[..., None]
    pooled = (e * m).sum(axis=1) / jnp.maximum(m.sum(axis=1), 1.0)
    h = jnp.tanh(pooled @ W1 + b1)
    return jnp.tanh(h @ W2 + b2)


def _fc_sig(x, W1, b1, W2, b2):
    h = jax.nn.relu(x @ W1 + b1)
    return jax.nn.sigmoid(h @ W2 + b2)


def setup_inputs(seed: int = 0):
    key = jax.random.key(seed)
    ks = jax.random.split(key, 32)
    def nrm(i, shape, s=0.05):
        return jax.random.normal(ks[i], shape, dtype=jnp.float32) * s
    z = lambda *s: jnp.zeros(s, jnp.float32)
    inp = {}
    inp['browse_item'] = jax.random.randint(ks[0], (B, L), 0, V_ITEM)
    inp['src_qry'] = jax.random.randint(ks[1], (B, L), 0, V_QRY)
    inp['search_click'] = jax.random.randint(ks[2], (B, L), 0, V_ITEM)
    inp['item'] = jax.random.randint(ks[3], (B,), 0, V_ITEM)
    inp['item_qry'] = jax.random.randint(ks[4], (B, LQ), 0, V_QRY)
    inp['labels'] = jax.random.uniform(ks[5], (B,), dtype=jnp.float32)
    inp['item_table'] = nrm(6, (V_ITEM, D_EMB), 0.1)
    inp['qry_table'] = nrm(7, (V_QRY, D_QRY), 0.1)
    inp['Wti'] = nrm(8, (D_EMB, D_ITEM)); inp['bti'] = z(D_ITEM)
    inp['Wtq'] = nrm(9, (D_QRY, D_ITEM)); inp['btq'] = z(D_ITEM)
    inp['Wsq'] = nrm(10, (D_ITEM, DENSE)); inp['bsq'] = z(DENSE); inp['qsq'] = nrm(11, (DENSE,))
    inp['Wsc'] = nrm(12, (D_ITEM, DENSE)); inp['bsc'] = z(DENSE); inp['qsc'] = nrm(13, (DENSE,))
    inp['Wbi'] = nrm(14, (D_ITEM, DENSE)); inp['bbi'] = z(DENSE); inp['qbi'] = nrm(15, (DENSE,))
    inp['Wir'] = nrm(16, (D_ITEM, DENSE)); inp['bir'] = z(DENSE)
    inp['Wur'] = nrm(17, (D_ITEM, DENSE)); inp['bur'] = z(DENSE)
    inp['Wua'] = nrm(18, (DENSE, 100)); inp['bua'] = z(100); inp['qua'] = nrm(19, (100,))
    inp['Wiv1'] = nrm(20, (D_QRY, D_ITEM)); inp['biv1'] = z(D_ITEM)
    inp['Wiv2'] = nrm(21, (D_ITEM, D_ITEM)); inp['biv2'] = z(D_ITEM)
    inp['WuA1'] = nrm(22, (2 * D_ITEM, 80)); inp['buA1'] = z(80)
    inp['WuA2'] = nrm(23, (80, 1)); inp['buA2'] = z(1)
    inp['WiA1'] = nrm(24, (2 * D_ITEM, 80)); inp['biA1'] = z(80)
    inp['WiA2'] = nrm(25, (80, 1)); inp['biA2'] = z(1)
    return inp


def reference(browse_item, src_qry, search_click, item, item_qry, labels, item_table, qry_table, Wti, bti, Wtq, btq, Wsq, bsq, qsq, Wsc, bsc, qsc, Wbi, bbi, qbi, Wir, bir, Wur, bur, Wua, bua, qua, Wiv1, biv1, Wiv2, biv2, WuA1, buA1, WuA2, buA2, WiA1, biA1, WiA2, biA2):
    item_emb = jnp.take(item_table, item, axis=0) @ Wti + bti
    q_emb = jnp.take(qry_table, src_qry, axis=0) @ Wtq + btq
    query_rep = _attn(q_emb, Wsq, bsq, qsq, src_qry == SRC_PAD)
    c_emb = jnp.take(item_table, search_click, axis=0) @ Wti + bti
    click_rep = _attn(c_emb, Wsc, bsc, qsc, search_click == REC_PAD)
    b_emb = jnp.take(item_table, browse_item, axis=0) @ Wti + bti
    browse_rep = _attn(b_emb, Wbi, bbi, qbi, browse_item == REC_PAD)
    iv_feats = _iv(src_qry, qry_table, Wiv1, biv1, Wiv2, biv2, SRC_PAD)
    s1_loss = jnp.mean((iv_feats - jax.lax.stop_gradient(browse_rep)) ** 2)
    uw = _fc_sig(jnp.concatenate([iv_feats, browse_rep], axis=-1), WuA1, buA1, WuA2, buA2)
    iv_user = uw * iv_feats + (1.0 - uw) * browse_rep
    user_emb = jnp.stack([iv_user, query_rep, click_rep], axis=1)
    u = jnp.tanh(user_emb @ Wur + bur)
    user_rep = _attn(u, Wua, bua, qua, None)
    iv_item = _iv(item_qry, qry_table, Wiv1, biv1, Wiv2, biv2, SRC_PAD)
    s1_loss_item = jnp.mean((iv_item - jax.lax.stop_gradient(item_emb)) ** 2)
    iw = _fc_sig(jnp.concatenate([iv_item, item_emb], axis=-1), WiA1, biA1, WiA2, biA2)
    item_rep = iw * iv_item + (1.0 - iw) * item_emb
    item_rep = jnp.tanh(item_rep @ Wir + bir)
    logits = jnp.sum(item_rep * user_rep, axis=-1)
    prob = jnp.clip(jax.nn.sigmoid(logits), 1e-7, 1.0 - 1e-7)
    bce = jnp.mean(-(labels * jnp.log(prob) + (1.0 - labels) * jnp.log(1.0 - prob)))
    return (bce, s1_loss, s1_loss_item)

if __name__ == "__main__":
    import jax
    _d = setup_inputs()
    print(jax.jit(kernel)(*tuple(_d.values())))

</pallas_src>

<mosaic_0001>
#map = affine_map<(d0, d1) -> (0, 0)>
module attributes {stable_mosaic.version = 14 : i64} {
  func.func @k(%arg0: i32, %arg1: i32, %arg2: memref<100000x64xf32, #tpu.memory_space<hbm>>, %arg3: memref<1600x128xi32, #tpu.memory_space<hbm>>, %arg4: memref<160x128xi32, #tpu.memory_space<hbm>>, %arg5: memref<204800x64xf32, #tpu.memory_space<hbm>>, %arg6: memref<20480x64xf32, #tpu.memory_space<hbm>>, %arg7: memref<55x128xi32, #tpu.memory_space<vmem>>, %arg8: memref<2x128x64xf32, #tpu.memory_space<vmem>>, %arg9: memref<!tpu.dma_semaphore, #tpu.memory_space<semaphore_mem>>, %arg10: memref<!tpu.dma_semaphore, #tpu.memory_space<semaphore_mem>>) attributes {dimension_semantics = [#tpu.dimension_semantics<core_parallel>, #tpu.dimension_semantics<subcore_parallel>], iteration_bounds = array<i64: 2, 16>, scalar_prefetch = 0 : i64, scratch_operands = 4 : i64, tpu.core_type = #tpu.core_type<sc_vector_subcore>, window_params = [{transform_indices = #map}, {transform_indices = #map}, {transform_indices = #map}, {transform_indices = #map}, {transform_indices = #map}]} {
    %mul3A = arith.constant 2 : i32
    %mul3A_0 = arith.muli %arg1, %mul3A : i32
    %add3A = arith.addi %mul3A_0, %arg0 : i32
    %mul3A_1 = arith.constant 50 : i32
    %mul3A_2 = arith.muli %add3A, %mul3A_1 : i32
    "tpu.region"() ({
      %run_scoped3A_46 = tpu.sem_alloc : memref<!tpu.dma_semaphore, #tpu.memory_space<semaphore_mem>>
      %dma_start3A_47 = arith.constant 0 : i32
      %dma_start3A_48 = arith.constant 0 : i32
      %dma_start3A_49 = tpu.memref_slice %arg7[%dma_start3A_47, %dma_start3A_48] : memref<55x128xi32, #tpu.memory_space<vmem>> -> memref<50x128xi32, #tpu.memory_space<vmem>>
      %dma_start3A_50 = arith.constant 0 : i32
      %dma_start3A_51 = tpu.memref_slice %arg3[%mul3A_2, %dma_start3A_50] : memref<1600x128xi32, #tpu.memory_space<hbm>> -> memref<50x128xi32, #tpu.memory_space<hbm>>
      %dma_start3A_52 = arith.constant 0 : i32
      %dma_start3A_53 = arith.constant 0 : i32
      %dma_start3A_54 = tpu.memref_slice %arg7[%dma_start3A_52, %dma_start3A_53] : memref<55x128xi32, #tpu.memory_space<vmem>> -> memref<50x128xi32, #tpu.memory_space<vmem>>
      %dma_start3A_55 = arith.constant 0 : i32
      %dma_start3A_56 = tpu.memref_slice %arg3[%mul3A_2, %dma_start3A_55] : memref<1600x128xi32, #tpu.memory_space<hbm>> -> memref<50x128xi32, #tpu.memory_space<hbm>>
      tpu.enqueue_dma source(%dma_start3A_56 : memref<50x128xi32, #tpu.memory_space<hbm>>) target(%dma_start3A_54 : memref<50x128xi32, #tpu.memory_space<vmem>>) target_semaphore(%run_scoped3A_46 : memref<!tpu.dma_semaphore, #tpu.memory_space<semaphore_mem>>)
      %dma_wait3A_57 = arith.constant 0 : i32
      %dma_wait3A_58 = arith.constant 0 : i32
      %dma_wait3A_59 = tpu.memref_slice %arg7[%dma_wait3A_57, %dma_wait3A_58] : memref<55x128xi32, #tpu.memory_space<vmem>> -> memref<50x128xi32, #tpu.memory_space<vmem>>
      %dma_wait3A_60 = arith.constant 0 : i32
      %dma_wait3A_61 = tpu.memref_slice %arg3[%mul3A_2, %dma_wait3A_60] : memref<1600x128xi32, #tpu.memory_space<hbm>> -> memref<50x128xi32, #tpu.memory_space<hbm>>
      %dma_wait3A_62 = arith.constant 0 : i32
      %dma_wait3A_63 = arith.constant 0 : i32
      %dma_wait3A_64 = tpu.memref_slice %arg7[%dma_wait3A_62, %dma_wait3A_63] : memref<55x128xi32, #tpu.memory_space<vmem>> -> memref<50x128xi32, #tpu.memory_space<vmem>>
      %dma_wait3A_65 = arith.constant 0 : i32
      %dma_wait3A_66 = tpu.memref_slice %arg3[%mul3A_2, %dma_wait3A_65] : memref<1600x128xi32, #tpu.memory_space<hbm>> -> memref<50x128xi32, #tpu.memory_space<hbm>>
      tpu.wait_dma2 semaphore(%run_scoped3A_46 : memref<!tpu.dma_semaphore, #tpu.memory_space<semaphore_mem>>) src(%dma_wait3A_66 : memref<50x128xi32, #tpu.memory_space<hbm>>) dst(%dma_wait3A_64 : memref<50x128xi32, #tpu.memory_space<vmem>>)
      tpu.yield
    }) : () -> ()
    %mul3A_3 = arith.constant 5 : i32
    %mul3A_4 = arith.muli %add3A, %mul3A_3 : i32
    "tpu.region"() ({
      %run_scoped3A_46 = tpu.sem_alloc : memref<!tpu.dma_semaphore, #tpu.memory_space<semaphore_mem>>
      %dma_start3A_47 = arith.constant 50 : i32
      %dma_start3A_48 = arith.constant 0 : i32
      %dma_start3A_49 = tpu.memref_slice %arg7[%dma_start3A_47, %dma_start3A_48] : memref<55x128xi32, #tpu.memory_space<vmem>> -> memref<5x128xi32, #tpu.memory_space<vmem>>
      %dma_start3A_50 = arith.constant 0 : i32
      %dma_start3A_51 = tpu.memref_slice %arg4[%mul3A_4, %dma_start3A_50] : memref<160x128xi32, #tpu.memory_space<hbm>> -> memref<5x128xi32, #tpu.memory_space<hbm>>
      %dma_start3A_52 = arith.constant 50 : i32
      %dma_start3A_53 = arith.constant 0 : i32
      %dma_start3A_54 = tpu.memref_slice %arg7[%dma_start3A_52, %dma_start3A_53] : memref<55x128xi32, #tpu.memory_space<vmem>> -> memref<5x128xi32, #tpu.memory_space<vmem>>
      %dma_start3A_55 = arith.constant 0 : i32
      %dma_start3A_56 = tpu.memref_slice %arg4[%mul3A_4, %dma_start3A_55] : memref<160x128xi32, #tpu.memory_space<hbm>> -> memref<5x128xi32, #tpu.memory_space<hbm>>
      tpu.enqueue_dma source(%dma_start3A_56 : memref<5x128xi32, #tpu.memory_space<hbm>>) target(%dma_start3A_54 : memref<5x128xi32, #tpu.memory_space<vmem>>) target_semaphore(%run_scoped3A_46 : memref<!tpu.dma_semaphore, #tpu.memory_space<semaphore_mem>>)
      %dma_wait3A_57 = arith.constant 50 : i32
      %dma_wait3A_58 = arith.constant 0 : i32
      %dma_wait3A_59 = tpu.memref_slice %arg7[%dma_wait3A_57, %dma_wait3A_58] : memref<55x128xi32, #tpu.memory_space<vmem>> -> memref<5x128xi32, #tpu.memory_space<vmem>>
      %dma_wait3A_60 = arith.constant 0 : i32
      %dma_wait3A_61 = tpu.memref_slice %arg4[%mul3A_4, %dma_wait3A_60] : memref<160x128xi32, #tpu.memory_space<hbm>> -> memref<5x128xi32, #tpu.memory_space<hbm>>
      %dma_wait3A_62 = arith.constant 50 : i32
      %dma_wait3A_63 = arith.constant 0 : i32
      %dma_wait3A_64 = tpu.memref_slice %arg7[%dma_wait3A_62, %dma_wait3A_63] : memref<55x128xi32, #tpu.memory_space<vmem>> -> memref<5x128xi32, #tpu.memory_space<vmem>>
      %dma_wait3A_65 = arith.constant 0 : i32
      %dma_wait3A_66 = tpu.memref_slice %arg4[%mul3A_4, %dma_wait3A_65] : memref<160x128xi32, #tpu.memory_space<hbm>> -> memref<5x128xi32, #tpu.memory_space<hbm>>
      tpu.wait_dma2 semaphore(%run_scoped3A_46 : memref<!tpu.dma_semaphore, #tpu.memory_space<semaphore_mem>>) src(%dma_wait3A_66 : memref<5x128xi32, #tpu.memory_space<hbm>>) dst(%dma_wait3A_64 : memref<5x128xi32, #tpu.memory_space<vmem>>)
      tpu.yield
    }) : () -> ()
    %mul3A_5 = arith.constant 50 : i32
    %mul3A_6 = arith.muli %add3A, %mul3A_5 : i32
    %scan3A = arith.constant 0 : i32
    %scan3A_7 = arith.constant 0 : i32
    %scan3A_8 = arith.constant 25 : i32
    %scan3A_9 = arith.addi %scan3A_7, %scan3A_8 : i32
    %scan3A_10 = arith.constant 1 : i32
    scf.for %scan3A_46 = %scan3A_7 to %scan3A_9 step %scan3A_10  : i32 {
      %mul3A_47 = arith.constant 2 : i32
      %mul3A_48 = arith.muli %scan3A_46, %mul3A_47 : i32
      %add3A_49 = arith.constant 0 : i32
      %add3A_50 = arith.addi %mul3A_48, %add3A_49 : i32
      %add3A_51 = arith.constant 0 : i32
      %add3A_52 = arith.addi %add3A_51, %add3A_50 : i32
      %dma_start3A_53 = arith.constant 0 : i32
      %dma_start3A_54 = arith.constant 0 : i32
      %dma_start3A_55 = arith.constant 0 : i32
      %dma_start3A_56 = tpu.memref_slice %arg8[%dma_start3A_53, %dma_start3A_54, %dma_start3A_55] : memref<2x128x64xf32, #tpu.memory_space<vmem>> -> memref<1x128x64xf32, #tpu.memory_space<vmem>>
      %dma_start3A_57 = tpu.memref_squeeze %dma_start3A_56 : memref<1x128x64xf32, #tpu.memory_space<vmem>> -> memref<128x64xf32, #tpu.memory_space<vmem>>
      %dma_start3A_58 = arith.constant 0 : i32
      %dma_start3A_59 = tpu.memref_slice %arg7[%add3A_52, %dma_start3A_58] : memref<55x128xi32, #tpu.memory_space<vmem>> -> memref<1x128xi32, #tpu.memory_space<vmem>>
      %dma_start3A_60 = tpu.memref_squeeze %dma_start3A_59 : memref<1x128xi32, #tpu.memory_space<vmem>> -> memref<128xi32, #tpu.memory_space<vmem>>
      %dma_start3A_61 = arith.constant 0 : i32
      %dma_start3A_62 = arith.constant 0 : i32
      %dma_start3A_63 = tpu.memref_slice %arg2[%dma_start3A_61, %dma_start3A_62] : memref<100000x64xf32, #tpu.memory_space<hbm>> -> memref<100000x64xf32, #tpu.memory_space<hbm>>
      tpu.enqueue_indirect_dma source(%dma_start3A_63 : memref<100000x64xf32, #tpu.memory_space<hbm>>) target(%dma_start3A_57 : memref<128x64xf32, #tpu.memory_space<vmem>>) offsets(%dma_start3A_60 : memref<128xi32, #tpu.memory_space<vmem>>) semaphore(%arg9 : memref<!tpu.dma_semaphore, #tpu.memory_space<semaphore_mem>>)
      %mul3A_64 = arith.constant 2 : i32
      %mul3A_65 = arith.muli %scan3A_46, %mul3A_64 : i32
      %add3A_66 = arith.constant 1 : i32
      %add3A_67 = arith.addi %mul3A_65, %add3A_66 : i32
      %add3A_68 = arith.constant 0 : i32
      %add3A_69 = arith.addi %add3A_68, %add3A_67 : i32
      %dma_start3A_70 = arith.constant 1 : i32
      %dma_start3A_71 = arith.constant 0 : i32
      %dma_start3A_72 = arith.constant 0 : i32
      %dma_start3A_73 = tpu.memref_slice %arg8[%dma_start3A_70, %dma_start3A_71, %dma_start3A_72] : memref<2x128x64xf32, #tpu.memory_space<vmem>> -> memref<1x128x64xf32, #tpu.memory_space<vmem>>
      %dma_start3A_74 = tpu.memref_squeeze %dma_start3A_73 : memref<1x128x64xf32, #tpu.memory_space<vmem>> -> memref<128x64xf32, #tpu.memory_space<vmem>>
      %dma_start3A_75 = arith.constant 0 : i32
      %dma_start3A_76 = tpu.memref_slice %arg7[%add3A_69, %dma_start3A_75] : memref<55x128xi32, #tpu.memory_space<vmem>> -> memref<1x128xi32, #tpu.memory_space<vmem>>
      %dma_start3A_77 = tpu.memref_squeeze %dma_start3A_76 : memref<1x128xi32, #tpu.memory_space<vmem>> -> memref<128xi32, #tpu.memory_space<vmem>>
      %dma_start3A_78 = arith.constant 0 : i32
      %dma_start3A_79 = arith.constant 0 : i32
      %dma_start3A_80 = tpu.memref_slice %arg2[%dma_start3A_78, %dma_start3A_79] : memref<100000x64xf32, #tpu.memory_space<hbm>> -> memref<100000x64xf32, #tpu.memory_space<hbm>>
      tpu.enqueue_indirect_dma source(%dma_start3A_80 : memref<100000x64xf32, #tpu.memory_space<hbm>>) target(%dma_start3A_74 : memref<128x64xf32, #tpu.memory_space<vmem>>) offsets(%dma_start3A_77 : memref<128xi32, #tpu.memory_space<vmem>>) semaphore(%arg10 : memref<!tpu.dma_semaphore, #tpu.memory_space<semaphore_mem>>)
      %mul3A_81 = arith.constant 2 : i32
      %mul3A_82 = arith.muli %scan3A_46, %mul3A_81 : i32
      %add3A_83 = arith.constant 0 : i32
      %add3A_84 = arith.addi %mul3A_82, %add3A_83 : i32
      %dma_wait3A_85 = arith.constant 0 : i32
      %dma_wait3A_86 = arith.constant 0 : i32
      %dma_wait3A_87 = arith.constant 0 : i32
      %dma_wait3A_88 = tpu.memref_slice %arg8[%dma_wait3A_85, %dma_wait3A_86, %dma_wait3A_87] : memref<2x128x64xf32, #tpu.memory_space<vmem>> -> memref<1x128x64xf32, #tpu.memory_space<vmem>>
      %dma_wait3A_89 = tpu.memref_squeeze %dma_wait3A_88 : memref<1x128x64xf32, #tpu.memory_space<vmem>> -> memref<128x64xf32, #tpu.memory_space<vmem>>
      %dma_wait3A_90 = arith.constant 0 : i32
      %dma_wait3A_91 = tpu.memref_slice %arg7[%add3A_52, %dma_wait3A_90] : memref<55x128xi32, #tpu.memory_space<vmem>> -> memref<1x128xi32, #tpu.memory_space<vmem>>
      %dma_wait3A_92 = tpu.memref_squeeze %dma_wait3A_91 : memref<1x128xi32, #tpu.memory_space<vmem>> -> memref<128xi32, #tpu.memory_space<vmem>>
      %dma_wait3A_93 = arith.constant 0 : i32
      %dma_wait3A_94 = arith.constant 0 : i32
      %dma_wait3A_95 = tpu.memref_slice %arg2[%dma_wait3A_93, %dma_wait3A_94] : memref<100000x64xf32, #tpu.memory_space<hbm>> -> memref<100000x64xf32, #tpu.memory_space<hbm>>
      tpu.wait_indirect_dma semaphore(%arg9 : memref<!tpu.dma_semaphore, #tpu.memory_space<semaphore_mem>>) src(%dma_wait3A_95 : memref<100000x64xf32, #tpu.memory_space<hbm>>) dst(%dma_wait3A_89 : memref<128x64xf32, #tpu.memory_space<vmem>>)
      %add3A_96 = arith.addi %mul3A_6, %add3A_84 : i32
      %mul3A_97 = arith.constant 128 : i32
      %mul3A_98 = arith.muli %add3A_96, %mul3A_97 : i32
      %run_scoped3A_99 = arith.constant 0 : i32
      "tpu.region"() ({
        %run_scoped3A_119 = tpu.sem_alloc : memref<!tpu.dma_semaphore, #tpu.memory_space<semaphore_mem>>
        %dma_start3A_120 = arith.constant 0 : i32
        %dma_start3A_121 = arith.constant 0 : i32
        %dma_start3A_122 = tpu.memref_slice %arg8[%run_scoped3A_99, %dma_start3A_120, %dma_start3A_121] : memref<2x128x64xf32, #tpu.memory_space<vmem>> -> memref<1x128x64xf32, #tpu.memory_space<vmem>>
        %dma_start3A_123 = tpu.memref_squeeze %dma_start3A_122 : memref<1x128x64xf32, #tpu.memory_space<vmem>> -> memref<128x64xf32, #tpu.memory_space<vmem>>
        %dma_start3A_124 = arith.constant 0 : i32
        %dma_start3A_125 = tpu.memref_slice %arg5[%mul3A_98, %dma_start3A_124] : memref<204800x64xf32, #tpu.memory_space<hbm>> -> memref<128x64xf32, #tpu.memory_space<hbm>>
        %dma_start3A_126 = arith.constant 0 : i32
        %dma_start3A_127 = tpu.memref_slice %arg5[%mul3A_98, %dma_start3A_126] : memref<204800x64xf32, #tpu.memory_space<hbm>> -> memref<128x64xf32, #tpu.memory_space<hbm>>
        %dma_start3A_128 = arith.constant 0 : i32
        %dma_start3A_129 = arith.constant 0 : i32
        %dma_start3A_130 = tpu.memref_slice %arg8[%run_scoped3A_99, %dma_start3A_128, %dma_start3A_129] : memref<2x128x64xf32, #tpu.memory_space<vmem>> -> memref<1x128x64xf32, #tpu.memory_space<vmem>>
        %dma_start3A_131 = tpu.memref_squeeze %dma_start3A_130 : memref<1x128x64xf32, #tpu.memory_space<vmem>> -> memref<128x64xf32, #tpu.memory_space<vmem>>
        tpu.enqueue_dma source(%dma_start3A_131 : memref<128x64xf32, #tpu.memory_space<vmem>>) target(%dma_start3A_127 : memref<128x64xf32, #tpu.memory_space<hbm>>) target_semaphore(%run_scoped3A_119 : memref<!tpu.dma_semaphore, #tpu.memory_space<semaphore_mem>>)
        %dma_wait3A_132 = arith.constant 0 : i32
        %dma_wait3A_133 = arith.constant 0 : i32
        %dma_wait3A_134 = tpu.memref_slice %arg8[%run_scoped3A_99, %dma_wait3A_132, %dma_wait3A_133] : memref<2x128x64xf32, #tpu.memory_space<vmem>> -> memref<1x128x64xf32, #tpu.memory_space<vmem>>
        %dma_wait3A_135 = tpu.memref_squeeze %dma_wait3A_134 : memref<1x128x64xf32, #tpu.memory_space<vmem>> -> memref<128x64xf32, #tpu.memory_space<vmem>>
        %dma_wait3A_136 = arith.constant 0 : i32
        %dma_wait3A_137 = tpu.memref_slice %arg5[%mul3A_98, %dma_wait3A_136] : memref<204800x64xf32, #tpu.memory_space<hbm>> -> memref<128x64xf32, #tpu.memory_space<hbm>>
        %dma_wait3A_138 = arith.constant 0 : i32
        %dma_wait3A_139 = tpu.memref_slice %arg5[%mul3A_98, %dma_wait3A_138] : memref<204800x64xf32, #tpu.memory_space<hbm>> -> memref<128x64xf32, #tpu.memory_space<hbm>>
        %dma_wait3A_140 = arith.constant 0 : i32
        %dma_wait3A_141 = arith.constant 0 : i32
        %dma_wait3A_142 = tpu.memref_slice %arg8[%run_scoped3A_99, %dma_wait3A_140, %dma_wait3A_141] : memref<2x128x64xf32, #tpu.memory_space<vmem>> -> memref<1x128x64xf32, #tpu.memory_space<vmem>>
        %dma_wait3A_143 = tpu.memref_squeeze %dma_wait3A_142 : memref<1x128x64xf32, #tpu.memory_space<vmem>> -> memref<128x64xf32, #tpu.memory_space<vmem>>
        tpu.wait_dma2 semaphore(%run_scoped3A_119 : memref<!tpu.dma_semaphore, #tpu.memory_space<semaphore_mem>>) src(%dma_wait3A_143 : memref<128x64xf32, #tpu.memory_space<vmem>>) dst(%dma_wait3A_139 : memref<128x64xf32, #tpu.memory_space<hbm>>)
        tpu.yield
      }) : () -> ()
      %mul3A_100 = arith.constant 2 : i32
      %mul3A_101 = arith.muli %scan3A_46, %mul3A_100 : i32
      %add3A_102 = arith.constant 1 : i32
      %add3A_103 = arith.addi %mul3A_101, %add3A_102 : i32
      %dma_wait3A_104 = arith.constant 1 : i32
      %dma_wait3A_105 = arith.constant 0 : i32
      %dma_wait3A_106 = arith.constant 0 : i32
      %dma_wait3A_107 = tpu.memref_slice %arg8[%dma_wait3A_104, %dma_wait3A_105, %dma_wait3A_106] : memref<2x128x64xf32, #tpu.memory_space<vmem>> -> memref<1x128x64xf32, #tpu.memory_space<vmem>>
      %dma_wait3A_108 = tpu.memref_squeeze %dma_wait3A_107 : memref<1x128x64xf32, #tpu.memory_space<vmem>> -> memref<128x64xf32, #tpu.memory_space<vmem>>
      %dma_wait3A_109 = arith.constant 0 : i32
      %dma_wait3A_110 = tpu.memref_slice %arg7[%add3A_69, %dma_wait3A_109] : memref<55x128xi32, #tpu.memory_space<vmem>> -> memref<1x128xi32, #tpu.memory_space<vmem>>
      %dma_wait3A_111 = tpu.memref_squeeze %dma_wait3A_110 : memref<1x128xi32, #tpu.memory_space<vmem>> -> memref<128xi32, #tpu.memory_space<vmem>>
      %dma_wait3A_112 = arith.constant 0 : i32
      %dma_wait3A_113 = arith.constant 0 : i32
      %dma_wait3A_114 = tpu.memref_slice %arg2[%dma_wait3A_112, %dma_wait3A_113] : memref<100000x64xf32, #tpu.memory_space<hbm>> -> memref<100000x64xf32, #tpu.memory_space<hbm>>
      tpu.wait_indirect_dma semaphore(%arg10 : memref<!tpu.dma_semaphore, #tpu.memory_space<semaphore_mem>>) src(%dma_wait3A_114 : memref<100000x64xf32, #tpu.memory_space<hbm>>) dst(%dma_wait3A_108 : memref<128x64xf32, #tpu.memory_space<vmem>>)
      %add3A_115 = arith.addi %mul3A_6, %add3A_103 : i32
      %mul3A_116 = arith.constant 128 : i32
      %mul3A_117 = arith.muli %add3A_115, %mul3A_116 : i32
      %run_scoped3A_118 = arith.constant 1 : i32
      "tpu.region"() ({
        %run_scoped3A_119 = tpu.sem_alloc : memref<!tpu.dma_semaphore, #tpu.memory_space<semaphore_mem>>
        %dma_start3A_120 = arith.constant 0 : i32
        %dma_start3A_121 = arith.constant 0 : i32
        %dma_start3A_122 = tpu.memref_slice %arg8[%run_scoped3A_118, %dma_start3A_120, %dma_start3A_121] : memref<2x128x64xf32, #tpu.memory_space<vmem>> -> memref<1x128x64xf32, #tpu.memory_space<vmem>>
        %dma_start3A_123 = tpu.memref_squeeze %dma_start3A_122 : memref<1x128x64xf32, #tpu.memory_space<vmem>> -> memref<128x64xf32, #tpu.memory_space<vmem>>
        %dma_start3A_124 = arith.constant 0 : i32
        %dma_start3A_125 = tpu.memref_slice %arg5[%mul3A_117, %dma_start3A_124] : memref<204800x64xf32, #tpu.memory_space<hbm>> -> memref<128x64xf32, #tpu.memory_space<hbm>>
        %dma_start3A_126 = arith.constant 0 : i32
        %dma_start3A_127 = tpu.memref_slice %arg5[%mul3A_117, %dma_start3A_126] : memref<204800x64xf32, #tpu.memory_space<hbm>> -> memref<128x64xf32, #tpu.memory_space<hbm>>
        %dma_start3A_128 = arith.constant 0 : i32
        %dma_start3A_129 = arith.constant 0 : i32
        %dma_start3A_130 = tpu.memref_slice %arg8[%run_scoped3A_118, %dma_start3A_128, %dma_start3A_129] : memref<2x128x64xf32, #tpu.memory_space<vmem>> -> memref<1x128x64xf32, #tpu.memory_space<vmem>>
        %dma_start3A_131 = tpu.memref_squeeze %dma_start3A_130 : memref<1x128x64xf32, #tpu.memory_space<vmem>> -> memref<128x64xf32, #tpu.memory_space<vmem>>
        tpu.enqueue_dma source(%dma_start3A_131 : memref<128x64xf32, #tpu.memory_space<vmem>>) target(%dma_start3A_127 : memref<128x64xf32, #tpu.memory_space<hbm>>) target_semaphore(%run_scoped3A_119 : memref<!tpu.dma_semaphore, #tpu.memory_space<semaphore_mem>>)
        %dma_wait3A_132 = arith.constant 0 : i32
        %dma_wait3A_133 = arith.constant 0 : i32
        %dma_wait3A_134 = tpu.memref_slice %arg8[%run_scoped3A_118, %dma_wait3A_132, %dma_wait3A_133] : memref<2x128x64xf32, #tpu.memory_space<vmem>> -> memref<1x128x64xf32, #tpu.memory_space<vmem>>
        %dma_wait3A_135 = tpu.memref_squeeze %dma_wait3A_134 : memref<1x128x64xf32, #tpu.memory_space<vmem>> -> memref<128x64xf32, #tpu.memory_space<vmem>>
        %dma_wait3A_136 = arith.constant 0 : i32
        %dma_wait3A_137 = tpu.memref_slice %arg5[%mul3A_117, %dma_wait3A_136] : memref<204800x64xf32, #tpu.memory_space<hbm>> -> memref<128x64xf32, #tpu.memory_space<hbm>>
        %dma_wait3A_138 = arith.constant 0 : i32
        %dma_wait3A_139 = tpu.memref_slice %arg5[%mul3A_117, %dma_wait3A_138] : memref<204800x64xf32, #tpu.memory_space<hbm>> -> memref<128x64xf32, #tpu.memory_space<hbm>>
        %dma_wait3A_140 = arith.constant 0 : i32
        %dma_wait3A_141 = arith.constant 0 : i32
        %dma_wait3A_142 = tpu.memref_slice %arg8[%run_scoped3A_118, %dma_wait3A_140, %dma_wait3A_141] : memref<2x128x64xf32, #tpu.memory_space<vmem>> -> memref<1x128x64xf32, #tpu.memory_space<vmem>>
        %dma_wait3A_143 = tpu.memref_squeeze %dma_wait3A_142 : memref<1x128x64xf32, #tpu.memory_space<vmem>> -> memref<128x64xf32, #tpu.memory_space<vmem>>
        tpu.wait_dma2 semaphore(%run_scoped3A_119 : memref<!tpu.dma_semaphore, #tpu.memory_space<semaphore_mem>>) src(%dma_wait3A_143 : memref<128x64xf32, #tpu.memory_space<vmem>>) dst(%dma_wait3A_139 : memref<128x64xf32, #tpu.memory_space<hbm>>)
        tpu.yield
      }) : () -> ()
    }
    %scan3A_11 = arith.constant 25 : i32
    %mul3A_12 = arith.constant 5 : i32
    %mul3A_13 = arith.muli %add3A, %mul3A_12 : i32
    %scan3A_14 = arith.constant 0 : i32
    %scan3A_15 = arith.constant 0 : i32
    %scan3A_16 = arith.constant 2 : i32
    %scan3A_17 = arith.addi %scan3A_15, %scan3A_16 : i32
    %scan3A_18 = arith.constant 1 : i32
    scf.for %scan3A_46 = %scan3A_15 to %scan3A_17 step %scan3A_18  : i32 {
      %mul3A_47 = arith.constant 2 : i32
      %mul3A_48 = arith.muli %scan3A_46, %mul3A_47 : i32
      %add3A_49 = arith.constant 0 : i32
      %add3A_50 = arith.addi %mul3A_48, %add3A_49 : i32
      %add3A_51 = arith.constant 50 : i32
      %add3A_52 = arith.addi %add3A_51, %add3A_50 : i32
      %dma_start3A_53 = arith.constant 0 : i32
      %dma_start3A_54 = arith.constant 0 : i32
      %dma_start3A_55 = arith.constant 0 : i32
      %dma_start3A_56 = tpu.memref_slice %arg8[%dma_start3A_53, %dma_start3A_54, %dma_start3A_55] : memref<2x128x64xf32, #tpu.memory_space<vmem>> -> memref<1x128x64xf32, #tpu.memory_space<vmem>>
      %dma_start3A_57 = tpu.memref_squeeze %dma_start3A_56 : memref<1x128x64xf32, #tpu.memory_space<vmem>> -> memref<128x64xf32, #tpu.memory_space<vmem>>
      %dma_start3A_58 = arith.constant 0 : i32
      %dma_start3A_59 = tpu.memref_slice %arg7[%add3A_52, %dma_start3A_58] : memref<55x128xi32, #tpu.memory_space<vmem>> -> memref<1x128xi32, #tpu.memory_space<vmem>>
      %dma_start3A_60 = tpu.memref_squeeze %dma_start3A_59 : memref<1x128xi32, #tpu.memory_space<vmem>> -> memref<128xi32, #tpu.memory_space<vmem>>
      %dma_start3A_61 = arith.constant 0 : i32
      %dma_start3A_62 = arith.constant 0 : i32
      %dma_start3A_63 = tpu.memref_slice %arg2[%dma_start3A_61, %dma_start3A_62] : memref<100000x64xf32, #tpu.memory_space<hbm>> -> memref<100000x64xf32, #tpu.memory_space<hbm>>
      tpu.enqueue_indirect_dma source(%dma_start3A_63 : memref<100000x64xf32, #tpu.memory_space<hbm>>) target(%dma_start3A_57 : memref<128x64xf32, #tpu.memory_space<vmem>>) offsets(%dma_start3A_60 : memref<128xi32, #tpu.memory_space<vmem>>) semaphore(%arg9 : memref<!tpu.dma_semaphore, #tpu.memory_space<semaphore_mem>>)
      %mul3A_64 = arith.constant 2 : i32
      %mul3A_65 = arith.muli %scan3A_46, %mul3A_64 : i32
      %add3A_66 = arith.constant 1 : i32
      %add3A_67 = arith.addi %mul3A_65, %add3A_66 : i32
      %add3A_68 = arith.constant 50 : i32
      %add3A_69 = arith.addi %add3A_68, %add3A_67 : i32
      %dma_start3A_70 = arith.constant 1 : i32
      %dma_start3A_71 = arith.constant 0 : i32
      %dma_start3A_72 = arith.constant 0 : i32
      %dma_start3A_73 = tpu.memref_slice %arg8[%dma_start3A_70, %dma_start3A_71, %dma_start3A_72] : memref<2x128x64xf32, #tpu.memory_space<vmem>> -> memref<1x128x64xf32, #tpu.memory_space<vmem>>
      %dma_start3A_74 = tpu.memref_squeeze %dma_start3A_73 : memref<1x128x64xf32, #tpu.memory_space<vmem>> -> memref<128x64xf32, #tpu.memory_space<vmem>>
      %dma_start3A_75 = arith.constant 0 : i32
      %dma_start3A_76 = tpu.memref_slice %arg7[%add3A_69, %dma_start3A_75] : memref<55x128xi32, #tpu.memory_space<vmem>> -> memref<1x128xi32, #tpu.memory_space<vmem>>
      %dma_start3A_77 = tpu.memref_squeeze %dma_start3A_76 : memref<1x128xi32, #tpu.memory_space<vmem>> -> memref<128xi32, #tpu.memory_space<vmem>>
      %dma_start3A_78 = arith.constant 0 : i32
      %dma_start3A_79 = arith.constant 0 : i32
      %dma_start3A_80 = tpu.memref_slice %arg2[%dma_start3A_78, %dma_start3A_79] : memref<100000x64xf32, #tpu.memory_space<hbm>> -> memref<100000x64xf32, #tpu.memory_space<hbm>>
      tpu.enqueue_indirect_dma source(%dma_start3A_80 : memref<100000x64xf32, #tpu.memory_space<hbm>>) target(%dma_start3A_74 : memref<128x64xf32, #tpu.memory_space<vmem>>) offsets(%dma_start3A_77 : memref<128xi32, #tpu.memory_space<vmem>>) semaphore(%arg10 : memref<!tpu.dma_semaphore, #tpu.memory_space<semaphore_mem>>)
      %mul3A_81 = arith.constant 2 : i32
      %mul3A_82 = arith.muli %scan3A_46, %mul3A_81 : i32
      %add3A_83 = arith.constant 0 : i32
      %add3A_84 = arith.addi %mul3A_82, %add3A_83 : i32
      %dma_wait3A_85 = arith.constant 0 : i32
      %dma_wait3A_86 = arith.constant 0 : i32
      %dma_wait3A_87 = arith.constant 0 : i32
      %dma_wait3A_88 = tpu.memref_slice %arg8[%dma_wait3A_85, %dma_wait3A_86, %dma_wait3A_87] : memref<2x128x64xf32, #tpu.memory_space<vmem>> -> memref<1x128x64xf32, #tpu.memory_space<vmem>>
      %dma_wait3A_89 = tpu.memref_squeeze %dma_wait3A_88 : memref<1x128x64xf32, #tpu.memory_space<vmem>> -> memref<128x64xf32, #tpu.memory_space<vmem>>
      %dma_wait3A_90 = arith.constant 0 : i32
      %dma_wait3A_91 = tpu.memref_slice %arg7[%add3A_52, %dma_wait3A_90] : memref<55x128xi32, #tpu.memory_space<vmem>> -> memref<1x128xi32, #tpu.memory_space<vmem>>
      %dma_wait3A_92 = tpu.memref_squeeze %dma_wait3A_91 : memref<1x128xi32, #tpu.memory_space<vmem>> -> memref<128xi32, #tpu.memory_space<vmem>>
      %dma_wait3A_93 = arith.constant 0 : i32
      %dma_wait3A_94 = arith.constant 0 : i32
      %dma_wait3A_95 = tpu.memref_slice %arg2[%dma_wait3A_93, %dma_wait3A_94] : memref<100000x64xf32, #tpu.memory_space<hbm>> -> memref<100000x64xf32, #tpu.memory_space<hbm>>
      tpu.wait_indirect_dma semaphore(%arg9 : memref<!tpu.dma_semaphore, #tpu.memory_space<semaphore_mem>>) src(%dma_wait3A_95 : memref<100000x64xf32, #tpu.memory_space<hbm>>) dst(%dma_wait3A_89 : memref<128x64xf32, #tpu.memory_space<vmem>>)
      %add3A_96 = arith.addi %mul3A_13, %add3A_84 : i32
      %mul3A_97 = arith.constant 128 : i32
      %mul3A_98 = arith.muli %add3A_96, %mul3A_97 : i32
      %run_scoped3A_99 = arith.constant 0 : i32
      "tpu.region"() ({
        %run_scoped3A_119 = tpu.sem_alloc : memref<!tpu.dma_semaphore, #tpu.memory_space<semaphore_mem>>
        %dma_start3A_120 = arith.constant 0 : i32
        %dma_start3A_121 = arith.constant 0 : i32
        %dma_start3A_122 = tpu.memref_slice %arg8[%run_scoped3A_99, %dma_start3A_120, %dma_start3A_121] : memref<2x128x64xf32, #tpu.memory_space<vmem>> -> memref<1x128x64xf32, #tpu.memory_space<vmem>>
        %dma_start3A_123 = tpu.memref_squeeze %dma_start3A_122 : memref<1x128x64xf32, #tpu.memory_space<vmem>> -> memref<128x64xf32, #tpu.memory_space<vmem>>
        %dma_start3A_124 = arith.constant 0 : i32
        %dma_start3A_125 = tpu.memref_slice %arg6[%mul3A_98, %dma_start3A_124] : memref<20480x64xf32, #tpu.memory_space<hbm>> -> memref<128x64xf32, #tpu.memory_space<hbm>>
        %dma_start3A_126 = arith.constant 0 : i32
        %dma_start3A_127 = tpu.memref_slice %arg6[%mul3A_98, %dma_start3A_126] : memref<20480x64xf32, #tpu.memory_space<hbm>> -> memref<128x64xf32, #tpu.memory_space<hbm>>
        %dma_start3A_128 = arith.constant 0 : i32
        %dma_start3A_129 = arith.constant 0 : i32
        %dma_start3A_130 = tpu.memref_slice %arg8[%run_scoped3A_99, %dma_start3A_128, %dma_start3A_129] : memref<2x128x64xf32, #tpu.memory_space<vmem>> -> memref<1x128x64xf32, #tpu.memory_space<vmem>>
        %dma_start3A_131 = tpu.memref_squeeze %dma_start3A_130 : memref<1x128x64xf32, #tpu.memory_space<vmem>> -> memref<128x64xf32, #tpu.memory_space<vmem>>
        tpu.enqueue_dma source(%dma_start3A_131 : memref<128x64xf32, #tpu.memory_space<vmem>>) target(%dma_start3A_127 : memref<128x64xf32, #tpu.memory_space<hbm>>) target_semaphore(%run_scoped3A_119 : memref<!tpu.dma_semaphore, #tpu.memory_space<semaphore_mem>>)
        %dma_wait3A_132 = arith.constant 0 : i32
        %dma_wait3A_133 = arith.constant 0 : i32
        %dma_wait3A_134 = tpu.memref_slice %arg8[%run_scoped3A_99, %dma_wait3A_132, %dma_wait3A_133] : memref<2x128x64xf32, #tpu.memory_space<vmem>> -> memref<1x128x64xf32, #tpu.memory_space<vmem>>
        %dma_wait3A_135 = tpu.memref_squeeze %dma_wait3A_134 : memref<1x128x64xf32, #tpu.memory_space<vmem>> -> memref<128x64xf32, #tpu.memory_space<vmem>>
        %dma_wait3A_136 = arith.constant 0 : i32
        %dma_wait3A_137 = tpu.memref_slice %arg6[%mul3A_98, %dma_wait3A_136] : memref<20480x64xf32, #tpu.memory_space<hbm>> -> memref<128x64xf32, #tpu.memory_space<hbm>>
        %dma_wait3A_138 = arith.constant 0 : i32
        %dma_wait3A_139 = tpu.memref_slice %arg6[%mul3A_98, %dma_wait3A_138] : memref<20480x64xf32, #tpu.memory_space<hbm>> -> memref<128x64xf32, #tpu.memory_space<hbm>>
        %dma_wait3A_140 = arith.constant 0 : i32
        %dma_wait3A_141 = arith.constant 0 : i32
        %dma_wait3A_142 = tpu.memref_slice %arg8[%run_scoped3A_99, %dma_wait3A_140, %dma_wait3A_141] : memref<2x128x64xf32, #tpu.memory_space<vmem>> -> memref<1x128x64xf32, #tpu.memory_space<vmem>>
        %dma_wait3A_143 = tpu.memref_squeeze %dma_wait3A_142 : memref<1x128x64xf32, #tpu.memory_space<vmem>> -> memref<128x64xf32, #tpu.memory_space<vmem>>
        tpu.wait_dma2 semaphore(%run_scoped3A_119 : memref<!tpu.dma_semaphore, #tpu.memory_space<semaphore_mem>>) src(%dma_wait3A_143 : memref<128x64xf32, #tpu.memory_space<vmem>>) dst(%dma_wait3A_139 : memref<128x64xf32, #tpu.memory_space<hbm>>)
        tpu.yield
      }) : () -> ()
      %mul3A_100 = arith.constant 2 : i32
      %mul3A_101 = arith.muli %scan3A_46, %mul3A_100 : i32
      %add3A_102 = arith.constant 1 : i32
      %add3A_103 = arith.addi %mul3A_101, %add3A_102 : i32
      %dma_wait3A_104 = arith.constant 1 : i32
      %dma_wait3A_105 = arith.constant 0 : i32
      %dma_wait3A_106 = arith.constant 0 : i32
      %dma_wait3A_107 = tpu.memref_slice %arg8[%dma_wait3A_104, %dma_wait3A_105, %dma_wait3A_106] : memref<2x128x64xf32, #tpu.memory_space<vmem>> -> memref<1x128x64xf32, #tpu.memory_space<vmem>>
      %dma_wait3A_108 = tpu.memref_squeeze %dma_wait3A_107 : memref<1x128x64xf32, #tpu.memory_space<vmem>> -> memref<128x64xf32, #tpu.memory_space<vmem>>
      %dma_wait3A_109 = arith.constant 0 : i32
      %dma_wait3A_110 = tpu.memref_slice %arg7[%add3A_69, %dma_wait3A_109] : memref<55x128xi32, #tpu.memory_space<vmem>> -> memref<1x128xi32, #tpu.memory_space<vmem>>
      %dma_wait3A_111 = tpu.memref_squeeze %dma_wait3A_110 : memref<1x128xi32, #tpu.memory_space<vmem>> -> memref<128xi32, #tpu.memory_space<vmem>>
      %dma_wait3A_112 = arith.constant 0 : i32
      %dma_wait3A_113 = arith.constant 0 : i32
      %dma_wait3A_114 = tpu.memref_slice %arg2[%dma_wait3A_112, %dma_wait3A_113] : memref<100000x64xf32, #tpu.memory_space<hbm>> -> memref<100000x64xf32, #tpu.memory_space<hbm>>
      tpu.wait_indirect_dma semaphore(%arg10 : memref<!tpu.dma_semaphore, #tpu.memory_space<semaphore_mem>>) src(%dma_wait3A_114 : memref<100000x64xf32, #tpu.memory_space<hbm>>) dst(%dma_wait3A_108 : memref<128x64xf32, #tpu.memory_space<vmem>>)
      %add3A_115 = arith.addi %mul3A_13, %add3A_103 : i32
      %mul3A_116 = arith.constant 128 : i32
      %mul3A_117 = arith.muli %add3A_115, %mul3A_116 : i32
      %run_scoped3A_118 = arith.constant 1 : i32
      "tpu.region"() ({
        %run_scoped3A_119 = tpu.sem_alloc : memref<!tpu.dma_semaphore, #tpu.memory_space<semaphore_mem>>
        %dma_start3A_120 = arith.constant 0 : i32
        %dma_start3A_121 = arith.constant 0 : i32
        %dma_start3A_122 = tpu.memref_slice %arg8[%run_scoped3A_118, %dma_start3A_120, %dma_start3A_121] : memref<2x128x64xf32, #tpu.memory_space<vmem>> -> memref<1x128x64xf32, #tpu.memory_space<vmem>>
        %dma_start3A_123 = tpu.memref_squeeze %dma_start3A_122 : memref<1x128x64xf32, #tpu.memory_space<vmem>> -> memref<128x64xf32, #tpu.memory_space<vmem>>
        %dma_start3A_124 = arith.constant 0 : i32
        %dma_start3A_125 = tpu.memref_slice %arg6[%mul3A_117, %dma_start3A_124] : memref<20480x64xf32, #tpu.memory_space<hbm>> -> memref<128x64xf32, #tpu.memory_space<hbm>>
        %dma_start3A_126 = arith.constant 0 : i32
        %dma_start3A_127 = tpu.memref_slice %arg6[%mul3A_117, %dma_start3A_126] : memref<20480x64xf32, #tpu.memory_space<hbm>> -> memref<128x64xf32, #tpu.memory_space<hbm>>
        %dma_start3A_128 = arith.constant 0 : i32
        %dma_start3A_129 = arith.constant 0 : i32
        %dma_start3A_130 = tpu.memref_slice %arg8[%run_scoped3A_118, %dma_start3A_128, %dma_start3A_129] : memref<2x128x64xf32, #tpu.memory_space<vmem>> -> memref<1x128x64xf32, #tpu.memory_space<vmem>>
        %dma_start3A_131 = tpu.memref_squeeze %dma_start3A_130 : memref<1x128x64xf32, #tpu.memory_space<vmem>> -> memref<128x64xf32, #tpu.memory_space<vmem>>
        tpu.enqueue_dma source(%dma_start3A_131 : memref<128x64xf32, #tpu.memory_space<vmem>>) target(%dma_start3A_127 : memref<128x64xf32, #tpu.memory_space<hbm>>) target_semaphore(%run_scoped3A_119 : memref<!tpu.dma_semaphore, #tpu.memory_space<semaphore_mem>>)
        %dma_wait3A_132 = arith.constant 0 : i32
        %dma_wait3A_133 = arith.constant 0 : i32
        %dma_wait3A_134 = tpu.memref_slice %arg8[%run_scoped3A_118, %dma_wait3A_132, %dma_wait3A_133] : memref<2x128x64xf32, #tpu.memory_space<vmem>> -> memref<1x128x64xf32, #tpu.memory_space<vmem>>
        %dma_wait3A_135 = tpu.memref_squeeze %dma_wait3A_134 : memref<1x128x64xf32, #tpu.memory_space<vmem>> -> memref<128x64xf32, #tpu.memory_space<vmem>>
        %dma_wait3A_136 = arith.constant 0 : i32
        %dma_wait3A_137 = tpu.memref_slice %arg6[%mul3A_117, %dma_wait3A_136] : memref<20480x64xf32, #tpu.memory_space<hbm>> -> memref<128x64xf32, #tpu.memory_space<hbm>>
        %dma_wait3A_138 = arith.constant 0 : i32
        %dma_wait3A_139 = tpu.memref_slice %arg6[%mul3A_117, %dma_wait3A_138] : memref<20480x64xf32, #tpu.memory_space<hbm>> -> memref<128x64xf32, #tpu.memory_space<hbm>>
        %dma_wait3A_140 = arith.constant 0 : i32
        %dma_wait3A_141 = arith.constant 0 : i32
        %dma_wait3A_142 = tpu.memref_slice %arg8[%run_scoped3A_118, %dma_wait3A_140, %dma_wait3A_141] : memref<2x128x64xf32, #tpu.memory_space<vmem>> -> memref<1x128x64xf32, #tpu.memory_space<vmem>>
        %dma_wait3A_143 = tpu.memref_squeeze %dma_wait3A_142 : memref<1x128x64xf32, #tpu.memory_space<vmem>> -> memref<128x64xf32, #tpu.memory_space<vmem>>
        tpu.wait_dma2 semaphore(%run_scoped3A_119 : memref<!tpu.dma_semaphore, #tpu.memory_space<semaphore_mem>>) src(%dma_wait3A_143 : memref<128x64xf32, #tpu.memory_space<vmem>>) dst(%dma_wait3A_139 : memref<128x64xf32, #tpu.memory_space<hbm>>)
        tpu.yield
      }) : () -> ()
    }
    %scan3A_19 = arith.constant 2 : i32
    %dma_start3A = arith.constant 54 : i32
    %dma_start3A_20 = arith.constant 0 : i32
    %dma_start3A_21 = arith.constant 0 : i32
    %dma_start3A_22 = arith.constant 0 : i32
    %dma_start3A_23 = tpu.memref_slice %arg8[%dma_start3A_20, %dma_start3A_21, %dma_start3A_22] : memref<2x128x64xf32, #tpu.memory_space<vmem>> -> memref<1x128x64xf32, #tpu.memory_space<vmem>>
    %dma_start3A_24 = tpu.memref_squeeze %dma_start3A_23 : memref<1x128x64xf32, #tpu.memory_space<vmem>> -> memref<128x64xf32, #tpu.memory_space<vmem>>
    %dma_start3A_25 = arith.constant 0 : i32
    %dma_start3A_26 = tpu.memref_slice %arg7[%dma_start3A, %dma_start3A_25] : memref<55x128xi32, #tpu.memory_space<vmem>> -> memref<1x128xi32, #tpu.memory_space<vmem>>
    %dma_start3A_27 = tpu.memref_squeeze %dma_start3A_26 : memref<1x128xi32, #tpu.memory_space<vmem>> -> memref<128xi32, #tpu.memory_space<vmem>>
    %dma_start3A_28 = arith.constant 0 : i32
    %dma_start3A_29 = arith.constant 0 : i32
    %dma_start3A_30 = tpu.memref_slice %arg2[%dma_start3A_28, %dma_start3A_29] : memref<100000x64xf32, #tpu.memory_space<hbm>> -> memref<100000x64xf32, #tpu.memory_space<hbm>>
    tpu.enqueue_indirect_dma source(%dma_start3A_30 : memref<100000x64xf32, #tpu.memory_space<hbm>>) target(%dma_start3A_24 : memref<128x64xf32, #tpu.memory_space<vmem>>) offsets(%dma_start3A_27 : memref<128xi32, #tpu.memory_space<vmem>>) semaphore(%arg9 : memref<!tpu.dma_semaphore, #tpu.memory_space<semaphore_mem>>)
    %dma_wait3A = arith.constant 54 : i32
    %dma_wait3A_31 = arith.constant 0 : i32
    %dma_wait3A_32 = arith.constant 0 : i32
    %dma_wait3A_33 = arith.constant 0 : i32
    %dma_wait3A_34 = tpu.memref_slice %arg8[%dma_wait3A_31, %dma_wait3A_32, %dma_wait3A_33] : memref<2x128x64xf32, #tpu.memory_space<vmem>> -> memref<1x128x64xf32, #tpu.memory_space<vmem>>
    %dma_wait3A_35 = tpu.memref_squeeze %dma_wait3A_34 : memref<1x128x64xf32, #tpu.memory_space<vmem>> -> memref<128x64xf32, #tpu.memory_space<vmem>>
    %dma_wait3A_36 = arith.constant 0 : i32
    %dma_wait3A_37 = tpu.memref_slice %arg7[%dma_wait3A, %dma_wait3A_36] : memref<55x128xi32, #tpu.memory_space<vmem>> -> memref<1x128xi32, #tpu.memory_space<vmem>>
    %dma_wait3A_38 = tpu.memref_squeeze %dma_wait3A_37 : memref<1x128xi32, #tpu.memory_space<vmem>> -> memref<128xi32, #tpu.memory_space<vmem>>
    %dma_wait3A_39 = arith.constant 0 : i32
    %dma_wait3A_40 = arith.constant 0 : i32
    %dma_wait3A_41 = tpu.memref_slice %arg2[%dma_wait3A_39, %dma_wait3A_40] : memref<100000x64xf32, #tpu.memory_space<hbm>> -> memref<100000x64xf32, #tpu.memory_space<hbm>>
    tpu.wait_indirect_dma semaphore(%arg9 : memref<!tpu.dma_semaphore, #tpu.memory_space<semaphore_mem>>) src(%dma_wait3A_41 : memref<100000x64xf32, #tpu.memory_space<hbm>>) dst(%dma_wait3A_35 : memref<128x64xf32, #tpu.memory_space<vmem>>)
    %add3A_42 = arith.constant 4 : i32
    %add3A_43 = arith.addi %mul3A_13, %add3A_42 : i32
    %mul3A_44 = arith.constant 128 : i32
    %mul3A_45 = arith.muli %add3A_43, %mul3A_44 : i32
    %run_scoped3A = arith.constant 0 : i32
    "tpu.region"() ({
      %run_scoped3A_46 = tpu.sem_alloc : memref<!tpu.dma_semaphore, #tpu.memory_space<semaphore_mem>>
      %dma_start3A_47 = arith.constant 0 : i32
      %dma_start3A_48 = arith.constant 0 : i32
      %dma_start3A_49 = tpu.memref_slice %arg8[%run_scoped3A, %dma_start3A_47, %dma_start3A_48] : memref<2x128x64xf32, #tpu.memory_space<vmem>> -> memref<1x128x64xf32, #tpu.memory_space<vmem>>
      %dma_start3A_50 = tpu.memref_squeeze %dma_start3A_49 : memref<1x128x64xf32, #tpu.memory_space<vmem>> -> memref<128x64xf32, #tpu.memory_space<vmem>>
      %dma_start3A_51 = arith.constant 0 : i32
      %dma_start3A_52 = tpu.memref_slice %arg6[%mul3A_45, %dma_start3A_51] : memref<20480x64xf32, #tpu.memory_space<hbm>> -> memref<128x64xf32, #tpu.memory_space<hbm>>
      %dma_start3A_53 = arith.constant 0 : i32
      %dma_start3A_54 = tpu.memref_slice %arg6[%mul3A_45, %dma_start3A_53] : memref<20480x64xf32, #tpu.memory_space<hbm>> -> memref<128x64xf32, #tpu.memory_space<hbm>>
      %dma_start3A_55 = arith.constant 0 : i32
      %dma_start3A_56 = arith.constant 0 : i32
      %dma_start3A_57 = tpu.memref_slice %arg8[%run_scoped3A, %dma_start3A_55, %dma_start3A_56] : memref<2x128x64xf32, #tpu.memory_space<vmem>> -> memref<1x128x64xf32, #tpu.memory_space<vmem>>
      %dma_start3A_58 = tpu.memref_squeeze %dma_start3A_57 : memref<1x128x64xf32, #tpu.memory_space<vmem>> -> memref<128x64xf32, #tpu.memory_space<vmem>>
      tpu.enqueue_dma source(%dma_start3A_58 : memref<128x64xf32, #tpu.memory_space<vmem>>) target(%dma_start3A_54 : memref<128x64xf32, #tpu.memory_space<hbm>>) target_semaphore(%run_scoped3A_46 : memref<!tpu.dma_semaphore, #tpu.memory_space<semaphore_mem>>)
      %dma_wait3A_59 = arith.constant 0 : i32
      %dma_wait3A_60 = arith.constant 0 : i32
      %dma_wait3A_61 = tpu.memref_slice %arg8[%run_scoped3A, %dma_wait3A_59, %dma_wait3A_60] : memref<2x128x64xf32, #tpu.memory_space<vmem>> -> memref<1x128x64xf32, #tpu.memory_space<vmem>>
      %dma_wait3A_62 = tpu.memref_squeeze %dma_wait3A_61 : memref<1x128x64xf32, #tpu.memory_space<vmem>> -> memref<128x64xf32, #tpu.memory_space<vmem>>
      %dma_wait3A_63 = arith.constant 0 : i32
      %dma_wait3A_64 = tpu.memref_slice %arg6[%mul3A_45, %dma_wait3A_63] : memref<20480x64xf32, #tpu.memory_space<hbm>> -> memref<128x64xf32, #tpu.memory_space<hbm>>
      %dma_wait3A_65 = arith.constant 0 : i32
      %dma_wait3A_66 = tpu.memref_slice %arg6[%mul3A_45, %dma_wait3A_65] : memref<20480x64xf32, #tpu.memory_space<hbm>> -> memref<128x64xf32, #tpu.memory_space<hbm>>
      %dma_wait3A_67 = arith.constant 0 : i32
      %dma_wait3A_68 = arith.constant 0 : i32
      %dma_wait3A_69 = tpu.memref_slice %arg8[%run_scoped3A, %dma_wait3A_67, %dma_wait3A_68] : memref<2x128x64xf32, #tpu.memory_space<vmem>> -> memref<1x128x64xf32, #tpu.memory_space<vmem>>
      %dma_wait3A_70 = tpu.memref_squeeze %dma_wait3A_69 : memref<1x128x64xf32, #tpu.memory_space<vmem>> -> memref<128x64xf32, #tpu.memory_space<vmem>>
      tpu.wait_dma2 semaphore(%run_scoped3A_46 : memref<!tpu.dma_semaphore, #tpu.memory_space<semaphore_mem>>) src(%dma_wait3A_70 : memref<128x64xf32, #tpu.memory_space<vmem>>) dst(%dma_wait3A_66 : memref<128x64xf32, #tpu.memory_space<hbm>>)
      tpu.yield
    }) : () -> ()
    return
  }
}

#map = affine_map<(d0, d1) -> (0, 0)>
module attributes {stable_mosaic.version = 14 : i64} {
  func.func @k(%arg0: i32, %arg1: i32, %arg2: memref<1000000x64xf32, #tpu.memory_space<hbm>>, %arg3: memref<1600x128xi32, #tpu.memory_space<hbm>>, %arg4: memref<1600x128xi32, #tpu.memory_space<hbm>>, %arg5: memref<32x128xi32, #tpu.memory_space<hbm>>, %arg6: memref<204800x64xf32, #tpu.memory_space<hbm>>, %arg7: memref<204800x64xf32, #tpu.memory_space<hbm>>, %arg8: memref<4096x64xf32, #tpu.memory_space<hbm>>, %arg9: memref<101x128xi32, #tpu.memory_space<vmem>>, %arg10: memref<2x128x64xf32, #tpu.memory_space<vmem>>, %arg11: memref<!tpu.dma_semaphore, #tpu.memory_space<semaphore_mem>>, %arg12: memref<!tpu.dma_semaphore, #tpu.memory_space<semaphore_mem>>) attributes {dimension_semantics = [#tpu.dimension_semantics<core_parallel>, #tpu.dimension_semantics<subcore_parallel>], iteration_bounds = array<i64: 2, 16>, scalar_prefetch = 0 : i64, scratch_operands = 4 : i64, tpu.core_type = #tpu.core_type<sc_vector_subcore>, window_params = [{transform_indices = #map}, {transform_indices = #map}, {transform_indices = #map}, {transform_indices = #map}, {transform_indices = #map}, {transform_indices = #map}, {transform_indices = #map}]} {
    %mul3A = arith.constant 2 : i32
    %mul3A_0 = arith.muli %arg1, %mul3A : i32
    %add3A = arith.addi %mul3A_0, %arg0 : i32
    %mul3A_1 = arith.constant 50 : i32
    %mul3A_2 = arith.muli %add3A, %mul3A_1 : i32
    "tpu.region"() ({
      %run_scoped3A_50 = tpu.sem_alloc : memref<!tpu.dma_semaphore, #tpu.memory_space<semaphore_mem>>
      %dma_start3A_51 = arith.constant 0 : i32
      %dma_start3A_52 = arith.constant 0 : i32
      %dma_start3A_53 = tpu.memref_slice %arg9[%dma_start3A_51, %dma_start3A_52] : memref<101x128xi32, #tpu.memory_space<vmem>> -> memref<50x128xi32, #tpu.memory_space<vmem>>
      %dma_start3A_54 = arith.constant 0 : i32
      %dma_start3A_55 = tpu.memref_slice %arg3[%mul3A_2, %dma_start3A_54] : memref<1600x128xi32, #tpu.memory_space<hbm>> -> memref<50x128xi32, #tpu.memory_space<hbm>>
      %dma_start3A_56 = arith.constant 0 : i32
      %dma_start3A_57 = arith.constant 0 : i32
      %dma_start3A_58 = tpu.memref_slice %arg9[%dma_start3A_56, %dma_start3A_57] : memref<101x128xi32, #tpu.memory_space<vmem>> -> memref<50x128xi32, #tpu.memory_space<vmem>>
      %dma_start3A_59 = arith.constant 0 : i32
      %dma_start3A_60 = tpu.memref_slice %arg3[%mul3A_2, %dma_start3A_59] : memref<1600x128xi32, #tpu.memory_space<hbm>> -> memref<50x128xi32, #tpu.memory_space<hbm>>
      tpu.enqueue_dma source(%dma_start3A_60 : memref<50x128xi32, #tpu.memory_space<hbm>>) target(%dma_start3A_58 : memref<50x128xi32, #tpu.memory_space<vmem>>) target_semaphore(%run_scoped3A_50 : memref<!tpu.dma_semaphore, #tpu.memory_space<semaphore_mem>>)
      %dma_wait3A_61 = arith.constant 0 : i32
      %dma_wait3A_62 = arith.constant 0 : i32
      %dma_wait3A_63 = tpu.memref_slice %arg9[%dma_wait3A_61, %dma_wait3A_62] : memref<101x128xi32, #tpu.memory_space<vmem>> -> memref<50x128xi32, #tpu.memory_space<vmem>>
      %dma_wait3A_64 = arith.constant 0 : i32
      %dma_wait3A_65 = tpu.memref_slice %arg3[%mul3A_2, %dma_wait3A_64] : memref<1600x128xi32, #tpu.memory_space<hbm>> -> memref<50x128xi32, #tpu.memory_space<hbm>>
      %dma_wait3A_66 = arith.constant 0 : i32
      %dma_wait3A_67 = arith.constant 0 : i32
      %dma_wait3A_68 = tpu.memref_slice %arg9[%dma_wait3A_66, %dma_wait3A_67] : memref<101x128xi32, #tpu.memory_space<vmem>> -> memref<50x128xi32, #tpu.memory_space<vmem>>
      %dma_wait3A_69 = arith.constant 0 : i32
      %dma_wait3A_70 = tpu.memref_slice %arg3[%mul3A_2, %dma_wait3A_69] : memref<1600x128xi32, #tpu.memory_space<hbm>> -> memref<50x128xi32, #tpu.memory_space<hbm>>
      tpu.wait_dma2 semaphore(%run_scoped3A_50 : memref<!tpu.dma_semaphore, #tpu.memory_space<semaphore_mem>>) src(%dma_wait3A_70 : memref<50x128xi32, #tpu.memory_space<hbm>>) dst(%dma_wait3A_68 : memref<50x128xi32, #tpu.memory_space<vmem>>)
      tpu.yield
    }) : () -> ()
    %mul3A_3 = arith.constant 50 : i32
    %mul3A_4 = arith.muli %add3A, %mul3A_3 : i32
    "tpu.region"() ({
      %run_scoped3A_50 = tpu.sem_alloc : memref<!tpu.dma_semaphore, #tpu.memory_space<semaphore_mem>>
      %dma_start3A_51 = arith.constant 50 : i32
      %dma_start3A_52 = arith.constant 0 : i32
      %dma_start3A_53 = tpu.memref_slice %arg9[%dma_start3A_51, %dma_start3A_52] : memref<101x128xi32, #tpu.memory_space<vmem>> -> memref<50x128xi32, #tpu.memory_space<vmem>>
      %dma_start3A_54 = arith.constant 0 : i32
      %dma_start3A_55 = tpu.memref_slice %arg4[%mul3A_4, %dma_start3A_54] : memref<1600x128xi32, #tpu.memory_space<hbm>> -> memref<50x128xi32, #tpu.memory_space<hbm>>
      %dma_start3A_56 = arith.constant 50 : i32
      %dma_start3A_57 = arith.constant 0 : i32
      %dma_start3A_58 = tpu.memref_slice %arg9[%dma_start3A_56, %dma_start3A_57] : memref<101x128xi32, #tpu.memory_space<vmem>> -> memref<50x128xi32, #tpu.memory_space<vmem>>
      %dma_start3A_59 = arith.constant 0 : i32
      %dma_start3A_60 = tpu.memref_slice %arg4[%mul3A_4, %dma_start3A_59] : memref<1600x128xi32, #tpu.memory_space<hbm>> -> memref<50x128xi32, #tpu.memory_space<hbm>>
      tpu.enqueue_dma source(%dma_start3A_60 : memref<50x128xi32, #tpu.memory_space<hbm>>) target(%dma_start3A_58 : memref<50x128xi32, #tpu.memory_space<vmem>>) target_semaphore(%run_scoped3A_50 : memref<!tpu.dma_semaphore, #tpu.memory_space<semaphore_mem>>)
      %dma_wait3A_61 = arith.constant 50 : i32
      %dma_wait3A_62 = arith.constant 0 : i32
      %dma_wait3A_63 = tpu.memref_slice %arg9[%dma_wait3A_61, %dma_wait3A_62] : memref<101x128xi32, #tpu.memory_space<vmem>> -> memref<50x128xi32, #tpu.memory_space<vmem>>
      %dma_wait3A_64 = arith.constant 0 : i32
      %dma_wait3A_65 = tpu.memref_slice %arg4[%mul3A_4, %dma_wait3A_64] : memref<1600x128xi32, #tpu.memory_space<hbm>> -> memref<50x128xi32, #tpu.memory_space<hbm>>
      %dma_wait3A_66 = arith.constant 50 : i32
      %dma_wait3A_67 = arith.constant 0 : i32
      %dma_wait3A_68 = tpu.memref_slice %arg9[%dma_wait3A_66, %dma_wait3A_67] : memref<101x128xi32, #tpu.memory_space<vmem>> -> memref<50x128xi32, #tpu.memory_space<vmem>>
      %dma_wait3A_69 = arith.constant 0 : i32
      %dma_wait3A_70 = tpu.memref_slice %arg4[%mul3A_4, %dma_wait3A_69] : memref<1600x128xi32, #tpu.memory_space<hbm>> -> memref<50x128xi32, #tpu.memory_space<hbm>>
      tpu.wait_dma2 semaphore(%run_scoped3A_50 : memref<!tpu.dma_semaphore, #tpu.memory_space<semaphore_mem>>) src(%dma_wait3A_70 : memref<50x128xi32, #tpu.memory_space<hbm>>) dst(%dma_wait3A_68 : memref<50x128xi32, #tpu.memory_space<vmem>>)
      tpu.yield
    }) : () -> ()
    %mul3A_5 = arith.constant 1 : i32
    %mul3A_6 = arith.muli %add3A, %mul3A_5 : i32
    "tpu.region"() ({
      %run_scoped3A_50 = tpu.sem_alloc : memref<!tpu.dma_semaphore, #tpu.memory_space<semaphore_mem>>
      %dma_start3A_51 = arith.constant 100 : i32
      %dma_start3A_52 = arith.constant 0 : i32
      %dma_start3A_53 = tpu.memref_slice %arg9[%dma_start3A_51, %dma_start3A_52] : memref<101x128xi32, #tpu.memory_space<vmem>> -> memref<1x128xi32, #tpu.memory_space<vmem>>
      %dma_start3A_54 = arith.constant 0 : i32
      %dma_start3A_55 = tpu.memref_slice %arg5[%mul3A_6, %dma_start3A_54] : memref<32x128xi32, #tpu.memory_space<hbm>> -> memref<1x128xi32, #tpu.memory_space<hbm>>
      %dma_start3A_56 = arith.constant 100 : i32
      %dma_start3A_57 = arith.constant 0 : i32
      %dma_start3A_58 = tpu.memref_slice %arg9[%dma_start3A_56, %dma_start3A_57] : memref<101x128xi32, #tpu.memory_space<vmem>> -> memref<1x128xi32, #tpu.memory_space<vmem>>
      %dma_start3A_59 = arith.constant 0 : i32
      %dma_start3A_60 = tpu.memref_slice %arg5[%mul3A_6, %dma_start3A_59] : memref<32x128xi32, #tpu.memory_space<hbm>> -> memref<1x128xi32, #tpu.memory_space<hbm>>
      tpu.enqueue_dma source(%dma_start3A_60 : memref<1x128xi32, #tpu.memory_space<hbm>>) target(%dma_start3A_58 : memref<1x128xi32, #tpu.memory_space<vmem>>) target_semaphore(%run_scoped3A_50 : memref<!tpu.dma_semaphore, #tpu.memory_space<semaphore_mem>>)
      %dma_wait3A_61 = arith.constant 100 : i32
      %dma_wait3A_62 = arith.constant 0 : i32
      %dma_wait3A_63 = tpu.memref_slice %arg9[%dma_wait3A_61, %dma_wait3A_62] : memref<101x128xi32, #tpu.memory_space<vmem>> -> memref<1x128xi32, #tpu.memory_space<vmem>>
      %dma_wait3A_64 = arith.constant 0 : i32
      %dma_wait3A_65 = tpu.memref_slice %arg5[%mul3A_6, %dma_wait3A_64] : memref<32x128xi32, #tpu.memory_space<hbm>> -> memref<1x128xi32, #tpu.memory_space<hbm>>
      %dma_wait3A_66 = arith.constant 100 : i32
      %dma_wait3A_67 = arith.constant 0 : i32
      %dma_wait3A_68 = tpu.memref_slice %arg9[%dma_wait3A_66, %dma_wait3A_67] : memref<101x128xi32, #tpu.memory_space<vmem>> -> memref<1x128xi32, #tpu.memory_space<vmem>>
      %dma_wait3A_69 = arith.constant 0 : i32
      %dma_wait3A_70 = tpu.memref_slice %arg5[%mul3A_6, %dma_wait3A_69] : memref<32x128xi32, #tpu.memory_space<hbm>> -> memref<1x128xi32, #tpu.memory_space<hbm>>
      tpu.wait_dma2 semaphore(%run_scoped3A_50 : memref<!tpu.dma_semaphore, #tpu.memory_space<semaphore_mem>>) src(%dma_wait3A_70 : memref<1x128xi32, #tpu.memory_space<hbm>>) dst(%dma_wait3A_68 : memref<1x128xi32, #tpu.memory_space<vmem>>)
      tpu.yield
    }) : () -> ()
    %mul3A_7 = arith.constant 50 : i32
    %mul3A_8 = arith.muli %add3A, %mul3A_7 : i32
    %scan3A = arith.constant 0 : i32
    %scan3A_9 = arith.constant 0 : i32
    %scan3A_10 = arith.constant 25 : i32
    %scan3A_11 = arith.addi %scan3A_9, %scan3A_10 : i32
    %scan3A_12 = arith.constant 1 : i32
    scf.for %scan3A_50 = %scan3A_9 to %scan3A_11 step %scan3A_12  : i32 {
      %mul3A_51 = arith.constant 2 : i32
      %mul3A_52 = arith.muli %scan3A_50, %mul3A_51 : i32
      %add3A_53 = arith.constant 0 : i32
      %add3A_54 = arith.addi %mul3A_52, %add3A_53 : i32
      %add3A_55 = arith.constant 0 : i32
      %add3A_56 = arith.addi %add3A_55, %add3A_54 : i32
      %dma_start3A_57 = arith.constant 0 : i32
      %dma_start3A_58 = arith.constant 0 : i32
      %dma_start3A_59 = arith.constant 0 : i32
      %dma_start3A_60 = tpu.memref_slice %arg10[%dma_start3A_57, %dma_start3A_58, %dma_start3A_59] : memref<2x128x64xf32, #tpu.memory_space<vmem>> -> memref<1x128x64xf32, #tpu.memory_space<vmem>>
      %dma_start3A_61 = tpu.memref_squeeze %dma_start3A_60 : memref<1x128x64xf32, #tpu.memory_space<vmem>> -> memref<128x64xf32, #tpu.memory_space<vmem>>
      %dma_start3A_62 = arith.constant 0 : i32
      %dma_start3A_63 = tpu.memref_slice %arg9[%add3A_56, %dma_start3A_62] : memref<101x128xi32, #tpu.memory_space<vmem>> -> memref<1x128xi32, #tpu.memory_space<vmem>>
      %dma_start3A_64 = tpu.memref_squeeze %dma_start3A_63 : memref<1x128xi32, #tpu.memory_space<vmem>> -> memref<128xi32, #tpu.memory_space<vmem>>
      %dma_start3A_65 = arith.constant 0 : i32
      %dma_start3A_66 = arith.constant 0 : i32
      %dma_start3A_67 = tpu.memref_slice %arg2[%dma_start3A_65, %dma_start3A_66] : memref<1000000x64xf32, #tpu.memory_space<hbm>> -> memref<1000000x64xf32, #tpu.memory_space<hbm>>
      tpu.enqueue_indirect_dma source(%dma_start3A_67 : memref<1000000x64xf32, #tpu.memory_space<hbm>>) target(%dma_start3A_61 : memref<128x64xf32, #tpu.memory_space<vmem>>) offsets(%dma_start3A_64 : memref<128xi32, #tpu.memory_space<vmem>>) semaphore(%arg11 : memref<!tpu.dma_semaphore, #tpu.memory_space<semaphore_mem>>)
      %mul3A_68 = arith.constant 2 : i32
      %mul3A_69 = arith.muli %scan3A_50, %mul3A_68 : i32
      %add3A_70 = arith.constant 1 : i32
      %add3A_71 = arith.addi %mul3A_69, %add3A_70 : i32
      %add3A_72 = arith.constant 0 : i32
      %add3A_73 = arith.addi %add3A_72, %add3A_71 : i32
      %dma_start3A_74 = arith.constant 1 : i32
      %dma_start3A_75 = arith.constant 0 : i32
      %dma_start3A_76 = arith.constant 0 : i32
      %dma_start3A_77 = tpu.memref_slice %arg10[%dma_start3A_74, %dma_start3A_75, %dma_start3A_76] : memref<2x128x64xf32, #tpu.memory_space<vmem>> -> memref<1x128x64xf32, #tpu.memory_space<vmem>>
      %dma_start3A_78 = tpu.memref_squeeze %dma_start3A_77 : memref<1x128x64xf32, #tpu.memory_space<vmem>> -> memref<128x64xf32, #tpu.memory_space<vmem>>
      %dma_start3A_79 = arith.constant 0 : i32
      %dma_start3A_80 = tpu.memref_slice %arg9[%add3A_73, %dma_start3A_79] : memref<101x128xi32, #tpu.memory_space<vmem>> -> memref<1x128xi32, #tpu.memory_space<vmem>>
      %dma_start3A_81 = tpu.memref_squeeze %dma_start3A_80 : memref<1x128xi32, #tpu.memory_space<vmem>> -> memref<128xi32, #tpu.memory_space<vmem>>
      %dma_start3A_82 = arith.constant 0 : i32
      %dma_start3A_83 = arith.constant 0 : i32
      %dma_start3A_84 = tpu.memref_slice %arg2[%dma_start3A_82, %dma_start3A_83] : memref<1000000x64xf32, #tpu.memory_space<hbm>> -> memref<1000000x64xf32, #tpu.memory_space<hbm>>
      tpu.enqueue_indirect_dma source(%dma_start3A_84 : memref<1000000x64xf32, #tpu.memory_space<hbm>>) target(%dma_start3A_78 : memref<128x64xf32, #tpu.memory_space<vmem>>) offsets(%dma_start3A_81 : memref<128xi32, #tpu.memory_space<vmem>>) semaphore(%arg12 : memref<!tpu.dma_semaphore, #tpu.memory_space<semaphore_mem>>)
      %mul3A_85 = arith.constant 2 : i32
      %mul3A_86 = arith.muli %scan3A_50, %mul3A_85 : i32
      %add3A_87 = arith.constant 0 : i32
      %add3A_88 = arith.addi %mul3A_86, %add3A_87 : i32
      %dma_wait3A_89 = arith.constant 0 : i32
      %dma_wait3A_90 = arith.constant 0 : i32
      %dma_wait3A_91 = arith.constant 0 : i32
      %dma_wait3A_92 = tpu.memref_slice %arg10[%dma_wait3A_89, %dma_wait3A_90, %dma_wait3A_91] : memref<2x128x64xf32, #tpu.memory_space<vmem>> -> memref<1x128x64xf32, #tpu.memory_space<vmem>>
      %dma_wait3A_93 = tpu.memref_squeeze %dma_wait3A_92 : memref<1x128x64xf32, #tpu.memory_space<vmem>> -> memref<128x64xf32, #tpu.memory_space<vmem>>
      %dma_wait3A_94 = arith.constant 0 : i32
      %dma_wait3A_95 = tpu.memref_slice %arg9[%add3A_56, %dma_wait3A_94] : memref<101x128xi32, #tpu.memory_space<vmem>> -> memref<1x128xi32, #tpu.memory_space<vmem>>
      %dma_wait3A_96 = tpu.memref_squeeze %dma_wait3A_95 : memref<1x128xi32, #tpu.memory_space<vmem>> -> memref<128xi32, #tpu.memory_space<vmem>>
      %dma_wait3A_97 = arith.constant 0 : i32
      %dma_wait3A_98 = arith.constant 0 : i32
      %dma_wait3A_99 = tpu.memref_slice %arg2[%dma_wait3A_97, %dma_wait3A_98] : memref<1000000x64xf32, #tpu.memory_space<hbm>> -> memref<1000000x64xf32, #tpu.memory_space<hbm>>
      tpu.wait_indirect_dma semaphore(%arg11 : memref<!tpu.dma_semaphore, #tpu.memory_space<semaphore_mem>>) src(%dma_wait3A_99 : memref<1000000x64xf32, #tpu.memory_space<hbm>>) dst(%dma_wait3A_93 : memref<128x64xf32, #tpu.memory_space<vmem>>)
      %add3A_100 = arith.addi %mul3A_8, %add3A_88 : i32
      %mul3A_101 = arith.constant 128 : i32
      %mul3A_102 = arith.muli %add3A_100, %mul3A_101 : i32
      %run_scoped3A_103 = arith.constant 0 : i32
      "tpu.region"() ({
        %run_scoped3A_123 = tpu.sem_alloc : memref<!tpu.dma_semaphore, #tpu.memory_space<semaphore_mem>>
        %dma_start3A_124 = arith.constant 0 : i32
        %dma_start3A_125 = arith.constant 0 : i32
        %dma_start3A_126 = tpu.memref_slice %arg10[%run_scoped3A_103, %dma_start3A_124, %dma_start3A_125] : memref<2x128x64xf32, #tpu.memory_space<vmem>> -> memref<1x128x64xf32, #tpu.memory_space<vmem>>
        %dma_start3A_127 = tpu.memref_squeeze %dma_start3A_126 : memref<1x128x64xf32, #tpu.memory_space<vmem>> -> memref<128x64xf32, #tpu.memory_space<vmem>>
        %dma_start3A_128 = arith.constant 0 : i32
        %dma_start3A_129 = tpu.memref_slice %arg6[%mul3A_102, %dma_start3A_128] : memref<204800x64xf32, #tpu.memory_space<hbm>> -> memref<128x64xf32, #tpu.memory_space<hbm>>
        %dma_start3A_130 = arith.constant 0 : i32
        %dma_start3A_131 = tpu.memref_slice %arg6[%mul3A_102, %dma_start3A_130] : memref<204800x64xf32, #tpu.memory_space<hbm>> -> memref<128x64xf32, #tpu.memory_space<hbm>>
        %dma_start3A_132 = arith.constant 0 : i32
        %dma_start3A_133 = arith.constant 0 : i32
        %dma_start3A_134 = tpu.memref_slice %arg10[%run_scoped3A_103, %dma_start3A_132, %dma_start3A_133] : memref<2x128x64xf32, #tpu.memory_space<vmem>> -> memref<1x128x64xf32, #tpu.memory_space<vmem>>
        %dma_start3A_135 = tpu.memref_squeeze %dma_start3A_134 : memref<1x128x64xf32, #tpu.memory_space<vmem>> -> memref<128x64xf32, #tpu.memory_space<vmem>>
        tpu.enqueue_dma source(%dma_start3A_135 : memref<128x64xf32, #tpu.memory_space<vmem>>) target(%dma_start3A_131 : memref<128x64xf32, #tpu.memory_space<hbm>>) target_semaphore(%run_scoped3A_123 : memref<!tpu.dma_semaphore, #tpu.memory_space<semaphore_mem>>)
        %dma_wait3A_136 = arith.constant 0 : i32
        %dma_wait3A_137 = arith.constant 0 : i32
        %dma_wait3A_138 = tpu.memref_slice %arg10[%run_scoped3A_103, %dma_wait3A_136, %dma_wait3A_137] : memref<2x128x64xf32, #tpu.memory_space<vmem>> -> memref<1x128x64xf32, #tpu.memory_space<vmem>>
        %dma_wait3A_139 = tpu.memref_squeeze %dma_wait3A_138 : memref<1x128x64xf32, #tpu.memory_space<vmem>> -> memref<128x64xf32, #tpu.memory_space<vmem>>
        %dma_wait3A_140 = arith.constant 0 : i32
        %dma_wait3A_141 = tpu.memref_slice %arg6[%mul3A_102, %dma_wait3A_140] : memref<204800x64xf32, #tpu.memory_space<hbm>> -> memref<128x64xf32, #tpu.memory_space<hbm>>
        %dma_wait3A_142 = arith.constant 0 : i32
        %dma_wait3A_143 = tpu.memref_slice %arg6[%mul3A_102, %dma_wait3A_142] : memref<204800x64xf32, #tpu.memory_space<hbm>> -> memref<128x64xf32, #tpu.memory_space<hbm>>
        %dma_wait3A_144 = arith.constant 0 : i32
        %dma_wait3A_145 = arith.constant 0 : i32
        %dma_wait3A_146 = tpu.memref_slice %arg10[%run_scoped3A_103, %dma_wait3A_144, %dma_wait3A_145] : memref<2x128x64xf32, #tpu.memory_space<vmem>> -> memref<1x128x64xf32, #tpu.memory_space<vmem>>
        %dma_wait3A_147 = tpu.memref_squeeze %dma_wait3A_146 : memref<1x128x64xf32, #tpu.memory_space<vmem>> -> memref<128x64xf32, #tpu.memory_space<vmem>>
        tpu.wait_dma2 semaphore(%run_scoped3A_123 : memref<!tpu.dma_semaphore, #tpu.memory_space<semaphore_mem>>) src(%dma_wait3A_147 : memref<128x64xf32, #tpu.memory_space<vmem>>) dst(%dma_wait3A_143 : memref<128x64xf32, #tpu.memory_space<hbm>>)
        tpu.yield
      }) : () -> ()
      %mul3A_104 = arith.constant 2 : i32
      %mul3A_105 = arith.muli %scan3A_50, %mul3A_104 : i32
      %add3A_106 = arith.constant 1 : i32
      %add3A_107 = arith.addi %mul3A_105, %add3A_106 : i32
      %dma_wait3A_108 = arith.constant 1 : i32
      %dma_wait3A_109 = arith.constant 0 : i32
      %dma_wait3A_110 = arith.constant 0 : i32
      %dma_wait3A_111 = tpu.memref_slice %arg10[%dma_wait3A_108, %dma_wait3A_109, %dma_wait3A_110] : memref<2x128x64xf32, #tpu.memory_space<vmem>> -> memref<1x128x64xf32, #tpu.memory_space<vmem>>
      %dma_wait3A_112 = tpu.memref_squeeze %dma_wait3A_111 : memref<1x128x64xf32, #tpu.memory_space<vmem>> -> memref<128x64xf32, #tpu.memory_space<vmem>>
      %dma_wait3A_113 = arith.constant 0 : i32
      %dma_wait3A_114 = tpu.memref_slice %arg9[%add3A_73, %dma_wait3A_113] : memref<101x128xi32, #tpu.memory_space<vmem>> -> memref<1x128xi32, #tpu.memory_space<vmem>>
      %dma_wait3A_115 = tpu.memref_squeeze %dma_wait3A_114 : memref<1x128xi32, #tpu.memory_space<vmem>> -> memref<128xi32, #tpu.memory_space<vmem>>
      %dma_wait3A_116 = arith.constant 0 : i32
      %dma_wait3A_117 = arith.constant 0 : i32
      %dma_wait3A_118 = tpu.memref_slice %arg2[%dma_wait3A_116, %dma_wait3A_117] : memref<1000000x64xf32, #tpu.memory_space<hbm>> -> memref<1000000x64xf32, #tpu.memory_space<hbm>>
      tpu.wait_indirect_dma semaphore(%arg12 : memref<!tpu.dma_semaphore, #tpu.memory_space<semaphore_mem>>) src(%dma_wait3A_118 : memref<1000000x64xf32, #tpu.memory_space<hbm>>) dst(%dma_wait3A_112 : memref<128x64xf32, #tpu.memory_space<vmem>>)
      %add3A_119 = arith.addi %mul3A_8, %add3A_107 : i32
      %mul3A_120 = arith.constant 128 : i32
      %mul3A_121 = arith.muli %add3A_119, %mul3A_120 : i32
      %run_scoped3A_122 = arith.constant 1 : i32
      "tpu.region"() ({
        %run_scoped3A_123 = tpu.sem_alloc : memref<!tpu.dma_semaphore, #tpu.memory_space<semaphore_mem>>
        %dma_start3A_124 = arith.constant 0 : i32
        %dma_start3A_125 = arith.constant 0 : i32
        %dma_start3A_126 = tpu.memref_slice %arg10[%run_scoped3A_122, %dma_start3A_124, %dma_start3A_125] : memref<2x128x64xf32, #tpu.memory_space<vmem>> -> memref<1x128x64xf32, #tpu.memory_space<vmem>>
        %dma_start3A_127 = tpu.memref_squeeze %dma_start3A_126 : memref<1x128x64xf32, #tpu.memory_space<vmem>> -> memref<128x64xf32, #tpu.memory_space<vmem>>
        %dma_start3A_128 = arith.constant 0 : i32
        %dma_start3A_129 = tpu.memref_slice %arg6[%mul3A_121, %dma_start3A_128] : memref<204800x64xf32, #tpu.memory_space<hbm>> -> memref<128x64xf32, #tpu.memory_space<hbm>>
        %dma_start3A_130 = arith.constant 0 : i32
        %dma_start3A_131 = tpu.memref_slice %arg6[%mul3A_121, %dma_start3A_130] : memref<204800x64xf32, #tpu.memory_space<hbm>> -> memref<128x64xf32, #tpu.memory_space<hbm>>
        %dma_start3A_132 = arith.constant 0 : i32
        %dma_start3A_133 = arith.constant 0 : i32
        %dma_start3A_134 = tpu.memref_slice %arg10[%run_scoped3A_122, %dma_start3A_132, %dma_start3A_133] : memref<2x128x64xf32, #tpu.memory_space<vmem>> -> memref<1x128x64xf32, #tpu.memory_space<vmem>>
        %dma_start3A_135 = tpu.memref_squeeze %dma_start3A_134 : memref<1x128x64xf32, #tpu.memory_space<vmem>> -> memref<128x64xf32, #tpu.memory_space<vmem>>
        tpu.enqueue_dma source(%dma_start3A_135 : memref<128x64xf32, #tpu.memory_space<vmem>>) target(%dma_start3A_131 : memref<128x64xf32, #tpu.memory_space<hbm>>) target_semaphore(%run_scoped3A_123 : memref<!tpu.dma_semaphore, #tpu.memory_space<semaphore_mem>>)
        %dma_wait3A_136 = arith.constant 0 : i32
        %dma_wait3A_137 = arith.constant 0 : i32
        %dma_wait3A_138 = tpu.memref_slice %arg10[%run_scoped3A_122, %dma_wait3A_136, %dma_wait3A_137] : memref<2x128x64xf32, #tpu.memory_space<vmem>> -> memref<1x128x64xf32, #tpu.memory_space<vmem>>
        %dma_wait3A_139 = tpu.memref_squeeze %dma_wait3A_138 : memref<1x128x64xf32, #tpu.memory_space<vmem>> -> memref<128x64xf32, #tpu.memory_space<vmem>>
        %dma_wait3A_140 = arith.constant 0 : i32
        %dma_wait3A_141 = tpu.memref_slice %arg6[%mul3A_121, %dma_wait3A_140] : memref<204800x64xf32, #tpu.memory_space<hbm>> -> memref<128x64xf32, #tpu.memory_space<hbm>>
        %dma_wait3A_142 = arith.constant 0 : i32
        %dma_wait3A_143 = tpu.memref_slice %arg6[%mul3A_121, %dma_wait3A_142] : memref<204800x64xf32, #tpu.memory_space<hbm>> -> memref<128x64xf32, #tpu.memory_space<hbm>>
        %dma_wait3A_144 = arith.constant 0 : i32
        %dma_wait3A_145 = arith.constant 0 : i32
        %dma_wait3A_146 = tpu.memref_slice %arg10[%run_scoped3A_122, %dma_wait3A_144, %dma_wait3A_145] : memref<2x128x64xf32, #tpu.memory_space<vmem>> -> memref<1x128x64xf32, #tpu.memory_space<vmem>>
        %dma_wait3A_147 = tpu.memref_squeeze %dma_wait3A_146 : memref<1x128x64xf32, #tpu.memory_space<vmem>> -> memref<128x64xf32, #tpu.memory_space<vmem>>
        tpu.wait_dma2 semaphore(%run_scoped3A_123 : memref<!tpu.dma_semaphore, #tpu.memory_space<semaphore_mem>>) src(%dma_wait3A_147 : memref<128x64xf32, #tpu.memory_space<vmem>>) dst(%dma_wait3A_143 : memref<128x64xf32, #tpu.memory_space<hbm>>)
        tpu.yield
      }) : () -> ()
    }
    %scan3A_13 = arith.constant 25 : i32
    %mul3A_14 = arith.constant 50 : i32
    %mul3A_15 = arith.muli %add3A, %mul3A_14 : i32
    %scan3A_16 = arith.constant 0 : i32
    %scan3A_17 = arith.constant 0 : i32
    %scan3A_18 = arith.constant 25 : i32
    %scan3A_19 = arith.addi %scan3A_17, %scan3A_18 : i32
    %scan3A_20 = arith.constant 1 : i32
    scf.for %scan3A_50 = %scan3A_17 to %scan3A_19 step %scan3A_20  : i32 {
      %mul3A_51 = arith.constant 2 : i32
      %mul3A_52 = arith.muli %scan3A_50, %mul3A_51 : i32
      %add3A_53 = arith.constant 0 : i32
      %add3A_54 = arith.addi %mul3A_52, %add3A_53 : i32
      %add3A_55 = arith.constant 50 : i32
      %add3A_56 = arith.addi %add3A_55, %add3A_54 : i32
      %dma_start3A_57 = arith.constant 0 : i32
      %dma_start3A_58 = arith.constant 0 : i32
      %dma_start3A_59 = arith.constant 0 : i32
      %dma_start3A_60 = tpu.memref_slice %arg10[%dma_start3A_57, %dma_start3A_58, %dma_start3A_59] : memref<2x128x64xf32, #tpu.memory_space<vmem>> -> memref<1x128x64xf32, #tpu.memory_space<vmem>>
      %dma_start3A_61 = tpu.memref_squeeze %dma_start3A_60 : memref<1x128x64xf32, #tpu.memory_space<vmem>> -> memref<128x64xf32, #tpu.memory_space<vmem>>
      %dma_start3A_62 = arith.constant 0 : i32
      %dma_start3A_63 = tpu.memref_slice %arg9[%add3A_56, %dma_start3A_62] : memref<101x128xi32, #tpu.memory_space<vmem>> -> memref<1x128xi32, #tpu.memory_space<vmem>>
      %dma_start3A_64 = tpu.memref_squeeze %dma_start3A_63 : memref<1x128xi32, #tpu.memory_space<vmem>> -> memref<128xi32, #tpu.memory_space<vmem>>
      %dma_start3A_65 = arith.constant 0 : i32
      %dma_start3A_66 = arith.constant 0 : i32
      %dma_start3A_67 = tpu.memref_slice %arg2[%dma_start3A_65, %dma_start3A_66] : memref<1000000x64xf32, #tpu.memory_space<hbm>> -> memref<1000000x64xf32, #tpu.memory_space<hbm>>
      tpu.enqueue_indirect_dma source(%dma_start3A_67 : memref<1000000x64xf32, #tpu.memory_space<hbm>>) target(%dma_start3A_61 : memref<128x64xf32, #tpu.memory_space<vmem>>) offsets(%dma_start3A_64 : memref<128xi32, #tpu.memory_space<vmem>>) semaphore(%arg11 : memref<!tpu.dma_semaphore, #tpu.memory_space<semaphore_mem>>)
      %mul3A_68 = arith.constant 2 : i32
      %mul3A_69 = arith.muli %scan3A_50, %mul3A_68 : i32
      %add3A_70 = arith.constant 1 : i32
      %add3A_71 = arith.addi %mul3A_69, %add3A_70 : i32
      %add3A_72 = arith.constant 50 : i32
      %add3A_73 = arith.addi %add3A_72, %add3A_71 : i32
      %dma_start3A_74 = arith.constant 1 : i32
      %dma_start3A_75 = arith.constant 0 : i32
      %dma_start3A_76 = arith.constant 0 : i32
      %dma_start3A_77 = tpu.memref_slice %arg10[%dma_start3A_74, %dma_start3A_75, %dma_start3A_76] : memref<2x128x64xf32, #tpu.memory_space<vmem>> -> memref<1x128x64xf32, #tpu.memory_space<vmem>>
      %dma_start3A_78 = tpu.memref_squeeze %dma_start3A_77 : memref<1x128x64xf32, #tpu.memory_space<vmem>> -> memref<128x64xf32, #tpu.memory_space<vmem>>
      %dma_start3A_79 = arith.constant 0 : i32
      %dma_start3A_80 = tpu.memref_slice %arg9[%add3A_73, %dma_start3A_79] : memref<101x128xi32, #tpu.memory_space<vmem>> -> memref<1x128xi32, #tpu.memory_space<vmem>>
      %dma_start3A_81 = tpu.memref_squeeze %dma_start3A_80 : memref<1x128xi32, #tpu.memory_space<vmem>> -> memref<128xi32, #tpu.memory_space<vmem>>
      %dma_start3A_82 = arith.constant 0 : i32
      %dma_start3A_83 = arith.constant 0 : i32
      %dma_start3A_84 = tpu.memref_slice %arg2[%dma_start3A_82, %dma_start3A_83] : memref<1000000x64xf32, #tpu.memory_space<hbm>> -> memref<1000000x64xf32, #tpu.memory_space<hbm>>
      tpu.enqueue_indirect_dma source(%dma_start3A_84 : memref<1000000x64xf32, #tpu.memory_space<hbm>>) target(%dma_start3A_78 : memref<128x64xf32, #tpu.memory_space<vmem>>) offsets(%dma_start3A_81 : memref<128xi32, #tpu.memory_space<vmem>>) semaphore(%arg12 : memref<!tpu.dma_semaphore, #tpu.memory_space<semaphore_mem>>)
      %mul3A_85 = arith.constant 2 : i32
      %mul3A_86 = arith.muli %scan3A_50, %mul3A_85 : i32
      %add3A_87 = arith.constant 0 : i32
      %add3A_88 = arith.addi %mul3A_86, %add3A_87 : i32
      %dma_wait3A_89 = arith.constant 0 : i32
      %dma_wait3A_90 = arith.constant 0 : i32
      %dma_wait3A_91 = arith.constant 0 : i32
      %dma_wait3A_92 = tpu.memref_slice %arg10[%dma_wait3A_89, %dma_wait3A_90, %dma_wait3A_91] : memref<2x128x64xf32, #tpu.memory_space<vmem>> -> memref<1x128x64xf32, #tpu.memory_space<vmem>>
      %dma_wait3A_93 = tpu.memref_squeeze %dma_wait3A_92 : memref<1x128x64xf32, #tpu.memory_space<vmem>> -> memref<128x64xf32, #tpu.memory_space<vmem>>
      %dma_wait3A_94 = arith.constant 0 : i32
      %dma_wait3A_95 = tpu.memref_slice %arg9[%add3A_56, %dma_wait3A_94] : memref<101x128xi32, #tpu.memory_space<vmem>> -> memref<1x128xi32, #tpu.memory_space<vmem>>
      %dma_wait3A_96 = tpu.memref_squeeze %dma_wait3A_95 : memref<1x128xi32, #tpu.memory_space<vmem>> -> memref<128xi32, #tpu.memory_space<vmem>>
      %dma_wait3A_97 = arith.constant 0 : i32
      %dma_wait3A_98 = arith.constant 0 : i32
      %dma_wait3A_99 = tpu.memref_slice %arg2[%dma_wait3A_97, %dma_wait3A_98] : memref<1000000x64xf32, #tpu.memory_space<hbm>> -> memref<1000000x64xf32, #tpu.memory_space<hbm>>
      tpu.wait_indirect_dma semaphore(%arg11 : memref<!tpu.dma_semaphore, #tpu.memory_space<semaphore_mem>>) src(%dma_wait3A_99 : memref<1000000x64xf32, #tpu.memory_space<hbm>>) dst(%dma_wait3A_93 : memref<128x64xf32, #tpu.memory_space<vmem>>)
      %add3A_100 = arith.addi %mul3A_15, %add3A_88 : i32
      %mul3A_101 = arith.constant 128 : i32
      %mul3A_102 = arith.muli %add3A_100, %mul3A_101 : i32
      %run_scoped3A_103 = arith.constant 0 : i32
      "tpu.region"() ({
        %run_scoped3A_123 = tpu.sem_alloc : memref<!tpu.dma_semaphore, #tpu.memory_space<semaphore_mem>>
        %dma_start3A_124 = arith.constant 0 : i32
        %dma_start3A_125 = arith.constant 0 : i32
        %dma_start3A_126 = tpu.memref_slice %arg10[%run_scoped3A_103, %dma_start3A_124, %dma_start3A_125] : memref<2x128x64xf32, #tpu.memory_space<vmem>> -> memref<1x128x64xf32, #tpu.memory_space<vmem>>
        %dma_start3A_127 = tpu.memref_squeeze %dma_start3A_126 : memref<1x128x64xf32, #tpu.memory_space<vmem>> -> memref<128x64xf32, #tpu.memory_space<vmem>>
        %dma_start3A_128 = arith.constant 0 : i32
        %dma_start3A_129 = tpu.memref_slice %arg7[%mul3A_102, %dma_start3A_128] : memref<204800x64xf32, #tpu.memory_space<hbm>> -> memref<128x64xf32, #tpu.memory_space<hbm>>
        %dma_start3A_130 = arith.constant 0 : i32
        %dma_start3A_131 = tpu.memref_slice %arg7[%mul3A_102, %dma_start3A_130] : memref<204800x64xf32, #tpu.memory_space<hbm>> -> memref<128x64xf32, #tpu.memory_space<hbm>>
        %dma_start3A_132 = arith.constant 0 : i32
        %dma_start3A_133 = arith.constant 0 : i32
        %dma_start3A_134 = tpu.memref_slice %arg10[%run_scoped3A_103, %dma_start3A_132, %dma_start3A_133] : memref<2x128x64xf32, #tpu.memory_space<vmem>> -> memref<1x128x64xf32, #tpu.memory_space<vmem>>
        %dma_start3A_135 = tpu.memref_squeeze %dma_start3A_134 : memref<1x128x64xf32, #tpu.memory_space<vmem>> -> memref<128x64xf32, #tpu.memory_space<vmem>>
        tpu.enqueue_dma source(%dma_start3A_135 : memref<128x64xf32, #tpu.memory_space<vmem>>) target(%dma_start3A_131 : memref<128x64xf32, #tpu.memory_space<hbm>>) target_semaphore(%run_scoped3A_123 : memref<!tpu.dma_semaphore, #tpu.memory_space<semaphore_mem>>)
        %dma_wait3A_136 = arith.constant 0 : i32
        %dma_wait3A_137 = arith.constant 0 : i32
        %dma_wait3A_138 = tpu.memref_slice %arg10[%run_scoped3A_103, %dma_wait3A_136, %dma_wait3A_137] : memref<2x128x64xf32, #tpu.memory_space<vmem>> -> memref<1x128x64xf32, #tpu.memory_space<vmem>>
        %dma_wait3A_139 = tpu.memref_squeeze %dma_wait3A_138 : memref<1x128x64xf32, #tpu.memory_space<vmem>> -> memref<128x64xf32, #tpu.memory_space<vmem>>
        %dma_wait3A_140 = arith.constant 0 : i32
        %dma_wait3A_141 = tpu.memref_slice %arg7[%mul3A_102, %dma_wait3A_140] : memref<204800x64xf32, #tpu.memory_space<hbm>> -> memref<128x64xf32, #tpu.memory_space<hbm>>
        %dma_wait3A_142 = arith.constant 0 : i32
        %dma_wait3A_143 = tpu.memref_slice %arg7[%mul3A_102, %dma_wait3A_142] : memref<204800x64xf32, #tpu.memory_space<hbm>> -> memref<128x64xf32, #tpu.memory_space<hbm>>
        %dma_wait3A_144 = arith.constant 0 : i32
        %dma_wait3A_145 = arith.constant 0 : i32
        %dma_wait3A_146 = tpu.memref_slice %arg10[%run_scoped3A_103, %dma_wait3A_144, %dma_wait3A_145] : memref<2x128x64xf32, #tpu.memory_space<vmem>> -> memref<1x128x64xf32, #tpu.memory_space<vmem>>
        %dma_wait3A_147 = tpu.memref_squeeze %dma_wait3A_146 : memref<1x128x64xf32, #tpu.memory_space<vmem>> -> memref<128x64xf32, #tpu.memory_space<vmem>>
        tpu.wait_dma2 semaphore(%run_scoped3A_123 : memref<!tpu.dma_semaphore, #tpu.memory_space<semaphore_mem>>) src(%dma_wait3A_147 : memref<128x64xf32, #tpu.memory_space<vmem>>) dst(%dma_wait3A_143 : memref<128x64xf32, #tpu.memory_space<hbm>>)
        tpu.yield
      }) : () -> ()
      %mul3A_104 = arith.constant 2 : i32
      %mul3A_105 = arith.muli %scan3A_50, %mul3A_104 : i32
      %add3A_106 = arith.constant 1 : i32
      %add3A_107 = arith.addi %mul3A_105, %add3A_106 : i32
      %dma_wait3A_108 = arith.constant 1 : i32
      %dma_wait3A_109 = arith.constant 0 : i32
      %dma_wait3A_110 = arith.constant 0 : i32
      %dma_wait3A_111 = tpu.memref_slice %arg10[%dma_wait3A_108, %dma_wait3A_109, %dma_wait3A_110] : memref<2x128x64xf32, #tpu.memory_space<vmem>> -> memref<1x128x64xf32, #tpu.memory_space<vmem>>
      %dma_wait3A_112 = tpu.memref_squeeze %dma_wait3A_111 : memref<1x128x64xf32, #tpu.memory_space<vmem>> -> memref<128x64xf32, #tpu.memory_space<vmem>>
      %dma_wait3A_113 = arith.constant 0 : i32
      %dma_wait3A_114 = tpu.memref_slice %arg9[%add3A_73, %dma_wait3A_113] : memref<101x128xi32, #tpu.memory_space<vmem>> -> memref<1x128xi32, #tpu.memory_space<vmem>>
      %dma_wait3A_115 = tpu.memref_squeeze %dma_wait3A_114 : memref<1x128xi32, #tpu.memory_space<vmem>> -> memref<128xi32, #tpu.memory_space<vmem>>
      %dma_wait3A_116 = arith.constant 0 : i32
      %dma_wait3A_117 = arith.constant 0 : i32
      %dma_wait3A_118 = tpu.memref_slice %arg2[%dma_wait3A_116, %dma_wait3A_117] : memref<1000000x64xf32, #tpu.memory_space<hbm>> -> memref<1000000x64xf32, #tpu.memory_space<hbm>>
      tpu.wait_indirect_dma semaphore(%arg12 : memref<!tpu.dma_semaphore, #tpu.memory_space<semaphore_mem>>) src(%dma_wait3A_118 : memref<1000000x64xf32, #tpu.memory_space<hbm>>) dst(%dma_wait3A_112 : memref<128x64xf32, #tpu.memory_space<vmem>>)
      %add3A_119 = arith.addi %mul3A_15, %add3A_107 : i32
      %mul3A_120 = arith.constant 128 : i32
      %mul3A_121 = arith.muli %add3A_119, %mul3A_120 : i32
      %run_scoped3A_122 = arith.constant 1 : i32
      "tpu.region"() ({
        %run_scoped3A_123 = tpu.sem_alloc : memref<!tpu.dma_semaphore, #tpu.memory_space<semaphore_mem>>
        %dma_start3A_124 = arith.constant 0 : i32
        %dma_start3A_125 = arith.constant 0 : i32
        %dma_start3A_126 = tpu.memref_slice %arg10[%run_scoped3A_122, %dma_start3A_124, %dma_start3A_125] : memref<2x128x64xf32, #tpu.memory_space<vmem>> -> memref<1x128x64xf32, #tpu.memory_space<vmem>>
        %dma_start3A_127 = tpu.memref_squeeze %dma_start3A_126 : memref<1x128x64xf32, #tpu.memory_space<vmem>> -> memref<128x64xf32, #tpu.memory_space<vmem>>
        %dma_start3A_128 = arith.constant 0 : i32
        %dma_start3A_129 = tpu.memref_slice %arg7[%mul3A_121, %dma_start3A_128] : memref<204800x64xf32, #tpu.memory_space<hbm>> -> memref<128x64xf32, #tpu.memory_space<hbm>>
        %dma_start3A_130 = arith.constant 0 : i32
        %dma_start3A_131 = tpu.memref_slice %arg7[%mul3A_121, %dma_start3A_130] : memref<204800x64xf32, #tpu.memory_space<hbm>> -> memref<128x64xf32, #tpu.memory_space<hbm>>
        %dma_start3A_132 = arith.constant 0 : i32
        %dma_start3A_133 = arith.constant 0 : i32
        %dma_start3A_134 = tpu.memref_slice %arg10[%run_scoped3A_122, %dma_start3A_132, %dma_start3A_133] : memref<2x128x64xf32, #tpu.memory_space<vmem>> -> memref<1x128x64xf32, #tpu.memory_space<vmem>>
        %dma_start3A_135 = tpu.memref_squeeze %dma_start3A_134 : memref<1x128x64xf32, #tpu.memory_space<vmem>> -> memref<128x64xf32, #tpu.memory_space<vmem>>
        tpu.enqueue_dma source(%dma_start3A_135 : memref<128x64xf32, #tpu.memory_space<vmem>>) target(%dma_start3A_131 : memref<128x64xf32, #tpu.memory_space<hbm>>) target_semaphore(%run_scoped3A_123 : memref<!tpu.dma_semaphore, #tpu.memory_space<semaphore_mem>>)
        %dma_wait3A_136 = arith.constant 0 : i32
        %dma_wait3A_137 = arith.constant 0 : i32
        %dma_wait3A_138 = tpu.memref_slice %arg10[%run_scoped3A_122, %dma_wait3A_136, %dma_wait3A_137] : memref<2x128x64xf32, #tpu.memory_space<vmem>> -> memref<1x128x64xf32, #tpu.memory_space<vmem>>
        %dma_wait3A_139 = tpu.memref_squeeze %dma_wait3A_138 : memref<1x128x64xf32, #tpu.memory_space<vmem>> -> memref<128x64xf32, #tpu.memory_space<vmem>>
        %dma_wait3A_140 = arith.constant 0 : i32
        %dma_wait3A_141 = tpu.memref_slice %arg7[%mul3A_121, %dma_wait3A_140] : memref<204800x64xf32, #tpu.memory_space<hbm>> -> memref<128x64xf32, #tpu.memory_space<hbm>>
        %dma_wait3A_142 = arith.constant 0 : i32
        %dma_wait3A_143 = tpu.memref_slice %arg7[%mul3A_121, %dma_wait3A_142] : memref<204800x64xf32, #tpu.memory_space<hbm>> -> memref<128x64xf32, #tpu.memory_space<hbm>>
        %dma_wait3A_144 = arith.constant 0 : i32
        %dma_wait3A_145 = arith.constant 0 : i32
        %dma_wait3A_146 = tpu.memref_slice %arg10[%run_scoped3A_122, %dma_wait3A_144, %dma_wait3A_145] : memref<2x128x64xf32, #tpu.memory_space<vmem>> -> memref<1x128x64xf32, #tpu.memory_space<vmem>>
        %dma_wait3A_147 = tpu.memref_squeeze %dma_wait3A_146 : memref<1x128x64xf32, #tpu.memory_space<vmem>> -> memref<128x64xf32, #tpu.memory_space<vmem>>
        tpu.wait_dma2 semaphore(%run_scoped3A_123 : memref<!tpu.dma_semaphore, #tpu.memory_space<semaphore_mem>>) src(%dma_wait3A_147 : memref<128x64xf32, #tpu.memory_space<vmem>>) dst(%dma_wait3A_143 : memref<128x64xf32, #tpu.memory_space<hbm>>)
        tpu.yield
      }) : () -> ()
    }
    %scan3A_21 = arith.constant 25 : i32
    %mul3A_22 = arith.constant 1 : i32
    %mul3A_23 = arith.muli %add3A, %mul3A_22 : i32
    %dma_start3A = arith.constant 100 : i32
    %dma_start3A_24 = arith.constant 0 : i32
    %dma_start3A_25 = arith.constant 0 : i32
    %dma_start3A_26 = arith.constant 0 : i32
    %dma_start3A_27 = tpu.memref_slice %arg10[%dma_start3A_24, %dma_start3A_25, %dma_start3A_26] : memref<2x128x64xf32, #tpu.memory_space<vmem>> -> memref<1x128x64xf32, #tpu.memory_space<vmem>>
    %dma_start3A_28 = tpu.memref_squeeze %dma_start3A_27 : memref<1x128x64xf32, #tpu.memory_space<vmem>> -> memref<128x64xf32, #tpu.memory_space<vmem>>
    %dma_start3A_29 = arith.constant 0 : i32
    %dma_start3A_30 = tpu.memref_slice %arg9[%dma_start3A, %dma_start3A_29] : memref<101x128xi32, #tpu.memory_space<vmem>> -> memref<1x128xi32, #tpu.memory_space<vmem>>
    %dma_start3A_31 = tpu.memref_squeeze %dma_start3A_30 : memref<1x128xi32, #tpu.memory_space<vmem>> -> memref<128xi32, #tpu.memory_space<vmem>>
    %dma_start3A_32 = arith.constant 0 : i32
    %dma_start3A_33 = arith.constant 0 : i32
    %dma_start3A_34 = tpu.memref_slice %arg2[%dma_start3A_32, %dma_start3A_33] : memref<1000000x64xf32, #tpu.memory_space<hbm>> -> memref<1000000x64xf32, #tpu.memory_space<hbm>>
    tpu.enqueue_indirect_dma source(%dma_start3A_34 : memref<1000000x64xf32, #tpu.memory_space<hbm>>) target(%dma_start3A_28 : memref<128x64xf32, #tpu.memory_space<vmem>>) offsets(%dma_start3A_31 : memref<128xi32, #tpu.memory_space<vmem>>) semaphore(%arg11 : memref<!tpu.dma_semaphore, #tpu.memory_space<semaphore_mem>>)
    %dma_wait3A = arith.constant 100 : i32
    %dma_wait3A_35 = arith.constant 0 : i32
    %dma_wait3A_36 = arith.constant 0 : i32
    %dma_wait3A_37 = arith.constant 0 : i32
    %dma_wait3A_38 = tpu.memref_slice %arg10[%dma_wait3A_35, %dma_wait3A_36, %dma_wait3A_37] : memref<2x128x64xf32, #tpu.memory_space<vmem>> -> memref<1x128x64xf32, #tpu.memory_space<vmem>>
    %dma_wait3A_39 = tpu.memref_squeeze %dma_wait3A_38 : memref<1x128x64xf32, #tpu.memory_space<vmem>> -> memref<128x64xf32, #tpu.memory_space<vmem>>
    %dma_wait3A_40 = arith.constant 0 : i32
    %dma_wait3A_41 = tpu.memref_slice %arg9[%dma_wait3A, %dma_wait3A_40] : memref<101x128xi32, #tpu.memory_space<vmem>> -> memref<1x128xi32, #tpu.memory_space<vmem>>
    %dma_wait3A_42 = tpu.memref_squeeze %dma_wait3A_41 : memref<1x128xi32, #tpu.memory_space<vmem>> -> memref<128xi32, #tpu.memory_space<vmem>>
    %dma_wait3A_43 = arith.constant 0 : i32
    %dma_wait3A_44 = arith.constant 0 : i32
    %dma_wait3A_45 = tpu.memref_slice %arg2[%dma_wait3A_43, %dma_wait3A_44] : memref<1000000x64xf32, #tpu.memory_space<hbm>> -> memref<1000000x64xf32, #tpu.memory_space<hbm>>
    tpu.wait_indirect_dma semaphore(%arg11 : memref<!tpu.dma_semaphore, #tpu.memory_space<semaphore_mem>>) src(%dma_wait3A_45 : memref<1000000x64xf32, #tpu.memory_space<hbm>>) dst(%dma_wait3A_39 : memref<128x64xf32, #tpu.memory_space<vmem>>)
    %add3A_46 = arith.constant 0 : i32
    %add3A_47 = arith.addi %mul3A_23, %add3A_46 : i32
    %mul3A_48 = arith.constant 128 : i32
    %mul3A_49 = arith.muli %add3A_47, %mul3A_48 : i32
    %run_scoped3A = arith.constant 0 : i32
    "tpu.region"() ({
      %run_scoped3A_50 = tpu.sem_alloc : memref<!tpu.dma_semaphore, #tpu.memory_space<semaphore_mem>>
      %dma_start3A_51 = arith.constant 0 : i32
      %dma_start3A_52 = arith.constant 0 : i32
      %dma_start3A_53 = tpu.memref_slice %arg10[%run_scoped3A, %dma_start3A_51, %dma_start3A_52] : memref<2x128x64xf32, #tpu.memory_space<vmem>> -> memref<1x128x64xf32, #tpu.memory_space<vmem>>
      %dma_start3A_54 = tpu.memref_squeeze %dma_start3A_53 : memref<1x128x64xf32, #tpu.memory_space<vmem>> -> memref<128x64xf32, #tpu.memory_space<vmem>>
      %dma_start3A_55 = arith.constant 0 : i32
      %dma_start3A_56 = tpu.memref_slice %arg8[%mul3A_49, %dma_start3A_55] : memref<4096x64xf32, #tpu.memory_space<hbm>> -> memref<128x64xf32, #tpu.memory_space<hbm>>
      %dma_start3A_57 = arith.constant 0 : i32
      %dma_start3A_58 = tpu.memref_slice %arg8[%mul3A_49, %dma_start3A_57] : memref<4096x64xf32, #tpu.memory_space<hbm>> -> memref<128x64xf32, #tpu.memory_space<hbm>>
      %dma_start3A_59 = arith.constant 0 : i32
      %dma_start3A_60 = arith.constant 0 : i32
      %dma_start3A_61 = tpu.memref_slice %arg10[%run_scoped3A, %dma_start3A_59, %dma_start3A_60] : memref<2x128x64xf32, #tpu.memory_space<vmem>> -> memref<1x128x64xf32, #tpu.memory_space<vmem>>
      %dma_start3A_62 = tpu.memref_squeeze %dma_start3A_61 : memref<1x128x64xf32, #tpu.memory_space<vmem>> -> memref<128x64xf32, #tpu.memory_space<vmem>>
      tpu.enqueue_dma source(%dma_start3A_62 : memref<128x64xf32, #tpu.memory_space<vmem>>) target(%dma_start3A_58 : memref<128x64xf32, #tpu.memory_space<hbm>>) target_semaphore(%run_scoped3A_50 : memref<!tpu.dma_semaphore, #tpu.memory_space<semaphore_mem>>)
      %dma_wait3A_63 = arith.constant 0 : i32
      %dma_wait3A_64 = arith.constant 0 : i32
      %dma_wait3A_65 = tpu.memref_slice %arg10[%run_scoped3A, %dma_wait3A_63, %dma_wait3A_64] : memref<2x128x64xf32, #tpu.memory_space<vmem>> -> memref<1x128x64xf32, #tpu.memory_space<vmem>>
      %dma_wait3A_66 = tpu.memref_squeeze %dma_wait3A_65 : memref<1x128x64xf32, #tpu.memory_space<vmem>> -> memref<128x64xf32, #tpu.memory_space<vmem>>
      %dma_wait3A_67 = arith.constant 0 : i32
      %dma_wait3A_68 = tpu.memref_slice %arg8[%mul3A_49, %dma_wait3A_67] : memref<4096x64xf32, #tpu.memory_space<hbm>> -> memref<128x64xf32, #tpu.memory_space<hbm>>
      %dma_wait3A_69 = arith.constant 0 : i32
      %dma_wait3A_70 = tpu.memref_slice %arg8[%mul3A_49, %dma_wait3A_69] : memref<4096x64xf32, #tpu.memory_space<hbm>> -> memref<128x64xf32, #tpu.memory_space<hbm>>
      %dma_wait3A_71 = arith.constant 0 : i32
      %dma_wait3A_72 = arith.constant 0 : i32
      %dma_wait3A_73 = tpu.memref_slice %arg10[%run_scoped3A, %dma_wait3A_71, %dma_wait3A_72] : memref<2x128x64xf32, #tpu.memory_space<vmem>> -> memref<1x128x64xf32, #tpu.memory_space<vmem>>
      %dma_wait3A_74 = tpu.memref_squeeze %dma_wait3A_73 : memref<1x128x64xf32, #tpu.memory_space<vmem>> -> memref<128x64xf32, #tpu.memory_space<vmem>>
      tpu.wait_dma2 semaphore(%run_scoped3A_50 : memref<!tpu.dma_semaphore, #tpu.memory_space<semaphore_mem>>) src(%dma_wait3A_74 : memref<128x64xf32, #tpu.memory_space<vmem>>) dst(%dma_wait3A_70 : memref<128x64xf32, #tpu.memory_space<hbm>>)
      tpu.yield
    }) : () -> ()
    return
  }
}

module attributes {stable_mosaic.version = 14 : i64} {
  func.func @_dense_body(%arg0: i32, %arg1: memref<3200x64xf32, #tpu.memory_space<vmem>>, %arg2: memref<3200x64xf32, #tpu.memory_space<vmem>>, %arg3: memref<3200x64xf32, #tpu.memory_space<vmem>>, %arg4: memref<64x64xf32, #tpu.memory_space<vmem>>, %arg5: memref<320x64xf32, #tpu.memory_space<vmem>>, %arg6: memref<64x50xi32, #tpu.memory_space<vmem>>, %arg7: memref<64x50xi32, #tpu.memory_space<vmem>>, %arg8: memref<64x50xi32, #tpu.memory_space<vmem>>, %arg9: memref<64x5xi32, #tpu.memory_space<vmem>>, %arg10: memref<64x1xf32, #tpu.memory_space<vmem>>, %arg11: memref<64x64xf32, #tpu.memory_space<vmem>>, %arg12: memref<1x64xf32, #tpu.memory_space<vmem>>, %arg13: memref<64x64xf32, #tpu.memory_space<vmem>>, %arg14: memref<1x64xf32, #tpu.memory_space<vmem>>, %arg15: memref<64x128xf32, #tpu.memory_space<vmem>>, %arg16: memref<1x128xf32, #tpu.memory_space<vmem>>, %arg17: memref<1x128xf32, #tpu.memory_space<vmem>>, %arg18: memref<64x128xf32, #tpu.memory_space<vmem>>, %arg19: memref<1x128xf32, #tpu.memory_space<vmem>>, %arg20: memref<1x128xf32, #tpu.memory_space<vmem>>, %arg21: memref<64x128xf32, #tpu.memory_space<vmem>>, %arg22: memref<1x128xf32, #tpu.memory_space<vmem>>, %arg23: memref<1x128xf32, #tpu.memory_space<vmem>>, %arg24: memref<64x128xf32, #tpu.memory_space<vmem>>, %arg25: memref<1x128xf32, #tpu.memory_space<vmem>>, %arg26: memref<64x128xf32, #tpu.memory_space<vmem>>, %arg27: memref<1x128xf32, #tpu.memory_space<vmem>>, %arg28: memref<128x100xf32, #tpu.memory_space<vmem>>, %arg29: memref<1x100xf32, #tpu.memory_space<vmem>>, %arg30: memref<1x100xf32, #tpu.memory_space<vmem>>, %arg31: memref<64x64xf32, #tpu.memory_space<vmem>>, %arg32: memref<1x64xf32, #tpu.memory_space<vmem>>, %arg33: memref<64x64xf32, #tpu.memory_space<vmem>>, %arg34: memref<1x64xf32, #tpu.memory_space<vmem>>, %arg35: memref<128x80xf32, #tpu.memory_space<vmem>>, %arg36: memref<1x80xf32, #tpu.memory_space<vmem>>, %arg37: memref<1x80xf32, #tpu.memory_space<vmem>>, %arg38: memref<1x1xf32, #tpu.memory_space<vmem>>, %arg39: memref<128x80xf32, #tpu.memory_space<vmem>>, %arg40: memref<1x80xf32, #tpu.memory_space<vmem>>, %arg41: memref<1x80xf32, #tpu.memory_space<vmem>>, %arg42: memref<1x1xf32, #tpu.memory_space<vmem>>, %arg43: memref<1x1xf32, #tpu.memory_space<vmem>>, %arg44: memref<1x1xf32, #tpu.memory_space<vmem>>, %arg45: memref<1x1xf32, #tpu.memory_space<vmem>>) attributes {dimension_semantics = [#tpu.dimension_semantics<arbitrary>], iteration_bounds = array<i64: 64>, scalar_prefetch = 0 : i64, scratch_operands = 0 : i64, tpu.core_type = #tpu.core_type<tc>, window_params = [{transform_indices = @transform_0, window_bounds = array<i64: 3200, 64>}, {transform_indices = @transform_1, window_bounds = array<i64: 3200, 64>}, {transform_indices = @transform_2, window_bounds = array<i64: 3200, 64>}, {transform_indices = @transform_3, window_bounds = array<i64: 64, 64>}, {transform_indices = @transform_4, window_bounds = array<i64: 320, 64>}, {transform_indices = @transform_5, window_bounds = array<i64: 64, 50>}, {transform_indices = @transform_6, window_bounds = array<i64: 64, 50>}, {transform_indices = @transform_7, window_bounds = array<i64: 64, 50>}, {transform_indices = @transform_8, window_bounds = array<i64: 64, 5>}, {transform_indices = @transform_9, window_bounds = array<i64: 64, 1>}, {pipeline_mode = #tpu.pipeline_mode<synchronous>, transform_indices = @transform_10, window_bounds = array<i64: 64, 64>}, {pipeline_mode = #tpu.pipeline_mode<synchronous>, transform_indices = @transform_11, window_bounds = array<i64: 1, 64>}, {pipeline_mode = #tpu.pipeline_mode<synchronous>, transform_indices = @transform_12, window_bounds = array<i64: 64, 64>}, {pipeline_mode = #tpu.pipeline_mode<synchronous>, transform_indices = @transform_13, window_bounds = array<i64: 1, 64>}, {pipeline_mode = #tpu.pipeline_mode<synchronous>, transform_indices = @transform_14, window_bounds = array<i64: 64, 128>}, {pipeline_mode = #tpu.pipeline_mode<synchronous>, transform_indices = @transform_15, window_bounds = array<i64: 1, 128>}, {pipeline_mode = #tpu.pipeline_mode<synchronous>, transform_indices = @transform_16, window_bounds = array<i64: 1, 128>}, {pipeline_mode = #tpu.pipeline_mode<synchronous>, transform_indices = @transform_17, window_bounds = array<i64: 64, 128>}, {pipeline_mode = #tpu.pipeline_mode<synchronous>, transform_indices = @transform_18, window_bounds = array<i64: 1, 128>}, {pipeline_mode = #tpu.pipeline_mode<synchronous>, transform_indices = @transform_19, window_bounds = array<i64: 1, 128>}, {pipeline_mode = #tpu.pipeline_mode<synchronous>, transform_indices = @transform_20, window_bounds = array<i64: 64, 128>}, {pipeline_mode = #tpu.pipeline_mode<synchronous>, transform_indices = @transform_21, window_bounds = array<i64: 1, 128>}, {pipeline_mode = #tpu.pipeline_mode<synchronous>, transform_indices = @transform_22, window_bounds = array<i64: 1, 128>}, {pipeline_mode = #tpu.pipeline_mode<synchronous>, transform_indices = @transform_23, window_bounds = array<i64: 64, 128>}, {pipeline_mode = #tpu.pipeline_mode<synchronous>, transform_indices = @transform_24, window_bounds = array<i64: 1, 128>}, {pipeline_mode = #tpu.pipeline_mode<synchronous>, transform_indices = @transform_25, window_bounds = array<i64: 64, 128>}, {pipeline_mode = #tpu.pipeline_mode<synchronous>, transform_indices = @transform_26, window_bounds = array<i64: 1, 128>}, {pipeline_mode = #tpu.pipeline_mode<synchronous>, transform_indices = @transform_27, window_bounds = array<i64: 128, 100>}, {pipeline_mode = #tpu.pipeline_mode<synchronous>, transform_indices = @transform_28, window_bounds = array<i64: 1, 100>}, {pipeline_mode = #tpu.pipeline_mode<synchronous>, transform_indices = @transform_29, window_bounds = array<i64: 1, 100>}, {pipeline_mode = #tpu.pipeline_mode<synchronous>, transform_indices = @transform_30, window_bounds = array<i64: 64, 64>}, {pipeline_mode = #tpu.pipeline_mode<synchronous>, transform_indices = @transform_31, window_bounds = array<i64: 1, 64>}, {pipeline_mode = #tpu.pipeline_mode<synchronous>, transform_indices = @transform_32, window_bounds = array<i64: 64, 64>}, {pipeline_mode = #tpu.pipeline_mode<synchronous>, transform_indices = @transform_33, window_bounds = array<i64: 1, 64>}, {pipeline_mode = #tpu.pipeline_mode<synchronous>, transform_indices = @transform_34, window_bounds = array<i64: 128, 80>}, {pipeline_mode = #tpu.pipeline_mode<synchronous>, transform_indices = @transform_35, window_bounds = array<i64: 1, 80>}, {pipeline_mode = #tpu.pipeline_mode<synchronous>, transform_indices = @transform_36, window_bounds = array<i64: 1, 80>}, {pipeline_mode = #tpu.pipeline_mode<synchronous>, transform_indices = @transform_37, window_bounds = array<i64: 1, 1>}, {pipeline_mode = #tpu.pipeline_mode<synchronous>, transform_indices = @transform_38, window_bounds = array<i64: 128, 80>}, {pipeline_mode = #tpu.pipeline_mode<synchronous>, transform_indices = @transform_39, window_bounds = array<i64: 1, 80>}, {pipeline_mode = #tpu.pipeline_mode<synchronous>, transform_indices = @transform_40, window_bounds = array<i64: 1, 80>}, {pipeline_mode = #tpu.pipeline_mode<synchronous>, transform_indices = @transform_41, window_bounds = array<i64: 1, 1>}, {pipeline_mode = #tpu.pipeline_mode<synchronous>, transform_indices = @transform_42, window_bounds = array<i64: 1, 1>}, {pipeline_mode = #tpu.pipeline_mode<synchronous>, transform_indices = @transform_43, window_bounds = array<i64: 1, 1>}, {pipeline_mode = #tpu.pipeline_mode<synchronous>, transform_indices = @transform_44, window_bounds = array<i64: 1, 1>}]} {
    %get3A = arith.constant 0 : index
    %get3A_0 = arith.constant 0 : index
    %get3A_1 = vector.load %arg4[%get3A, %get3A_0] : memref<64x64xf32, #tpu.memory_space<vmem>>, vector<64x64xf32>
    %get3A_2 = arith.constant 0 : index
    %get3A_3 = arith.constant 0 : index
    %get3A_4 = vector.load %arg11[%get3A_2, %get3A_3] : memref<64x64xf32, #tpu.memory_space<vmem>>, vector<64x64xf32>
    %dot_general3A = arith.constant dense<0.000000e+00> : vector<64x64xf32>
    %dot_general3A_5 = tpu.matmul %get3A_1, %get3A_4, %dot_general3A {dimension_numbers = #tpu.dot_dimension_numbers<[1], [0], [0], [1], [0, 0, 1, 1], [], []>, transpose_lhs_hint = false} : vector<64x64xf32>, vector<64x64xf32>, vector<64x64xf32> -> vector<64x64xf32>
    %get3A_6 = arith.constant 0 : index
    %get3A_7 = arith.constant 0 : index
    %get3A_8 = vector.load %arg12[%get3A_6, %get3A_7] : memref<1x64xf32, #tpu.memory_space<vmem>>, vector<1x64xf32>
    %add3A = vector.broadcast %get3A_8 : vector<1x64xf32> to vector<64x64xf32>
    %add3A_9 = arith.addf %dot_general3A_5, %add3A : vector<64x64xf32>
    %get3A_10 = arith.constant 0 : index
    %get3A_11 = arith.constant 0 : index
    %get3A_12 = vector.load %arg1[%get3A_10, %get3A_11] : memref<3200x64xf32, #tpu.memory_space<vmem>>, vector<3200x64xf32>
    %get3A_13 = arith.constant 0 : index
    %get3A_14 = arith.constant 0 : index
    %get3A_15 = vector.load %arg6[%get3A_13, %get3A_14] : memref<64x50xi32, #tpu.memory_space<vmem>>, vector<64x50xi32>
    %get3A_16 = arith.constant 0 : index
    %get3A_17 = arith.constant 0 : index
    %get3A_18 = vector.load %arg13[%get3A_16, %get3A_17] : memref<64x64xf32, #tpu.memory_space<vmem>>, vector<64x64xf32>
    %get3A_19 = arith.constant 0 : index
    %get3A_20 = arith.constant 0 : index
    %get3A_21 = vector.load %arg15[%get3A_19, %get3A_20] : memref<64x128xf32, #tpu.memory_space<vmem>>, vector<64x128xf32>
    %dot_general3A_22 = arith.constant dense<0.000000e+00> : vector<64x128xf32>
    %dot_general3A_23 = tpu.matmul %get3A_18, %get3A_21, %dot_general3A_22 {dimension_numbers = #tpu.dot_dimension_numbers<[1], [0], [0], [1], [0, 0, 1, 1], [], []>, transpose_lhs_hint = false} : vector<64x64xf32>, vector<64x128xf32>, vector<64x128xf32> -> vector<64x128xf32>
    %get3A_24 = arith.constant 0 : index
    %get3A_25 = arith.constant 0 : index
    %get3A_26 = vector.load %arg14[%get3A_24, %get3A_25] : memref<1x64xf32, #tpu.memory_space<vmem>>, vector<1x64xf32>
    %get3A_27 = arith.constant 0 : index
    %get3A_28 = arith.constant 0 : index
    %get3A_29 = vector.load %arg15[%get3A_27, %get3A_28] : memref<64x128xf32, #tpu.memory_space<vmem>>, vector<64x128xf32>
    %dot_general3A_30 = arith.constant dense<0.000000e+00> : vector<1x128xf32>
    %dot_general3A_31 = tpu.matmul %get3A_26, %get3A_29, %dot_general3A_30 {dimension_numbers = #tpu.dot_dimension_numbers<[1], [0], [0], [1], [0, 0, 1, 1], [], []>, transpose_lhs_hint = false} : vector<1x64xf32>, vector<64x128xf32>, vector<1x128xf32> -> vector<1x128xf32>
    %get3A_32 = arith.constant 0 : index
    %get3A_33 = arith.constant 0 : index
    %get3A_34 = vector.load %arg16[%get3A_32, %get3A_33] : memref<1x128xf32, #tpu.memory_space<vmem>>, vector<1x128xf32>
    %add3A_35 = arith.addf %dot_general3A_31, %get3A_34 : vector<1x128xf32>
    %dot_general3A_36 = arith.constant dense<0.000000e+00> : vector<3200x128xf32>
    %dot_general3A_37 = tpu.matmul %get3A_12, %dot_general3A_23, %dot_general3A_36 {dimension_numbers = #tpu.dot_dimension_numbers<[1], [0], [0], [1], [0, 0, 1, 1], [], []>, transpose_lhs_hint = false} : vector<3200x64xf32>, vector<64x128xf32>, vector<3200x128xf32> -> vector<3200x128xf32>
    %add3A_38 = vector.broadcast %add3A_35 : vector<1x128xf32> to vector<3200x128xf32>
    %add3A_39 = arith.addf %dot_general3A_37, %add3A_38 : vector<3200x128xf32>
    %tanh3A = math.tanh %add3A_39 : vector<3200x128xf32>
    %get3A_40 = arith.constant 0 : index
    %get3A_41 = arith.constant 0 : index
    %get3A_42 = vector.load %arg17[%get3A_40, %get3A_41] : memref<1x128xf32, #tpu.memory_space<vmem>>, vector<1x128xf32>
    %reshape3A = vector.shape_cast %get3A_42 : vector<1x128xf32> to vector<128x1xf32>
    %dot_general3A_43 = arith.constant dense<0.000000e+00> : vector<3200x1xf32>
    %dot_general3A_44 = tpu.matmul %tanh3A, %reshape3A, %dot_general3A_43 {dimension_numbers = #tpu.dot_dimension_numbers<[1], [0], [0], [1], [0, 0, 1, 1], [], []>, transpose_lhs_hint = false} : vector<3200x128xf32>, vector<128x1xf32>, vector<3200x1xf32> -> vector<3200x1xf32>
    %reshape3A_45 = vector.shape_cast %dot_general3A_44 : vector<3200x1xf32> to vector<64x50xf32>
    %eq3A = arith.constant 0 : i32
    %eq3A_46 = vector.broadcast %eq3A : i32 to vector<64x50xi32>
    %eq3A_47 = arith.cmpi eq, %get3A_15, %eq3A_46 : vector<64x50xi32>
    %jit3A = arith.constant -1.000000e+09 : f32
    %broadcast_in_dim3A = vector.broadcast %jit3A : f32 to vector<64x50xf32>
    %select_n3A = arith.select %eq3A_47, %broadcast_in_dim3A, %reshape3A_45 : vector<64x50xi1>, vector<64x50xf32>
    %reduce_max3A = arith.constant dense<0xFF800000> : vector<64xf32>
    %reduce_max3A_48 = vector.multi_reduction <maximumf>, %select_n3A, %reduce_max3A [1] : vector<64x50xf32> to vector<64xf32>
    %max3A = arith.constant 0xFF800000 : f32
    %max3A_49 = vector.broadcast %max3A : f32 to vector<64xf32>
    %max3A_50 = arith.maximumf %max3A_49, %reduce_max3A_48 : vector<64xf32>
    %broadcast_in_dim3A_51 = vector.shape_cast %max3A_50 : vector<64xf32> to vector<64x1xf32>
    %sub3A = vector.broadcast %broadcast_in_dim3A_51 : vector<64x1xf32> to vector<64x50xf32>
    %sub3A_52 = arith.subf %select_n3A, %sub3A : vector<64x50xf32>
    %exp3A = math.exp %sub3A_52 : vector<64x50xf32>
    %reduce_sum3A = arith.constant dense<0.000000e+00> : vector<64xf32>
    %reduce_sum3A_53 = vector.multi_reduction <add>, %exp3A, %reduce_sum3A [1] : vector<64x50xf32> to vector<64xf32>
    %broadcast_in_dim3A_54 = vector.shape_cast %reduce_sum3A_53 : vector<64xf32> to vector<64x1xf32>
    %div3A = vector.broadcast %broadcast_in_dim3A_54 : vector<64x1xf32> to vector<64x50xf32>
    %div3A_55 = arith.divf %exp3A, %div3A : vector<64x50xf32>
    %broadcast_in_dim3A_56 = vector.shape_cast %div3A_55 : vector<64x50xf32> to vector<64x50x1xf32>
    %reshape3A_57 = vector.shape_cast %get3A_12 : vector<3200x64xf32> to vector<64x50x64xf32>
    %mul3A = vector.broadcast %broadcast_in_dim3A_56 : vector<64x50x1xf32> to vector<64x50x64xf32>
    %mul3A_58 = arith.mulf %mul3A, %reshape3A_57 : vector<64x50x64xf32>
    %reduce_sum3A_59 = arith.constant dense<0.000000e+00> : vector<64x64xf32>
    %reduce_sum3A_60 = vector.multi_reduction <add>, %mul3A_58, %reduce_sum3A_59 [1] : vector<64x50x64xf32> to vector<64x64xf32>
    %get3A_61 = arith.constant 0 : index
    %get3A_62 = arith.constant 0 : index
    %get3A_63 = vector.load %arg13[%get3A_61, %get3A_62] : memref<64x64xf32, #tpu.memory_space<vmem>>, vector<64x64xf32>
    %dot_general3A_64 = arith.constant dense<0.000000e+00> : vector<64x64xf32>
    %dot_general3A_65 = tpu.matmul %reduce_sum3A_60, %get3A_63, %dot_general3A_64 {dimension_numbers = #tpu.dot_dimension_numbers<[1], [0], [0], [1], [0, 0, 1, 1], [], []>, transpose_lhs_hint = false} : vector<64x64xf32>, vector<64x64xf32>, vector<64x64xf32> -> vector<64x64xf32>
    %get3A_66 = arith.constant 0 : index
    %get3A_67 = arith.constant 0 : index
    %get3A_68 = vector.load %arg14[%get3A_66, %get3A_67] : memref<1x64xf32, #tpu.memory_space<vmem>>, vector<1x64xf32>
    %add3A_69 = vector.broadcast %get3A_68 : vector<1x64xf32> to vector<64x64xf32>
    %add3A_70 = arith.addf %dot_general3A_65, %add3A_69 : vector<64x64xf32>
    %get3A_71 = arith.constant 0 : index
    %get3A_72 = arith.constant 0 : index
    %get3A_73 = vector.load %arg2[%get3A_71, %get3A_72] : memref<3200x64xf32, #tpu.memory_space<vmem>>, vector<3200x64xf32>
    %get3A_74 = arith.constant 0 : index
    %get3A_75 = arith.constant 0 : index
    %get3A_76 = vector.load %arg7[%get3A_74, %get3A_75] : memref<64x50xi32, #tpu.memory_space<vmem>>, vector<64x50xi32>
    %get3A_77 = arith.constant 0 : index
    %get3A_78 = arith.constant 0 : index
    %get3A_79 = vector.load %arg11[%get3A_77, %get3A_78] : memref<64x64xf32, #tpu.memory_space<vmem>>, vector<64x64xf32>
    %get3A_80 = arith.constant 0 : index
    %get3A_81 = arith.constant 0 : index
    %get3A_82 = vector.load %arg18[%get3A_80, %get3A_81] : memref<64x128xf32, #tpu.memory_space<vmem>>, vector<64x128xf32>
    %dot_general3A_83 = arith.constant dense<0.000000e+00> : vector<64x128xf32>
    %dot_general3A_84 = tpu.matmul %get3A_79, %get3A_82, %dot_general3A_83 {dimension_numbers = #tpu.dot_dimension_numbers<[1], [0], [0], [1], [0, 0, 1, 1], [], []>, transpose_lhs_hint = false} : vector<64x64xf32>, vector<64x128xf32>, vector<64x128xf32> -> vector<64x128xf32>
    %get3A_85 = arith.constant 0 : index
    %get3A_86 = arith.constant 0 : index
    %get3A_87 = vector.load %arg12[%get3A_85, %get3A_86] : memref<1x64xf32, #tpu.memory_space<vmem>>, vector<1x64xf32>
    %get3A_88 = arith.constant 0 : index
    %get3A_89 = arith.constant 0 : index
    %get3A_90 = vector.load %arg18[%get3A_88, %get3A_89] : memref<64x128xf32, #tpu.memory_space<vmem>>, vector<64x128xf32>
    %dot_general3A_91 = arith.constant dense<0.000000e+00> : vector<1x128xf32>
    %dot_general3A_92 = tpu.matmul %get3A_87, %get3A_90, %dot_general3A_91 {dimension_numbers = #tpu.dot_dimension_numbers<[1], [0], [0], [1], [0, 0, 1, 1], [], []>, transpose_lhs_hint = false} : vector<1x64xf32>, vector<64x128xf32>, vector<1x128xf32> -> vector<1x128xf32>
    %get3A_93 = arith.constant 0 : index
    %get3A_94 = arith.constant 0 : index
    %get3A_95 = vector.load %arg19[%get3A_93, %get3A_94] : memref<1x128xf32, #tpu.memory_space<vmem>>, vector<1x128xf32>
    %add3A_96 = arith.addf %dot_general3A_92, %get3A_95 : vector<1x128xf32>
    %dot_general3A_97 = arith.constant dense<0.000000e+00> : vector<3200x128xf32>
    %dot_general3A_98 = tpu.matmul %get3A_73, %dot_general3A_84, %dot_general3A_97 {dimension_numbers = #tpu.dot_dimension_numbers<[1], [0], [0], [1], [0, 0, 1, 1], [], []>, transpose_lhs_hint = false} : vector<3200x64xf32>, vector<64x128xf32>, vector<3200x128xf32> -> vector<3200x128xf32>
    %add3A_99 = vector.broadcast %add3A_96 : vector<1x128xf32> to vector<3200x128xf32>
    %add3A_100 = arith.addf %dot_general3A_98, %add3A_99 : vector<3200x128xf32>
    %tanh3A_101 = math.tanh %add3A_100 : vector<3200x128xf32>
    %get3A_102 = arith.constant 0 : index
    %get3A_103 = arith.constant 0 : index
    %get3A_104 = vector.load %arg20[%get3A_102, %get3A_103] : memref<1x128xf32, #tpu.memory_space<vmem>>, vector<1x128xf32>
    %reshape3A_105 = vector.shape_cast %get3A_104 : vector<1x128xf32> to vector<128x1xf32>
    %dot_general3A_106 = arith.constant dense<0.000000e+00> : vector<3200x1xf32>
    %dot_general3A_107 = tpu.matmul %tanh3A_101, %reshape3A_105, %dot_general3A_106 {dimension_numbers = #tpu.dot_dimension_numbers<[1], [0], [0], [1], [0, 0, 1, 1], [], []>, transpose_lhs_hint = false} : vector<3200x128xf32>, vector<128x1xf32>, vector<3200x1xf32> -> vector<3200x1xf32>
    %reshape3A_108 = vector.shape_cast %dot_general3A_107 : vector<3200x1xf32> to vector<64x50xf32>
    %eq3A_109 = arith.constant 0 : i32
    %eq3A_110 = vector.broadcast %eq3A_109 : i32 to vector<64x50xi32>
    %eq3A_111 = arith.cmpi eq, %get3A_76, %eq3A_110 : vector<64x50xi32>
    %jit3A_112 = arith.constant -1.000000e+09 : f32
    %broadcast_in_dim3A_113 = vector.broadcast %jit3A_112 : f32 to vector<64x50xf32>
    %select_n3A_114 = arith.select %eq3A_111, %broadcast_in_dim3A_113, %reshape3A_108 : vector<64x50xi1>, vector<64x50xf32>
    %reduce_max3A_115 = arith.constant dense<0xFF800000> : vector<64xf32>
    %reduce_max3A_116 = vector.multi_reduction <maximumf>, %select_n3A_114, %reduce_max3A_115 [1] : vector<64x50xf32> to vector<64xf32>
    %max3A_117 = arith.constant 0xFF800000 : f32
    %max3A_118 = vector.broadcast %max3A_117 : f32 to vector<64xf32>
    %max3A_119 = arith.maximumf %max3A_118, %reduce_max3A_116 : vector<64xf32>
    %broadcast_in_dim3A_120 = vector.shape_cast %max3A_119 : vector<64xf32> to vector<64x1xf32>
    %sub3A_121 = vector.broadcast %broadcast_in_dim3A_120 : vector<64x1xf32> to vector<64x50xf32>
    %sub3A_122 = arith.subf %select_n3A_114, %sub3A_121 : vector<64x50xf32>
    %exp3A_123 = math.exp %sub3A_122 : vector<64x50xf32>
    %reduce_sum3A_124 = arith.constant dense<0.000000e+00> : vector<64xf32>
    %reduce_sum3A_125 = vector.multi_reduction <add>, %exp3A_123, %reduce_sum3A_124 [1] : vector<64x50xf32> to vector<64xf32>
    %broadcast_in_dim3A_126 = vector.shape_cast %reduce_sum3A_125 : vector<64xf32> to vector<64x1xf32>
    %div3A_127 = vector.broadcast %broadcast_in_dim3A_126 : vector<64x1xf32> to vector<64x50xf32>
    %div3A_128 = arith.divf %exp3A_123, %div3A_127 : vector<64x50xf32>
    %broadcast_in_dim3A_129 = vector.shape_cast %div3A_128 : vector<64x50xf32> to vector<64x50x1xf32>
    %reshape3A_130 = vector.shape_cast %get3A_73 : vector<3200x64xf32> to vector<64x50x64xf32>
    %mul3A_131 = vector.broadcast %broadcast_in_dim3A_129 : vector<64x50x1xf32> to vector<64x50x64xf32>
    %mul3A_132 = arith.mulf %mul3A_131, %reshape3A_130 : vector<64x50x64xf32>
    %reduce_sum3A_133 = arith.constant dense<0.000000e+00> : vector<64x64xf32>
    %reduce_sum3A_134 = vector.multi_reduction <add>, %mul3A_132, %reduce_sum3A_133 [1] : vector<64x50x64xf32> to vector<64x64xf32>
    %get3A_135 = arith.constant 0 : index
    %get3A_136 = arith.constant 0 : index
    %get3A_137 = vector.load %arg11[%get3A_135, %get3A_136] : memref<64x64xf32, #tpu.memory_space<vmem>>, vector<64x64xf32>
    %dot_general3A_138 = arith.constant dense<0.000000e+00> : vector<64x64xf32>
    %dot_general3A_139 = tpu.matmul %reduce_sum3A_134, %get3A_137, %dot_general3A_138 {dimension_numbers = #tpu.dot_dimension_numbers<[1], [0], [0], [1], [0, 0, 1, 1], [], []>, transpose_lhs_hint = false} : vector<64x64xf32>, vector<64x64xf32>, vector<64x64xf32> -> vector<64x64xf32>
    %get3A_140 = arith.constant 0 : index
    %get3A_141 = arith.constant 0 : index
    %get3A_142 = vector.load %arg12[%get3A_140, %get3A_141] : memref<1x64xf32, #tpu.memory_space<vmem>>, vector<1x64xf32>
    %add3A_143 = vector.broadcast %get3A_142 : vector<1x64xf32> to vector<64x64xf32>
    %add3A_144 = arith.addf %dot_general3A_139, %add3A_143 : vector<64x64xf32>
    %get3A_145 = arith.constant 0 : index
    %get3A_146 = arith.constant 0 : index
    %get3A_147 = vector.load %arg3[%get3A_145, %get3A_146] : memref<3200x64xf32, #tpu.memory_space<vmem>>, vector<3200x64xf32>
    %get3A_148 = arith.constant 0 : index
    %get3A_149 = arith.constant 0 : index
    %get3A_150 = vector.load %arg8[%get3A_148, %get3A_149] : memref<64x50xi32, #tpu.memory_space<vmem>>, vector<64x50xi32>
    %get3A_151 = arith.constant 0 : index
    %get3A_152 = arith.constant 0 : index
    %get3A_153 = vector.load %arg11[%get3A_151, %get3A_152] : memref<64x64xf32, #tpu.memory_space<vmem>>, vector<64x64xf32>
    %get3A_154 = arith.constant 0 : index
    %get3A_155 = arith.constant 0 : index
    %get3A_156 = vector.load %arg21[%get3A_154, %get3A_155] : memref<64x128xf32, #tpu.memory_space<vmem>>, vector<64x128xf32>
    %dot_general3A_157 = arith.constant dense<0.000000e+00> : vector<64x128xf32>
    %dot_general3A_158 = tpu.matmul %get3A_153, %get3A_156, %dot_general3A_157 {dimension_numbers = #tpu.dot_dimension_numbers<[1], [0], [0], [1], [0, 0, 1, 1], [], []>, transpose_lhs_hint = false} : vector<64x64xf32>, vector<64x128xf32>, vector<64x128xf32> -> vector<64x128xf32>
    %get3A_159 = arith.constant 0 : index
    %get3A_160 = arith.constant 0 : index
    %get3A_161 = vector.load %arg12[%get3A_159, %get3A_160] : memref<1x64xf32, #tpu.memory_space<vmem>>, vector<1x64xf32>
    %get3A_162 = arith.constant 0 : index
    %get3A_163 = arith.constant 0 : index
    %get3A_164 = vector.load %arg21[%get3A_162, %get3A_163] : memref<64x128xf32, #tpu.memory_space<vmem>>, vector<64x128xf32>
    %dot_general3A_165 = arith.constant dense<0.000000e+00> : vector<1x128xf32>
    %dot_general3A_166 = tpu.matmul %get3A_161, %get3A_164, %dot_general3A_165 {dimension_numbers = #tpu.dot_dimension_numbers<[1], [0], [0], [1], [0, 0, 1, 1], [], []>, transpose_lhs_hint = false} : vector<1x64xf32>, vector<64x128xf32>, vector<1x128xf32> -> vector<1x128xf32>
    %get3A_167 = arith.constant 0 : index
    %get3A_168 = arith.constant 0 : index
    %get3A_169 = vector.load %arg22[%get3A_167, %get3A_168] : memref<1x128xf32, #tpu.memory_space<vmem>>, vector<1x128xf32>
    %add3A_170 = arith.addf %dot_general3A_166, %get3A_169 : vector<1x128xf32>
    %dot_general3A_171 = arith.constant dense<0.000000e+00> : vector<3200x128xf32>
    %dot_general3A_172 = tpu.matmul %get3A_147, %dot_general3A_158, %dot_general3A_171 {dimension_numbers = #tpu.dot_dimension_numbers<[1], [0], [0], [1], [0, 0, 1, 1], [], []>, transpose_lhs_hint = false} : vector<3200x64xf32>, vector<64x128xf32>, vector<3200x128xf32> -> vector<3200x128xf32>
    %add3A_173 = vector.broadcast %add3A_170 : vector<1x128xf32> to vector<3200x128xf32>
    %add3A_174 = arith.addf %dot_general3A_172, %add3A_173 : vector<3200x128xf32>
    %tanh3A_175 = math.tanh %add3A_174 : vector<3200x128xf32>
    %get3A_176 = arith.constant 0 : index
    %get3A_177 = arith.constant 0 : index
    %get3A_178 = vector.load %arg23[%get3A_176, %get3A_177] : memref<1x128xf32, #tpu.memory_space<vmem>>, vector<1x128xf32>
    %reshape3A_179 = vector.shape_cast %get3A_178 : vector<1x128xf32> to vector<128x1xf32>
    %dot_general3A_180 = arith.constant dense<0.000000e+00> : vector<3200x1xf32>
    %dot_general3A_181 = tpu.matmul %tanh3A_175, %reshape3A_179, %dot_general3A_180 {dimension_numbers = #tpu.dot_dimension_numbers<[1], [0], [0], [1], [0, 0, 1, 1], [], []>, transpose_lhs_hint = false} : vector<3200x128xf32>, vector<128x1xf32>, vector<3200x1xf32> -> vector<3200x1xf32>
    %reshape3A_182 = vector.shape_cast %dot_general3A_181 : vector<3200x1xf32> to vector<64x50xf32>
    %eq3A_183 = arith.constant 0 : i32
    %eq3A_184 = vector.broadcast %eq3A_183 : i32 to vector<64x50xi32>
    %eq3A_185 = arith.cmpi eq, %get3A_150, %eq3A_184 : vector<64x50xi32>
    %jit3A_186 = arith.constant -1.000000e+09 : f32
    %broadcast_in_dim3A_187 = vector.broadcast %jit3A_186 : f32 to vector<64x50xf32>
    %select_n3A_188 = arith.select %eq3A_185, %broadcast_in_dim3A_187, %reshape3A_182 : vector<64x50xi1>, vector<64x50xf32>
    %reduce_max3A_189 = arith.constant dense<0xFF800000> : vector<64xf32>
    %reduce_max3A_190 = vector.multi_reduction <maximumf>, %select_n3A_188, %reduce_max3A_189 [1] : vector<64x50xf32> to vector<64xf32>
    %max3A_191 = arith.constant 0xFF800000 : f32
    %max3A_192 = vector.broadcast %max3A_191 : f32 to vector<64xf32>
    %max3A_193 = arith.maximumf %max3A_192, %reduce_max3A_190 : vector<64xf32>
    %broadcast_in_dim3A_194 = vector.shape_cast %max3A_193 : vector<64xf32> to vector<64x1xf32>
    %sub3A_195 = vector.broadcast %broadcast_in_dim3A_194 : vector<64x1xf32> to vector<64x50xf32>
    %sub3A_196 = arith.subf %select_n3A_188, %sub3A_195 : vector<64x50xf32>
    %exp3A_197 = math.exp %sub3A_196 : vector<64x50xf32>
    %reduce_sum3A_198 = arith.constant dense<0.000000e+00> : vector<64xf32>
    %reduce_sum3A_199 = vector.multi_reduction <add>, %exp3A_197, %reduce_sum3A_198 [1] : vector<64x50xf32> to vector<64xf32>
    %broadcast_in_dim3A_200 = vector.shape_cast %reduce_sum3A_199 : vector<64xf32> to vector<64x1xf32>
    %div3A_201 = vector.broadcast %broadcast_in_dim3A_200 : vector<64x1xf32> to vector<64x50xf32>
    %div3A_202 = arith.divf %exp3A_197, %div3A_201 : vector<64x50xf32>
    %broadcast_in_dim3A_203 = vector.shape_cast %div3A_202 : vector<64x50xf32> to vector<64x50x1xf32>
    %reshape3A_204 = vector.shape_cast %get3A_147 : vector<3200x64xf32> to vector<64x50x64xf32>
    %mul3A_205 = vector.broadcast %broadcast_in_dim3A_203 : vector<64x50x1xf32> to vector<64x50x64xf32>
    %mul3A_206 = arith.mulf %mul3A_205, %reshape3A_204 : vector<64x50x64xf32>
    %reduce_sum3A_207 = arith.constant dense<0.000000e+00> : vector<64x64xf32>
    %reduce_sum3A_208 = vector.multi_reduction <add>, %mul3A_206, %reduce_sum3A_207 [1] : vector<64x50x64xf32> to vector<64x64xf32>
    %get3A_209 = arith.constant 0 : index
    %get3A_210 = arith.constant 0 : index
    %get3A_211 = vector.load %arg11[%get3A_209, %get3A_210] : memref<64x64xf32, #tpu.memory_space<vmem>>, vector<64x64xf32>
    %dot_general3A_212 = arith.constant dense<0.000000e+00> : vector<64x64xf32>
    %dot_general3A_213 = tpu.matmul %reduce_sum3A_208, %get3A_211, %dot_general3A_212 {dimension_numbers = #tpu.dot_dimension_numbers<[1], [0], [0], [1], [0, 0, 1, 1], [], []>, transpose_lhs_hint = false} : vector<64x64xf32>, vector<64x64xf32>, vector<64x64xf32> -> vector<64x64xf32>
    %get3A_214 = arith.constant 0 : index
    %get3A_215 = arith.constant 0 : index
    %get3A_216 = vector.load %arg12[%get3A_214, %get3A_215] : memref<1x64xf32, #tpu.memory_space<vmem>>, vector<1x64xf32>
    %add3A_217 = vector.broadcast %get3A_216 : vector<1x64xf32> to vector<64x64xf32>
    %add3A_218 = arith.addf %dot_general3A_213, %add3A_217 : vector<64x64xf32>
    %get3A_219 = arith.constant 0 : index
    %get3A_220 = arith.constant 0 : index
    %get3A_221 = vector.load %arg1[%get3A_219, %get3A_220] : memref<3200x64xf32, #tpu.memory_space<vmem>>, vector<3200x64xf32>
    %get3A_222 = arith.constant 0 : index
    %get3A_223 = arith.constant 0 : index
    %get3A_224 = vector.load %arg6[%get3A_222, %get3A_223] : memref<64x50xi32, #tpu.memory_space<vmem>>, vector<64x50xi32>
    %ne3A = arith.constant 0 : i32
    %ne3A_225 = vector.broadcast %ne3A : i32 to vector<64x50xi32>
    %ne3A_226 = arith.cmpi ne, %get3A_224, %ne3A_225 : vector<64x50xi32>
    %convert_element_type3A = arith.extui %ne3A_226 : vector<64x50xi1> to vector<64x50xi32>
    %convert_element_type3A_227 = arith.sitofp %convert_element_type3A : vector<64x50xi32> to vector<64x50xf32>
    %broadcast_in_dim3A_228 = vector.shape_cast %convert_element_type3A_227 : vector<64x50xf32> to vector<64x50x1xf32>
    %reshape3A_229 = vector.shape_cast %get3A_221 : vector<3200x64xf32> to vector<64x50x64xf32>
    %mul3A_230 = vector.broadcast %broadcast_in_dim3A_228 : vector<64x50x1xf32> to vector<64x50x64xf32>
    %mul3A_231 = arith.mulf %mul3A_230, %reshape3A_229 : vector<64x50x64xf32>
    %reduce_sum3A_232 = arith.constant dense<0.000000e+00> : vector<64x64xf32>
    %reduce_sum3A_233 = vector.multi_reduction <add>, %mul3A_231, %reduce_sum3A_232 [1] : vector<64x50x64xf32> to vector<64x64xf32>
    %reduce_sum3A_234 = arith.constant dense<0.000000e+00> : vector<64xf32>
    %reduce_sum3A_235 = vector.multi_reduction <add>, %convert_element_type3A_227, %reduce_sum3A_234 [1] : vector<64x50xf32> to vector<64xf32>
    %broadcast_in_dim3A_236 = vector.shape_cast %reduce_sum3A_235 : vector<64xf32> to vector<64x1xf32>
    %max3A_237 = arith.constant 1.000000e+00 : f32
    %max3A_238 = vector.broadcast %max3A_237 : f32 to vector<64x1xf32>
    %max3A_239 = arith.maximumf %broadcast_in_dim3A_236, %max3A_238 : vector<64x1xf32>
    %div3A_240 = vector.broadcast %max3A_239 : vector<64x1xf32> to vector<64x64xf32>
    %div3A_241 = arith.divf %reduce_sum3A_233, %div3A_240 : vector<64x64xf32>
    %get3A_242 = arith.constant 0 : index
    %get3A_243 = arith.constant 0 : index
    %get3A_244 = vector.load %arg31[%get3A_242, %get3A_243] : memref<64x64xf32, #tpu.memory_space<vmem>>, vector<64x64xf32>
    %dot_general3A_245 = arith.constant dense<0.000000e+00> : vector<64x64xf32>
    %dot_general3A_246 = tpu.matmul %div3A_241, %get3A_244, %dot_general3A_245 {dimension_numbers = #tpu.dot_dimension_numbers<[1], [0], [0], [1], [0, 0, 1, 1], [], []>, transpose_lhs_hint = false} : vector<64x64xf32>, vector<64x64xf32>, vector<64x64xf32> -> vector<64x64xf32>
    %get3A_247 = arith.constant 0 : index
    %get3A_248 = arith.constant 0 : index
    %get3A_249 = vector.load %arg32[%get3A_247, %get3A_248] : memref<1x64xf32, #tpu.memory_space<vmem>>, vector<1x64xf32>
    %add3A_250 = vector.broadcast %get3A_249 : vector<1x64xf32> to vector<64x64xf32>
    %add3A_251 = arith.addf %dot_general3A_246, %add3A_250 : vector<64x64xf32>
    %tanh3A_252 = math.tanh %add3A_251 : vector<64x64xf32>
    %get3A_253 = arith.constant 0 : index
    %get3A_254 = arith.constant 0 : index
    %get3A_255 = vector.load %arg33[%get3A_253, %get3A_254] : memref<64x64xf32, #tpu.memory_space<vmem>>, vector<64x64xf32>
    %dot_general3A_256 = arith.constant dense<0.000000e+00> : vector<64x64xf32>
    %dot_general3A_257 = tpu.matmul %tanh3A_252, %get3A_255, %dot_general3A_256 {dimension_numbers = #tpu.dot_dimension_numbers<[1], [0], [0], [1], [0, 0, 1, 1], [], []>, transpose_lhs_hint = false} : vector<64x64xf32>, vector<64x64xf32>, vector<64x64xf32> -> vector<64x64xf32>
    %get3A_258 = arith.constant 0 : index
    %get3A_259 = arith.constant 0 : index
    %get3A_260 = vector.load %arg34[%get3A_258, %get3A_259] : memref<1x64xf32, #tpu.memory_space<vmem>>, vector<1x64xf32>
    %add3A_261 = vector.broadcast %get3A_260 : vector<1x64xf32> to vector<64x64xf32>
    %add3A_262 = arith.addf %dot_general3A_257, %add3A_261 : vector<64x64xf32>
    %tanh3A_263 = math.tanh %add3A_262 : vector<64x64xf32>
    %sub3A_264 = arith.subf %tanh3A_263, %add3A_218 : vector<64x64xf32>
    %mul3A_265 = arith.mulf %sub3A_264, %sub3A_264 : vector<64x64xf32>
    %reduce_sum3A_266 = vector.shape_cast %mul3A_265 : vector<64x64xf32> to vector<1x64x64xf32>
    %reduce_sum3A_267 = arith.constant dense<0.000000e+00> : vector<1xf32>
    %reduce_sum3A_268 = vector.multi_reduction <add>, %reduce_sum3A_266, %reduce_sum3A_267 [1, 2] : vector<1x64x64xf32> to vector<1xf32>
    %reduce_sum3A_269 = vector.shape_cast %reduce_sum3A_268 : vector<1xf32> to vector<1x1x1xf32>
    %reduce_sum3A_270 = vector.extract %reduce_sum3A_269[0, 0, 0] : f32 from vector<1x1x1xf32>
    %div3A_271 = arith.constant 2.44140625E-4 : f32
    %div3A_272 = arith.constant 6.400000e+01 : f32
    %div3A_273 = arith.divf %div3A_271, %div3A_272 : f32
    %mul3A_274 = arith.mulf %reduce_sum3A_270, %div3A_273 : f32
    %concatenate3A = tpu.concatenate %tanh3A_263, %add3A_218 in 1 : vector<64x64xf32>, vector<64x64xf32> -> vector<64x128xf32>
    %get3A_275 = arith.constant 0 : index
    %get3A_276 = arith.constant 0 : index
    %get3A_277 = vector.load %arg35[%get3A_275, %get3A_276] : memref<128x80xf32, #tpu.memory_space<vmem>>, vector<128x80xf32>
    %dot_general3A_278 = arith.constant dense<0.000000e+00> : vector<64x80xf32>
    %dot_general3A_279 = tpu.matmul %concatenate3A, %get3A_277, %dot_general3A_278 {dimension_numbers = #tpu.dot_dimension_numbers<[1], [0], [0], [1], [0, 0, 1, 1], [], []>, transpose_lhs_hint = false} : vector<64x128xf32>, vector<128x80xf32>, vector<64x80xf32> -> vector<64x80xf32>
    %get3A_280 = arith.constant 0 : index
    %get3A_281 = arith.constant 0 : index
    %get3A_282 = vector.load %arg36[%get3A_280, %get3A_281] : memref<1x80xf32, #tpu.memory_space<vmem>>, vector<1x80xf32>
    %add3A_283 = vector.broadcast %get3A_282 : vector<1x80xf32> to vector<64x80xf32>
    %add3A_284 = arith.addf %dot_general3A_279, %add3A_283 : vector<64x80xf32>
    %max3A_285 = arith.constant 0.000000e+00 : f32
    %max3A_286 = vector.broadcast %max3A_285 : f32 to vector<64x80xf32>
    %max3A_287 = arith.maximumf %add3A_284, %max3A_286 : vector<64x80xf32>
    %get3A_288 = arith.constant 0 : index
    %get3A_289 = arith.constant 0 : index
    %get3A_290 = vector.load %arg37[%get3A_288, %get3A_289] : memref<1x80xf32, #tpu.memory_space<vmem>>, vector<1x80xf32>
    %mul3A_291 = vector.broadcast %get3A_290 : vector<1x80xf32> to vector<64x80xf32>
    %mul3A_292 = arith.mulf %max3A_287, %mul3A_291 : vector<64x80xf32>
    %reduce_sum3A_293 = arith.constant dense<0.000000e+00> : vector<64xf32>
    %reduce_sum3A_294 = vector.multi_reduction <add>, %mul3A_292, %reduce_sum3A_293 [1] : vector<64x80xf32> to vector<64xf32>
    %broadcast_in_dim3A_295 = vector.shape_cast %reduce_sum3A_294 : vector<64xf32> to vector<64x1xf32>
    %get3A_296 = arith.constant 0 : index
    %get3A_297 = arith.constant 0 : index
    %get3A_298 = vector.load %arg38[%get3A_296, %get3A_297] : memref<1x1xf32, #tpu.memory_space<vmem>>, vector<1x1xf32>
    %add3A_299 = vector.broadcast %get3A_298 : vector<1x1xf32> to vector<64x1xf32>
    %add3A_300 = arith.addf %broadcast_in_dim3A_295, %add3A_299 : vector<64x1xf32>
    %logistic3A = arith.negf %add3A_300 : vector<64x1xf32>
    %logistic3A_301 = math.exp %logistic3A : vector<64x1xf32>
    %logistic3A_302 = arith.constant 1.000000e+00 : f32
    %logistic3A_303 = vector.broadcast %logistic3A_302 : f32 to vector<64x1xf32>
    %logistic3A_304 = arith.addf %logistic3A_303, %logistic3A_301 : vector<64x1xf32>
    %logistic3A_305 = arith.divf %logistic3A_303, %logistic3A_304 : vector<64x1xf32>
    %mul3A_306 = vector.broadcast %logistic3A_305 : vector<64x1xf32> to vector<64x64xf32>
    %mul3A_307 = arith.mulf %mul3A_306, %tanh3A_263 : vector<64x64xf32>
    %sub3A_308 = arith.constant 1.000000e+00 : f32
    %sub3A_309 = vector.broadcast %sub3A_308 : f32 to vector<64x1xf32>
    %sub3A_310 = arith.subf %sub3A_309, %logistic3A_305 : vector<64x1xf32>
    %mul3A_311 = vector.broadcast %sub3A_310 : vector<64x1xf32> to vector<64x64xf32>
    %mul3A_312 = arith.mulf %mul3A_311, %add3A_218 : vector<64x64xf32>
    %add3A_313 = arith.addf %mul3A_307, %mul3A_312 : vector<64x64xf32>
    %get3A_314 = arith.constant 0 : index
    %get3A_315 = arith.constant 0 : index
    %get3A_316 = vector.load %arg26[%get3A_314, %get3A_315] : memref<64x128xf32, #tpu.memory_space<vmem>>, vector<64x128xf32>
    %dot_general3A_317 = arith.constant dense<0.000000e+00> : vector<64x128xf32>
    %dot_general3A_318 = tpu.matmul %add3A_313, %get3A_316, %dot_general3A_317 {dimension_numbers = #tpu.dot_dimension_numbers<[1], [0], [0], [1], [0, 0, 1, 1], [], []>, transpose_lhs_hint = false} : vector<64x64xf32>, vector<64x128xf32>, vector<64x128xf32> -> vector<64x128xf32>
    %get3A_319 = arith.constant 0 : index
    %get3A_320 = arith.constant 0 : index
    %get3A_321 = vector.load %arg27[%get3A_319, %get3A_320] : memref<1x128xf32, #tpu.memory_space<vmem>>, vector<1x128xf32>
    %add3A_322 = vector.broadcast %get3A_321 : vector<1x128xf32> to vector<64x128xf32>
    %add3A_323 = arith.addf %dot_general3A_318, %add3A_322 : vector<64x128xf32>
    %tanh3A_324 = math.tanh %add3A_323 : vector<64x128xf32>
    %get3A_325 = arith.constant 0 : index
    %get3A_326 = arith.constant 0 : index
    %get3A_327 = vector.load %arg28[%get3A_325, %get3A_326] : memref<128x100xf32, #tpu.memory_space<vmem>>, vector<128x100xf32>
    %dot_general3A_328 = arith.constant dense<0.000000e+00> : vector<64x100xf32>
    %dot_general3A_329 = tpu.matmul %tanh3A_324, %get3A_327, %dot_general3A_328 {dimension_numbers = #tpu.dot_dimension_numbers<[1], [0], [0], [1], [0, 0, 1, 1], [], []>, transpose_lhs_hint = false} : vector<64x128xf32>, vector<128x100xf32>, vector<64x100xf32> -> vector<64x100xf32>
    %get3A_330 = arith.constant 0 : index
    %get3A_331 = arith.constant 0 : index
    %get3A_332 = vector.load %arg29[%get3A_330, %get3A_331] : memref<1x100xf32, #tpu.memory_space<vmem>>, vector<1x100xf32>
    %add3A_333 = vector.broadcast %get3A_332 : vector<1x100xf32> to vector<64x100xf32>
    %add3A_334 = arith.addf %dot_general3A_329, %add3A_333 : vector<64x100xf32>
    %tanh3A_335 = math.tanh %add3A_334 : vector<64x100xf32>
    %get3A_336 = arith.constant 0 : index
    %get3A_337 = arith.constant 0 : index
    %get3A_338 = vector.load %arg30[%get3A_336, %get3A_337] : memref<1x100xf32, #tpu.memory_space<vmem>>, vector<1x100xf32>
    %reshape3A_339 = vector.shape_cast %get3A_338 : vector<1x100xf32> to vector<100x1xf32>
    %dot_general3A_340 = arith.constant dense<0.000000e+00> : vector<64x1xf32>
    %dot_general3A_341 = tpu.matmul %tanh3A_335, %reshape3A_339, %dot_general3A_340 {dimension_numbers = #tpu.dot_dimension_numbers<[1], [0], [0], [1], [0, 0, 1, 1], [], []>, transpose_lhs_hint = false} : vector<64x100xf32>, vector<100x1xf32>, vector<64x1xf32> -> vector<64x1xf32>
    %get3A_342 = arith.constant 0 : index
    %get3A_343 = arith.constant 0 : index
    %get3A_344 = vector.load %arg26[%get3A_342, %get3A_343] : memref<64x128xf32, #tpu.memory_space<vmem>>, vector<64x128xf32>
    %dot_general3A_345 = arith.constant dense<0.000000e+00> : vector<64x128xf32>
    %dot_general3A_346 = tpu.matmul %add3A_70, %get3A_344, %dot_general3A_345 {dimension_numbers = #tpu.dot_dimension_numbers<[1], [0], [0], [1], [0, 0, 1, 1], [], []>, transpose_lhs_hint = false} : vector<64x64xf32>, vector<64x128xf32>, vector<64x128xf32> -> vector<64x128xf32>
    %get3A_347 = arith.constant 0 : index
    %get3A_348 = arith.constant 0 : index
    %get3A_349 = vector.load %arg27[%get3A_347, %get3A_348] : memref<1x128xf32, #tpu.memory_space<vmem>>, vector<1x128xf32>
    %add3A_350 = vector.broadcast %get3A_349 : vector<1x128xf32> to vector<64x128xf32>
    %add3A_351 = arith.addf %dot_general3A_346, %add3A_350 : vector<64x128xf32>
    %tanh3A_352 = math.tanh %add3A_351 : vector<64x128xf32>
    %get3A_353 = arith.constant 0 : index
    %get3A_354 = arith.constant 0 : index
    %get3A_355 = vector.load %arg28[%get3A_353, %get3A_354] : memref<128x100xf32, #tpu.memory_space<vmem>>, vector<128x100xf32>
    %dot_general3A_356 = arith.constant dense<0.000000e+00> : vector<64x100xf32>
    %dot_general3A_357 = tpu.matmul %tanh3A_352, %get3A_355, %dot_general3A_356 {dimension_numbers = #tpu.dot_dimension_numbers<[1], [0], [0], [1], [0, 0, 1, 1], [], []>, transpose_lhs_hint = false} : vector<64x128xf32>, vector<128x100xf32>, vector<64x100xf32> -> vector<64x100xf32>
    %get3A_358 = arith.constant 0 : index
    %get3A_359 = arith.constant 0 : index
    %get3A_360 = vector.load %arg29[%get3A_358, %get3A_359] : memref<1x100xf32, #tpu.memory_space<vmem>>, vector<1x100xf32>
    %add3A_361 = vector.broadcast %get3A_360 : vector<1x100xf32> to vector<64x100xf32>
    %add3A_362 = arith.addf %dot_general3A_357, %add3A_361 : vector<64x100xf32>
    %tanh3A_363 = math.tanh %add3A_362 : vector<64x100xf32>
    %get3A_364 = arith.constant 0 : index
    %get3A_365 = arith.constant 0 : index
    %get3A_366 = vector.load %arg30[%get3A_364, %get3A_365] : memref<1x100xf32, #tpu.memory_space<vmem>>, vector<1x100xf32>
    %reshape3A_367 = vector.shape_cast %get3A_366 : vector<1x100xf32> to vector<100x1xf32>
    %dot_general3A_368 = arith.constant dense<0.000000e+00> : vector<64x1xf32>
    %dot_general3A_369 = tpu.matmul %tanh3A_363, %reshape3A_367, %dot_general3A_368 {dimension_numbers = #tpu.dot_dimension_numbers<[1], [0], [0], [1], [0, 0, 1, 1], [], []>, transpose_lhs_hint = false} : vector<64x100xf32>, vector<100x1xf32>, vector<64x1xf32> -> vector<64x1xf32>
    %get3A_370 = arith.constant 0 : index
    %get3A_371 = arith.constant 0 : index
    %get3A_372 = vector.load %arg26[%get3A_370, %get3A_371] : memref<64x128xf32, #tpu.memory_space<vmem>>, vector<64x128xf32>
    %dot_general3A_373 = arith.constant dense<0.000000e+00> : vector<64x128xf32>
    %dot_general3A_374 = tpu.matmul %add3A_144, %get3A_372, %dot_general3A_373 {dimension_numbers = #tpu.dot_dimension_numbers<[1], [0], [0], [1], [0, 0, 1, 1], [], []>, transpose_lhs_hint = false} : vector<64x64xf32>, vector<64x128xf32>, vector<64x128xf32> -> vector<64x128xf32>
    %get3A_375 = arith.constant 0 : index
    %get3A_376 = arith.constant 0 : index
    %get3A_377 = vector.load %arg27[%get3A_375, %get3A_376] : memref<1x128xf32, #tpu.memory_space<vmem>>, vector<1x128xf32>
    %add3A_378 = vector.broadcast %get3A_377 : vector<1x128xf32> to vector<64x128xf32>
    %add3A_379 = arith.addf %dot_general3A_374, %add3A_378 : vector<64x128xf32>
    %tanh3A_380 = math.tanh %add3A_379 : vector<64x128xf32>
    %get3A_381 = arith.constant 0 : index
    %get3A_382 = arith.constant 0 : index
    %get3A_383 = vector.load %arg28[%get3A_381, %get3A_382] : memref<128x100xf32, #tpu.memory_space<vmem>>, vector<128x100xf32>
    %dot_general3A_384 = arith.constant dense<0.000000e+00> : vector<64x100xf32>
    %dot_general3A_385 = tpu.matmul %tanh3A_380, %get3A_383, %dot_general3A_384 {dimension_numbers = #tpu.dot_dimension_numbers<[1], [0], [0], [1], [0, 0, 1, 1], [], []>, transpose_lhs_hint = false} : vector<64x128xf32>, vector<128x100xf32>, vector<64x100xf32> -> vector<64x100xf32>
    %get3A_386 = arith.constant 0 : index
    %get3A_387 = arith.constant 0 : index
    %get3A_388 = vector.load %arg29[%get3A_386, %get3A_387] : memref<1x100xf32, #tpu.memory_space<vmem>>, vector<1x100xf32>
    %add3A_389 = vector.broadcast %get3A_388 : vector<1x100xf32> to vector<64x100xf32>
    %add3A_390 = arith.addf %dot_general3A_385, %add3A_389 : vector<64x100xf32>
    %tanh3A_391 = math.tanh %add3A_390 : vector<64x100xf32>
    %get3A_392 = arith.constant 0 : index
    %get3A_393 = arith.constant 0 : index
    %get3A_394 = vector.load %arg30[%get3A_392, %get3A_393] : memref<1x100xf32, #tpu.memory_space<vmem>>, vector<1x100xf32>
    %reshape3A_395 = vector.shape_cast %get3A_394 : vector<1x100xf32> to vector<100x1xf32>
    %dot_general3A_396 = arith.constant dense<0.000000e+00> : vector<64x1xf32>
    %dot_general3A_397 = tpu.matmul %tanh3A_391, %reshape3A_395, %dot_general3A_396 {dimension_numbers = #tpu.dot_dimension_numbers<[1], [0], [0], [1], [0, 0, 1, 1], [], []>, transpose_lhs_hint = false} : vector<64x100xf32>, vector<100x1xf32>, vector<64x1xf32> -> vector<64x1xf32>
    %concatenate3A_398 = tpu.concatenate %dot_general3A_341, %dot_general3A_369, %dot_general3A_397 in 1 : vector<64x1xf32>, vector<64x1xf32>, vector<64x1xf32> -> vector<64x3xf32>
    %reduce_max3A_399 = arith.constant dense<0xFF800000> : vector<64xf32>
    %reduce_max3A_400 = vector.multi_reduction <maximumf>, %concatenate3A_398, %reduce_max3A_399 [1] : vector<64x3xf32> to vector<64xf32>
    %max3A_401 = arith.constant 0xFF800000 : f32
    %max3A_402 = vector.broadcast %max3A_401 : f32 to vector<64xf32>
    %max3A_403 = arith.maximumf %max3A_402, %reduce_max3A_400 : vector<64xf32>
    %broadcast_in_dim3A_404 = vector.shape_cast %max3A_403 : vector<64xf32> to vector<64x1xf32>
    %sub3A_405 = vector.broadcast %broadcast_in_dim3A_404 : vector<64x1xf32> to vector<64x3xf32>
    %sub3A_406 = arith.subf %concatenate3A_398, %sub3A_405 : vector<64x3xf32>
    %exp3A_407 = math.exp %sub3A_406 : vector<64x3xf32>
    %reduce_sum3A_408 = arith.constant dense<0.000000e+00> : vector<64xf32>
    %reduce_sum3A_409 = vector.multi_reduction <add>, %exp3A_407, %reduce_sum3A_408 [1] : vector<64x3xf32> to vector<64xf32>
    %broadcast_in_dim3A_410 = vector.shape_cast %reduce_sum3A_409 : vector<64xf32> to vector<64x1xf32>
    %div3A_411 = vector.broadcast %broadcast_in_dim3A_410 : vector<64x1xf32> to vector<64x3xf32>
    %div3A_412 = arith.divf %exp3A_407, %div3A_411 : vector<64x3xf32>
    %slice3A = vector.extract_strided_slice %div3A_412 {offsets = [0, 0], sizes = [64, 1], strides = [1, 1]} : vector<64x3xf32> to vector<64x1xf32>
    %mul3A_413 = vector.broadcast %slice3A : vector<64x1xf32> to vector<64x128xf32>
    %mul3A_414 = arith.mulf %mul3A_413, %tanh3A_324 : vector<64x128xf32>
    %slice3A_415 = vector.extract_strided_slice %div3A_412 {offsets = [0, 1], sizes = [64, 1], strides = [1, 1]} : vector<64x3xf32> to vector<64x1xf32>
    %mul3A_416 = vector.broadcast %slice3A_415 : vector<64x1xf32> to vector<64x128xf32>
    %mul3A_417 = arith.mulf %mul3A_416, %tanh3A_352 : vector<64x128xf32>
    %add3A_418 = arith.addf %mul3A_414, %mul3A_417 : vector<64x128xf32>
    %slice3A_419 = vector.extract_strided_slice %div3A_412 {offsets = [0, 2], sizes = [64, 1], strides = [1, 1]} : vector<64x3xf32> to vector<64x1xf32>
    %mul3A_420 = vector.broadcast %slice3A_419 : vector<64x1xf32> to vector<64x128xf32>
    %mul3A_421 = arith.mulf %mul3A_420, %tanh3A_380 : vector<64x128xf32>
    %add3A_422 = arith.addf %add3A_418, %mul3A_421 : vector<64x128xf32>
    %get3A_423 = arith.constant 0 : index
    %get3A_424 = arith.constant 0 : index
    %get3A_425 = vector.load %arg5[%get3A_423, %get3A_424] : memref<320x64xf32, #tpu.memory_space<vmem>>, vector<320x64xf32>
    %get3A_426 = arith.constant 0 : index
    %get3A_427 = arith.constant 0 : index
    %get3A_428 = vector.load %arg9[%get3A_426, %get3A_427] : memref<64x5xi32, #tpu.memory_space<vmem>>, vector<64x5xi32>
    %ne3A_429 = arith.constant 0 : i32
    %ne3A_430 = vector.broadcast %ne3A_429 : i32 to vector<64x5xi32>
    %ne3A_431 = arith.cmpi ne, %get3A_428, %ne3A_430 : vector<64x5xi32>
    %convert_element_type3A_432 = arith.extui %ne3A_431 : vector<64x5xi1> to vector<64x5xi32>
    %convert_element_type3A_433 = arith.sitofp %convert_element_type3A_432 : vector<64x5xi32> to vector<64x5xf32>
    %broadcast_in_dim3A_434 = vector.shape_cast %convert_element_type3A_433 : vector<64x5xf32> to vector<64x5x1xf32>
    %reshape3A_435 = vector.shape_cast %get3A_425 : vector<320x64xf32> to vector<64x5x64xf32>
    %mul3A_436 = vector.broadcast %broadcast_in_dim3A_434 : vector<64x5x1xf32> to vector<64x5x64xf32>
    %mul3A_437 = arith.mulf %mul3A_436, %reshape3A_435 : vector<64x5x64xf32>
    %reduce_sum3A_438 = arith.constant dense<0.000000e+00> : vector<64x64xf32>
    %reduce_sum3A_439 = vector.multi_reduction <add>, %mul3A_437, %reduce_sum3A_438 [1] : vector<64x5x64xf32> to vector<64x64xf32>
    %reduce_sum3A_440 = arith.constant dense<0.000000e+00> : vector<64xf32>
    %reduce_sum3A_441 = vector.multi_reduction <add>, %convert_element_type3A_433, %reduce_sum3A_440 [1] : vector<64x5xf32> to vector<64xf32>
    %broadcast_in_dim3A_442 = vector.shape_cast %reduce_sum3A_441 : vector<64xf32> to vector<64x1xf32>
    %max3A_443 = arith.constant 1.000000e+00 : f32
    %max3A_444 = vector.broadcast %max3A_443 : f32 to vector<64x1xf32>
    %max3A_445 = arith.maximumf %broadcast_in_dim3A_442, %max3A_444 : vector<64x1xf32>
    %div3A_446 = vector.broadcast %max3A_445 : vector<64x1xf32> to vector<64x64xf32>
    %div3A_447 = arith.divf %reduce_sum3A_439, %div3A_446 : vector<64x64xf32>
    %get3A_448 = arith.constant 0 : index
    %get3A_449 = arith.constant 0 : index
    %get3A_450 = vector.load %arg31[%get3A_448, %get3A_449] : memref<64x64xf32, #tpu.memory_space<vmem>>, vector<64x64xf32>
    %dot_general3A_451 = arith.constant dense<0.000000e+00> : vector<64x64xf32>
    %dot_general3A_452 = tpu.matmul %div3A_447, %get3A_450, %dot_general3A_451 {dimension_numbers = #tpu.dot_dimension_numbers<[1], [0], [0], [1], [0, 0, 1, 1], [], []>, transpose_lhs_hint = false} : vector<64x64xf32>, vector<64x64xf32>, vector<64x64xf32> -> vector<64x64xf32>
    %get3A_453 = arith.constant 0 : index
    %get3A_454 = arith.constant 0 : index
    %get3A_455 = vector.load %arg32[%get3A_453, %get3A_454] : memref<1x64xf32, #tpu.memory_space<vmem>>, vector<1x64xf32>
    %add3A_456 = vector.broadcast %get3A_455 : vector<1x64xf32> to vector<64x64xf32>
    %add3A_457 = arith.addf %dot_general3A_452, %add3A_456 : vector<64x64xf32>
    %tanh3A_458 = math.tanh %add3A_457 : vector<64x64xf32>
    %get3A_459 = arith.constant 0 : index
    %get3A_460 = arith.constant 0 : index
    %get3A_461 = vector.load %arg33[%get3A_459, %get3A_460] : memref<64x64xf32, #tpu.memory_space<vmem>>, vector<64x64xf32>
    %dot_general3A_462 = arith.constant dense<0.000000e+00> : vector<64x64xf32>
    %dot_general3A_463 = tpu.matmul %tanh3A_458, %get3A_461, %dot_general3A_462 {dimension_numbers = #tpu.dot_dimension_numbers<[1], [0], [0], [1], [0, 0, 1, 1], [], []>, transpose_lhs_hint = false} : vector<64x64xf32>, vector<64x64xf32>, vector<64x64xf32> -> vector<64x64xf32>
    %get3A_464 = arith.constant 0 : index
    %get3A_465 = arith.constant 0 : index
    %get3A_466 = vector.load %arg34[%get3A_464, %get3A_465] : memref<1x64xf32, #tpu.memory_space<vmem>>, vector<1x64xf32>
    %add3A_467 = vector.broadcast %get3A_466 : vector<1x64xf32> to vector<64x64xf32>
    %add3A_468 = arith.addf %dot_general3A_463, %add3A_467 : vector<64x64xf32>
    %tanh3A_469 = math.tanh %add3A_468 : vector<64x64xf32>
    %sub3A_470 = arith.subf %tanh3A_469, %add3A_9 : vector<64x64xf32>
    %mul3A_471 = arith.mulf %sub3A_470, %sub3A_470 : vector<64x64xf32>
    %reduce_sum3A_472 = vector.shape_cast %mul3A_471 : vector<64x64xf32> to vector<1x64x64xf32>
    %reduce_sum3A_473 = arith.constant dense<0.000000e+00> : vector<1xf32>
    %reduce_sum3A_474 = vector.multi_reduction <add>, %reduce_sum3A_472, %reduce_sum3A_473 [1, 2] : vector<1x64x64xf32> to vector<1xf32>
    %reduce_sum3A_475 = vector.shape_cast %reduce_sum3A_474 : vector<1xf32> to vector<1x1x1xf32>
    %reduce_sum3A_476 = vector.extract %reduce_sum3A_475[0, 0, 0] : f32 from vector<1x1x1xf32>
    %div3A_477 = arith.constant 2.44140625E-4 : f32
    %div3A_478 = arith.constant 6.400000e+01 : f32
    %div3A_479 = arith.divf %div3A_477, %div3A_478 : f32
    %mul3A_480 = arith.mulf %reduce_sum3A_476, %div3A_479 : f32
    %concatenate3A_481 = tpu.concatenate %tanh3A_469, %add3A_9 in 1 : vector<64x64xf32>, vector<64x64xf32> -> vector<64x128xf32>
    %get3A_482 = arith.constant 0 : index
    %get3A_483 = arith.constant 0 : index
    %get3A_484 = vector.load %arg39[%get3A_482, %get3A_483] : memref<128x80xf32, #tpu.memory_space<vmem>>, vector<128x80xf32>
    %dot_general3A_485 = arith.constant dense<0.000000e+00> : vector<64x80xf32>
    %dot_general3A_486 = tpu.matmul %concatenate3A_481, %get3A_484, %dot_general3A_485 {dimension_numbers = #tpu.dot_dimension_numbers<[1], [0], [0], [1], [0, 0, 1, 1], [], []>, transpose_lhs_hint = false} : vector<64x128xf32>, vector<128x80xf32>, vector<64x80xf32> -> vector<64x80xf32>
    %get3A_487 = arith.constant 0 : index
    %get3A_488 = arith.constant 0 : index
    %get3A_489 = vector.load %arg40[%get3A_487, %get3A_488] : memref<1x80xf32, #tpu.memory_space<vmem>>, vector<1x80xf32>
    %add3A_490 = vector.broadcast %get3A_489 : vector<1x80xf32> to vector<64x80xf32>
    %add3A_491 = arith.addf %dot_general3A_486, %add3A_490 : vector<64x80xf32>
    %max3A_492 = arith.constant 0.000000e+00 : f32
    %max3A_493 = vector.broadcast %max3A_492 : f32 to vector<64x80xf32>
    %max3A_494 = arith.maximumf %add3A_491, %max3A_493 : vector<64x80xf32>
    %get3A_495 = arith.constant 0 : index
    %get3A_496 = arith.constant 0 : index
    %get3A_497 = vector.load %arg41[%get3A_495, %get3A_496] : memref<1x80xf32, #tpu.memory_space<vmem>>, vector<1x80xf32>
    %mul3A_498 = vector.broadcast %get3A_497 : vector<1x80xf32> to vector<64x80xf32>
    %mul3A_499 = arith.mulf %max3A_494, %mul3A_498 : vector<64x80xf32>
    %reduce_sum3A_500 = arith.constant dense<0.000000e+00> : vector<64xf32>
    %reduce_sum3A_501 = vector.multi_reduction <add>, %mul3A_499, %reduce_sum3A_500 [1] : vector<64x80xf32> to vector<64xf32>
    %broadcast_in_dim3A_502 = vector.shape_cast %reduce_sum3A_501 : vector<64xf32> to vector<64x1xf32>
    %get3A_503 = arith.constant 0 : index
    %get3A_504 = arith.constant 0 : index
    %get3A_505 = vector.load %arg42[%get3A_503, %get3A_504] : memref<1x1xf32, #tpu.memory_space<vmem>>, vector<1x1xf32>
    %add3A_506 = vector.broadcast %get3A_505 : vector<1x1xf32> to vector<64x1xf32>
    %add3A_507 = arith.addf %broadcast_in_dim3A_502, %add3A_506 : vector<64x1xf32>
    %logistic3A_508 = arith.negf %add3A_507 : vector<64x1xf32>
    %logistic3A_509 = math.exp %logistic3A_508 : vector<64x1xf32>
    %logistic3A_510 = arith.constant 1.000000e+00 : f32
    %logistic3A_511 = vector.broadcast %logistic3A_510 : f32 to vector<64x1xf32>
    %logistic3A_512 = arith.addf %logistic3A_511, %logistic3A_509 : vector<64x1xf32>
    %logistic3A_513 = arith.divf %logistic3A_511, %logistic3A_512 : vector<64x1xf32>
    %mul3A_514 = vector.broadcast %logistic3A_513 : vector<64x1xf32> to vector<64x64xf32>
    %mul3A_515 = arith.mulf %mul3A_514, %tanh3A_469 : vector<64x64xf32>
    %sub3A_516 = arith.constant 1.000000e+00 : f32
    %sub3A_517 = vector.broadcast %sub3A_516 : f32 to vector<64x1xf32>
    %sub3A_518 = arith.subf %sub3A_517, %logistic3A_513 : vector<64x1xf32>
    %mul3A_519 = vector.broadcast %sub3A_518 : vector<64x1xf32> to vector<64x64xf32>
    %mul3A_520 = arith.mulf %mul3A_519, %add3A_9 : vector<64x64xf32>
    %add3A_521 = arith.addf %mul3A_515, %mul3A_520 : vector<64x64xf32>
    %get3A_522 = arith.constant 0 : index
    %get3A_523 = arith.constant 0 : index
    %get3A_524 = vector.load %arg24[%get3A_522, %get3A_523] : memref<64x128xf32, #tpu.memory_space<vmem>>, vector<64x128xf32>
    %dot_general3A_525 = arith.constant dense<0.000000e+00> : vector<64x128xf32>
    %dot_general3A_526 = tpu.matmul %add3A_521, %get3A_524, %dot_general3A_525 {dimension_numbers = #tpu.dot_dimension_numbers<[1], [0], [0], [1], [0, 0, 1, 1], [], []>, transpose_lhs_hint = false} : vector<64x64xf32>, vector<64x128xf32>, vector<64x128xf32> -> vector<64x128xf32>
    %get3A_527 = arith.constant 0 : index
    %get3A_528 = arith.constant 0 : index
    %get3A_529 = vector.load %arg25[%get3A_527, %get3A_528] : memref<1x128xf32, #tpu.memory_space<vmem>>, vector<1x128xf32>
    %add3A_530 = vector.broadcast %get3A_529 : vector<1x128xf32> to vector<64x128xf32>
    %add3A_531 = arith.addf %dot_general3A_526, %add3A_530 : vector<64x128xf32>
    %tanh3A_532 = math.tanh %add3A_531 : vector<64x128xf32>
    %mul3A_533 = arith.mulf %tanh3A_532, %add3A_422 : vector<64x128xf32>
    %reduce_sum3A_534 = arith.constant dense<0.000000e+00> : vector<64xf32>
    %reduce_sum3A_535 = vector.multi_reduction <add>, %mul3A_533, %reduce_sum3A_534 [1] : vector<64x128xf32> to vector<64xf32>
    %broadcast_in_dim3A_536 = vector.shape_cast %reduce_sum3A_535 : vector<64xf32> to vector<64x1xf32>
    %logistic3A_537 = arith.negf %broadcast_in_dim3A_536 : vector<64x1xf32>
    %logistic3A_538 = math.exp %logistic3A_537 : vector<64x1xf32>
    %logistic3A_539 = arith.constant 1.000000e+00 : f32
    %logistic3A_540 = vector.broadcast %logistic3A_539 : f32 to vector<64x1xf32>
    %logistic3A_541 = arith.addf %logistic3A_540, %logistic3A_538 : vector<64x1xf32>
    %logistic3A_542 = arith.divf %logistic3A_540, %logistic3A_541 : vector<64x1xf32>
    %jit3A_543 = arith.constant 1.000000e-07 : f32
    %jit3A_544 = arith.constant 0.99999988 : f32
    %max3A_545 = vector.broadcast %jit3A_543 : f32 to vector<64x1xf32>
    %max3A_546 = arith.maximumf %max3A_545, %logistic3A_542 : vector<64x1xf32>
    %min3A = vector.broadcast %jit3A_544 : f32 to vector<64x1xf32>
    %min3A_547 = arith.minimumf %min3A, %max3A_546 : vector<64x1xf32>
    %get3A_548 = arith.constant 0 : index
    %get3A_549 = arith.constant 0 : index
    %get3A_550 = vector.load %arg10[%get3A_548, %get3A_549] : memref<64x1xf32, #tpu.memory_space<vmem>>, vector<64x1xf32>
    %log3A = math.log %min3A_547 : vector<64x1xf32>
    %mul3A_551 = arith.mulf %get3A_550, %log3A : vector<64x1xf32>
    %sub3A_552 = arith.constant 1.000000e+00 : f32
    %sub3A_553 = vector.broadcast %sub3A_552 : f32 to vector<64x1xf32>
    %sub3A_554 = arith.subf %sub3A_553, %get3A_550 : vector<64x1xf32>
    %sub3A_555 = arith.constant 1.000000e+00 : f32
    %sub3A_556 = vector.broadcast %sub3A_555 : f32 to vector<64x1xf32>
    %sub3A_557 = arith.subf %sub3A_556, %min3A_547 : vector<64x1xf32>
    %log3A_558 = math.log %sub3A_557 : vector<64x1xf32>
    %mul3A_559 = arith.mulf %sub3A_554, %log3A_558 : vector<64x1xf32>
    %add3A_560 = arith.addf %mul3A_551, %mul3A_559 : vector<64x1xf32>
    %neg3A = arith.constant 0.000000e+00 : f32
    %neg3A_561 = vector.broadcast %neg3A : f32 to vector<64x1xf32>
    %neg3A_562 = arith.subf %neg3A_561, %add3A_560 : vector<64x1xf32>
    %reduce_sum3A_563 = vector.shape_cast %neg3A_562 : vector<64x1xf32> to vector<1x64x1xf32>
    %reduce_sum3A_564 = arith.constant dense<0.000000e+00> : vector<1xf32>
    %reduce_sum3A_565 = vector.multi_reduction <add>, %reduce_sum3A_563, %reduce_sum3A_564 [1, 2] : vector<1x64x1xf32> to vector<1xf32>
    %reduce_sum3A_566 = vector.shape_cast %reduce_sum3A_565 : vector<1xf32> to vector<1x1x1xf32>
    %reduce_sum3A_567 = vector.extract %reduce_sum3A_566[0, 0, 0] : f32 from vector<1x1x1xf32>
    %mul3A_568 = arith.constant 2.44140625E-4 : f32
    %mul3A_569 = arith.mulf %reduce_sum3A_567, %mul3A_568 : f32
    %eq3A_570 = arith.constant 0 : i32
    %eq3A_571 = arith.cmpi eq, %arg0, %eq3A_570 : i32
    %convert_element_type3A_572 = arith.extui %eq3A_571 : i1 to i32
    %cond3A = arith.constant 0 : i32
    %cond3A_573 = arith.cmpi ne, %convert_element_type3A_572, %cond3A : i32
    scf.if %cond3A_573 {
      %broadcast_in_dim3A_597 = arith.constant 0.000000e+00 : f32
      %broadcast_in_dim3A_598 = vector.broadcast %broadcast_in_dim3A_597 : f32 to vector<1x1xf32>
      %swap3A_599 = arith.constant 0 : index
      %swap3A_600 = arith.constant 0 : index
      %swap3A_601 = vector.load %arg43[%swap3A_599, %swap3A_600] : memref<1x1xf32, #tpu.memory_space<vmem>>, vector<1x1xf32>
      tpu.vector_store %arg43[%swap3A_599, %swap3A_600], %broadcast_in_dim3A_598 {strides = array<i32>} : memref<1x1xf32, #tpu.memory_space<vmem>>, vector<1x1xf32>,
      %broadcast_in_dim3A_602 = arith.constant 0.000000e+00 : f32
      %broadcast_in_dim3A_603 = vector.broadcast %broadcast_in_dim3A_602 : f32 to vector<1x1xf32>
      %swap3A_604 = arith.constant 0 : index
      %swap3A_605 = arith.constant 0 : index
      %swap3A_606 = vector.load %arg44[%swap3A_604, %swap3A_605] : memref<1x1xf32, #tpu.memory_space<vmem>>, vector<1x1xf32>
      tpu.vector_store %arg44[%swap3A_604, %swap3A_605], %broadcast_in_dim3A_603 {strides = array<i32>} : memref<1x1xf32, #tpu.memory_space<vmem>>, vector<1x1xf32>,
      %broadcast_in_dim3A_607 = arith.constant 0.000000e+00 : f32
      %broadcast_in_dim3A_608 = vector.broadcast %broadcast_in_dim3A_607 : f32 to vector<1x1xf32>
      %swap3A_609 = arith.constant 0 : index
      %swap3A_610 = arith.constant 0 : index
      %swap3A_611 = vector.load %arg45[%swap3A_609, %swap3A_610] : memref<1x1xf32, #tpu.memory_space<vmem>>, vector<1x1xf32>
      tpu.vector_store %arg45[%swap3A_609, %swap3A_610], %broadcast_in_dim3A_608 {strides = array<i32>} : memref<1x1xf32, #tpu.memory_space<vmem>>, vector<1x1xf32>,
    } else {
    }
    %get3A_574 = arith.constant 0 : index
    %get3A_575 = arith.constant 0 : index
    %get3A_576 = vector.load %arg43[%get3A_574, %get3A_575] : memref<1x1xf32, #tpu.memory_space<vmem>>, vector<1x1xf32>
    %add3A_577 = vector.broadcast %mul3A_569 : f32 to vector<1x1xf32>
    %add3A_578 = arith.addf %get3A_576, %add3A_577 : vector<1x1xf32>
    %swap3A = arith.constant 0 : index
    %swap3A_579 = arith.constant 0 : index
    %swap3A_580 = vector.load %arg43[%swap3A, %swap3A_579] : memref<1x1xf32, #tpu.memory_space<vmem>>, vector<1x1xf32>
    tpu.vector_store %arg43[%swap3A, %swap3A_579], %add3A_578 {strides = array<i32>} : memref<1x1xf32, #tpu.memory_space<vmem>>, vector<1x1xf32>,
    %get3A_581 = arith.constant 0 : index
    %get3A_582 = arith.constant 0 : index
    %get3A_583 = vector.load %arg44[%get3A_581, %get3A_582] : memref<1x1xf32, #tpu.memory_space<vmem>>, vector<1x1xf32>
    %add3A_584 = vector.broadcast %mul3A_274 : f32 to vector<1x1xf32>
    %add3A_585 = arith.addf %get3A_583, %add3A_584 : vector<1x1xf32>
    %swap3A_586 = arith.constant 0 : index
    %swap3A_587 = arith.constant 0 : index
    %swap3A_588 = vector.load %arg44[%swap3A_586, %swap3A_587] : memref<1x1xf32, #tpu.memory_space<vmem>>, vector<1x1xf32>
    tpu.vector_store %arg44[%swap3A_586, %swap3A_587], %add3A_585 {strides = array<i32>} : memref<1x1xf32, #tpu.memory_space<vmem>>, vector<1x1xf32>,
    %get3A_589 = arith.constant 0 : index
    %get3A_590 = arith.constant 0 : index
    %get3A_591 = vector.load %arg45[%get3A_589, %get3A_590] : memref<1x1xf32, #tpu.memory_space<vmem>>, vector<1x1xf32>
    %add3A_592 = vector.broadcast %mul3A_480 : f32 to vector<1x1xf32>
    %add3A_593 = arith.addf %get3A_591, %add3A_592 : vector<1x1xf32>
    %swap3A_594 = arith.constant 0 : index
    %swap3A_595 = arith.constant 0 : index
    %swap3A_596 = vector.load %arg45[%swap3A_594, %swap3A_595] : memref<1x1xf32, #tpu.memory_space<vmem>>, vector<1x1xf32>
    tpu.vector_store %arg45[%swap3A_594, %swap3A_595], %add3A_593 {strides = array<i32>} : memref<1x1xf32, #tpu.memory_space<vmem>>, vector<1x1xf32>,
    return
  }
  func.func @transform_0(%arg0: i32) -> (i32, i32) {
    %c0_i32 = arith.constant 0 : i32
    %c0_i32_0 = arith.constant 0 : i32
    return %arg0, %c0_i32 : i32, i32
  }
  func.func @transform_1(%arg0: i32) -> (i32, i32) {
    %c0_i32 = arith.constant 0 : i32
    %c0_i32_0 = arith.constant 0 : i32
    return %arg0, %c0_i32 : i32, i32
  }
  func.func @transform_2(%arg0: i32) -> (i32, i32) {
    %c0_i32 = arith.constant 0 : i32
    %c0_i32_0 = arith.constant 0 : i32
    return %arg0, %c0_i32 : i32, i32
  }
  func.func @transform_3(%arg0: i32) -> (i32, i32) {
    %c0_i32 = arith.constant 0 : i32
    %c0_i32_0 = arith.constant 0 : i32
    return %arg0, %c0_i32 : i32, i32
  }
  func.func @transform_4(%arg0: i32) -> (i32, i32) {
    %c0_i32 = arith.constant 0 : i32
    %c0_i32_0 = arith.constant 0 : i32
    return %arg0, %c0_i32 : i32, i32
  }
  func.func @transform_5(%arg0: i32) -> (i32, i32) {
    %c0_i32 = arith.constant 0 : i32
    %c0_i32_0 = arith.constant 0 : i32
    return %arg0, %c0_i32 : i32, i32
  }
  func.func @transform_6(%arg0: i32) -> (i32, i32) {
    %c0_i32 = arith.constant 0 : i32
    %c0_i32_0 = arith.constant 0 : i32
    return %arg0, %c0_i32 : i32, i32
  }
  func.func @transform_7(%arg0: i32) -> (i32, i32) {
    %c0_i32 = arith.constant 0 : i32
    %c0_i32_0 = arith.constant 0 : i32
    return %arg0, %c0_i32 : i32, i32
  }
  func.func @transform_8(%arg0: i32) -> (i32, i32) {
    %c0_i32 = arith.constant 0 : i32
    %c0_i32_0 = arith.constant 0 : i32
    return %arg0, %c0_i32 : i32, i32
  }
  func.func @transform_9(%arg0: i32) -> (i32, i32) {
    %c0_i32 = arith.constant 0 : i32
    %c0_i32_0 = arith.constant 0 : i32
    return %arg0, %c0_i32 : i32, i32
  }
  func.func @transform_10(%arg0: i32) -> (i32, i32) {
    %c0_i32 = arith.constant 0 : i32
    %c0_i32_0 = arith.constant 0 : i32
    %c0_i32_1 = arith.constant 0 : i32
    return %c0_i32, %c0_i32_0 : i32, i32
  }
  func.func @transform_11(%arg0: i32) -> (i32, i32) {
    %c0_i32 = arith.constant 0 : i32
    %c0_i32_0 = arith.constant 0 : i32
    %c0_i32_1 = arith.constant 0 : i32
    return %c0_i32, %c0_i32_0 : i32, i32
  }
  func.func @transform_12(%arg0: i32) -> (i32, i32) {
    %c0_i32 = arith.constant 0 : i32
    %c0_i32_0 = arith.constant 0 : i32
    %c0_i32_1 = arith.constant 0 : i32
    return %c0_i32, %c0_i32_0 : i32, i32
  }
  func.func @transform_13(%arg0: i32) -> (i32, i32) {
    %c0_i32 = arith.constant 0 : i32
    %c0_i32_0 = arith.constant 0 : i32
    %c0_i32_1 = arith.constant 0 : i32
    return %c0_i32, %c0_i32_0 : i32, i32
  }
  func.func @transform_14(%arg0: i32) -> (i32, i32) {
    %c0_i32 = arith.constant 0 : i32
    %c0_i32_0 = arith.constant 0 : i32
    %c0_i32_1 = arith.constant 0 : i32
    return %c0_i32, %c0_i32_0 : i32, i32
  }
  func.func @transform_15(%arg0: i32) -> (i32, i32) {
    %c0_i32 = arith.constant 0 : i32
    %c0_i32_0 = arith.constant 0 : i32
    %c0_i32_1 = arith.constant 0 : i32
    return %c0_i32, %c0_i32_0 : i32, i32
  }
  func.func @transform_16(%arg0: i32) -> (i32, i32) {
    %c0_i32 = arith.constant 0 : i32
    %c0_i32_0 = arith.constant 0 : i32
    %c0_i32_1 = arith.constant 0 : i32
    return %c0_i32, %c0_i32_0 : i32, i32
  }
  func.func @transform_17(%arg0: i32) -> (i32, i32) {
    %c0_i32 = arith.constant 0 : i32
    %c0_i32_0 = arith.constant 0 : i32
    %c0_i32_1 = arith.constant 0 : i32
    return %c0_i32, %c0_i32_0 : i32, i32
  }
  func.func @transform_18(%arg0: i32) -> (i32, i32) {
    %c0_i32 = arith.constant 0 : i32
    %c0_i32_0 = arith.constant 0 : i32
    %c0_i32_1 = arith.constant 0 : i32
    return %c0_i32, %c0_i32_0 : i32, i32
  }
  func.func @transform_19(%arg0: i32) -> (i32, i32) {
    %c0_i32 = arith.constant 0 : i32
    %c0_i32_0 = arith.constant 0 : i32
    %c0_i32_1 = arith.constant 0 : i32
    return %c0_i32, %c0_i32_0 : i32, i32
  }
  func.func @transform_20(%arg0: i32) -> (i32, i32) {
    %c0_i32 = arith.constant 0 : i32
    %c0_i32_0 = arith.constant 0 : i32
    %c0_i32_1 = arith.constant 0 : i32
    return %c0_i32, %c0_i32_0 : i32, i32
  }
  func.func @transform_21(%arg0: i32) -> (i32, i32) {
    %c0_i32 = arith.constant 0 : i32
    %c0_i32_0 = arith.constant 0 : i32
    %c0_i32_1 = arith.constant 0 : i32
    return %c0_i32, %c0_i32_0 : i32, i32
  }
  func.func @transform_22(%arg0: i32) -> (i32, i32) {
    %c0_i32 = arith.constant 0 : i32
    %c0_i32_0 = arith.constant 0 : i32
    %c0_i32_1 = arith.constant 0 : i32
    return %c0_i32, %c0_i32_0 : i32, i32
  }
  func.func @transform_23(%arg0: i32) -> (i32, i32) {
    %c0_i32 = arith.constant 0 : i32
    %c0_i32_0 = arith.constant 0 : i32
    %c0_i32_1 = arith.constant 0 : i32
    return %c0_i32, %c0_i32_0 : i32, i32
  }
  func.func @transform_24(%arg0: i32) -> (i32, i32) {
    %c0_i32 = arith.constant 0 : i32
    %c0_i32_0 = arith.constant 0 : i32
    %c0_i32_1 = arith.constant 0 : i32
    return %c0_i32, %c0_i32_0 : i32, i32
  }
  func.func @transform_25(%arg0: i32) -> (i32, i32) {
    %c0_i32 = arith.constant 0 : i32
    %c0_i32_0 = arith.constant 0 : i32
    %c0_i32_1 = arith.constant 0 : i32
    return %c0_i32, %c0_i32_0 : i32, i32
  }
  func.func @transform_26(%arg0: i32) -> (i32, i32) {
    %c0_i32 = arith.constant 0 : i32
    %c0_i32_0 = arith.constant 0 : i32
    %c0_i32_1 = arith.constant 0 : i32
    return %c0_i32, %c0_i32_0 : i32, i32
  }
  func.func @transform_27(%arg0: i32) -> (i32, i32) {
    %c0_i32 = arith.constant 0 : i32
    %c0_i32_0 = arith.constant 0 : i32
    %c0_i32_1 = arith.constant 0 : i32
    return %c0_i32, %c0_i32_0 : i32, i32
  }
  func.func @transform_28(%arg0: i32) -> (i32, i32) {
    %c0_i32 = arith.constant 0 : i32
    %c0_i32_0 = arith.constant 0 : i32
    %c0_i32_1 = arith.constant 0 : i32
    return %c0_i32, %c0_i32_0 : i32, i32
  }
  func.func @transform_29(%arg0: i32) -> (i32, i32) {
    %c0_i32 = arith.constant 0 : i32
    %c0_i32_0 = arith.constant 0 : i32
    %c0_i32_1 = arith.constant 0 : i32
    return %c0_i32, %c0_i32_0 : i32, i32
  }
  func.func @transform_30(%arg0: i32) -> (i32, i32) {
    %c0_i32 = arith.constant 0 : i32
    %c0_i32_0 = arith.constant 0 : i32
    %c0_i32_1 = arith.constant 0 : i32
    return %c0_i32, %c0_i32_0 : i32, i32
  }
  func.func @transform_31(%arg0: i32) -> (i32, i32) {
    %c0_i32 = arith.constant 0 : i32
    %c0_i32_0 = arith.constant 0 : i32
    %c0_i32_1 = arith.constant 0 : i32
    return %c0_i32, %c0_i32_0 : i32, i32
  }
  func.func @transform_32(%arg0: i32) -> (i32, i32) {
    %c0_i32 = arith.constant 0 : i32
    %c0_i32_0 = arith.constant 0 : i32
    %c0_i32_1 = arith.constant 0 : i32
    return %c0_i32, %c0_i32_0 : i32, i32
  }
  func.func @transform_33(%arg0: i32) -> (i32, i32) {
    %c0_i32 = arith.constant 0 : i32
    %c0_i32_0 = arith.constant 0 : i32
    %c0_i32_1 = arith.constant 0 : i32
    return %c0_i32, %c0_i32_0 : i32, i32
  }
  func.func @transform_34(%arg0: i32) -> (i32, i32) {
    %c0_i32 = arith.constant 0 : i32
    %c0_i32_0 = arith.constant 0 : i32
    %c0_i32_1 = arith.constant 0 : i32
    return %c0_i32, %c0_i32_0 : i32, i32
  }
  func.func @transform_35(%arg0: i32) -> (i32, i32) {
    %c0_i32 = arith.constant 0 : i32
    %c0_i32_0 = arith.constant 0 : i32
    %c0_i32_1 = arith.constant 0 : i32
    return %c0_i32, %c0_i32_0 : i32, i32
  }
  func.func @transform_36(%arg0: i32) -> (i32, i32) {
    %c0_i32 = arith.constant 0 : i32
    %c0_i32_0 = arith.constant 0 : i32
    %c0_i32_1 = arith.constant 0 : i32
    return %c0_i32, %c0_i32_0 : i32, i32
  }
  func.func @transform_37(%arg0: i32) -> (i32, i32) {
    %c0_i32 = arith.constant 0 : i32
    %c0_i32_0 = arith.constant 0 : i32
    %c0_i32_1 = arith.constant 0 : i32
    return %c0_i32, %c0_i32_0 : i32, i32
  }
  func.func @transform_38(%arg0: i32) -> (i32, i32) {
    %c0_i32 = arith.constant 0 : i32
    %c0_i32_0 = arith.constant 0 : i32
    %c0_i32_1 = arith.constant 0 : i32
    return %c0_i32, %c0_i32_0 : i32, i32
  }
  func.func @transform_39(%arg0: i32) -> (i32, i32) {
    %c0_i32 = arith.constant 0 : i32
    %c0_i32_0 = arith.constant 0 : i32
    %c0_i32_1 = arith.constant 0 : i32
    return %c0_i32, %c0_i32_0 : i32, i32
  }
  func.func @transform_40(%arg0: i32) -> (i32, i32) {
    %c0_i32 = arith.constant 0 : i32
    %c0_i32_0 = arith.constant 0 : i32
    %c0_i32_1 = arith.constant 0 : i32
    return %c0_i32, %c0_i32_0 : i32, i32
  }
  func.func @transform_41(%arg0: i32) -> (i32, i32) {
    %c0_i32 = arith.constant 0 : i32
    %c0_i32_0 = arith.constant 0 : i32
    %c0_i32_1 = arith.constant 0 : i32
    return %c0_i32, %c0_i32_0 : i32, i32
  }
  func.func @transform_42(%arg0: i32) -> (i32, i32) {
    %c0_i32 = arith.constant 0 : i32
    %c0_i32_0 = arith.constant 0 : i32
    %c0_i32_1 = arith.constant 0 : i32
    return %c0_i32, %c0_i32_0 : i32, i32
  }
  func.func @transform_43(%arg0: i32) -> (i32, i32) {
    %c0_i32 = arith.constant 0 : i32
    %c0_i32_0 = arith.constant 0 : i32
    %c0_i32_1 = arith.constant 0 : i32
    return %c0_i32, %c0_i32_0 : i32, i32
  }
  func.func @transform_44(%arg0: i32) -> (i32, i32) {
    %c0_i32 = arith.constant 0 : i32
    %c0_i32_0 = arith.constant 0 : i32
    %c0_i32_1 = arith.constant 0 : i32
    return %c0_i32, %c0_i32_0 : i32, i32
  }
}

</mosaic_0001>

<sc_bundles>
// kernel: kernel.5.cloned.1.call-start
scs
__scs_entry_jumppad:
0x0: {  	(pc) =	sbr.rel $0x88, $3  }
0x1: {  	(tag) =	ssettag $0x0;
	lr =	simm.s32 $0x1  }
0x2: {  	[smem:$0x3F79] =	sst lr;
	_ =	strace $0xD0000000  }
0x3: {  	_ = 	snop  }
0x4: {  	_ = 	snop  }
0x5: {  	_ = 	snop  }
0x6: {  	_ = 	snop  }
0x7: {  	_ = 	snop  }
__scs_overlays_trampoline_lowered:
0x8: {  	[smem:$0x3F88] =	sst s0  }
0x9: {  	[smem:$0x3F89] =	sst s1  }
0xa: {  	[smem:$0x3F8A] =	sst s2  }
0xb: {  	[smem:$0x3F8B] =	sst s3  }
0xc: {  	[smem:$0x3F8C] =	sst s4  }
0xd: {  	[smem:$0x3F8D] =	sst s5  }
0xe: {  	[smem:$0x3F8E] =	sst s6  }
0xf: {  	[smem:$0x3F8F] =	sst s7  }
0x10: {  	[smem:$0x3F90] =	sst s8  }
0x11: {  	[smem:$0x3F91] =	sst s9;
	s0 =	simm.s32 @!p0 $0x0  }
0x12: {  	s1 =	sld [smem:$0x3F77];
	s0 =	simm.s32 @p0 $0x1  }
0x13: {  	[smem:$0x3F92] =	sst s0;
	s0 =	simm.s32 @!p1 $0x0  }
0x14: {  	s2 =	sld [smem:$0x3F76];
	s0 =	simm.s32 @p1 $0x1  }
0x15: {  	[smem:$0x3F93] =	sst s0;
	s0 =	simm.s32 @!p2 $0x0  }
0x16: {  	s3 =	sld [smem:$0x3FDB];
	s0 =	simm.s32 @p2 $0x1  }
0x17: {  	s4 =	simm.s32 $0x1BF5;
	[smem:$0x3F95] =	sst s0  }
0x18: {  	s0 =	sld [smem:$0x3F78];
	_ =	swait.ge [sflag:s4], $0x0  }
0x19: {  	s7 =	sld [smem:$0x3F79]  }
0x1a: {  	s8 =	sadd.s32 $0xFFFFE003, lr  }
0x1b: {  	s9 =	sadd.s32 $0xFFFFFEF7, lr;
	s5 =	simm.s32 $0xFFFFFFFF;
	p2 =	slt.u32 s8, $0xFFFFF086  }
0x1c: {  	p1 =	slt.u32 s9, $0xF7A;
	s5 =	simm.s32 @!p2 $0x0  }
0x1d: {  	s5 =	simm.s32 @p1 $0x1;
	p0 =	seq.s32 s7, s2  }
0x1e: {  	s7 =	smul.u32 @!p0 $0xF7A, s2;
	p2 =	seq.s32 @!p0 s5, $0x0  }
0x1f: {  	s9 =	smul.u32 $0xF7A, s1;
	s8 =	simm.s32 @!p0 $0x1BF5;
	p2 =	por !p2, p0  }
0x20: {  	[sflag:s8] =	ssyncset.s32 @!p0 $0xFFFFF086;
	s6 =	sadd.s32 @!p0 s3, s7;
	s7 =	simm.s32 @!p0 $0x108  }
0x21: {  	s3 =	sadd.s32 s3, s9;
	s6 =	sadd.s32 @!p0 $0x88, s6;
	s7 =	simm.s32 @p2 $0x1082  }
0x22: {  	[simem:s7], [sflag:s8] =	dma.local @!p0 [hbm:s6], $0xF7A  }
0x23: {  	s9 =	sor.u32 $0xD0000000, s2;
	s6 =	simm.s32 $0x108;
	_ =	swait.ge @!p0 [sflag:s8], $0x0  }
0x24: {  	s3 =	sadd.s32 $0x88, s3;
	s6 =	simm.s32 @!p1 $0x1082;
	[sflag:s4] =	ssyncset.s32 $0xFFFFF086  }
0x25: {  	[simem:s6], [sflag:s4] =	dma.local [hbm:s3], $0xF7A  }
0x26: {  	[smem:$0x3F79] =	sst s1;
	(tag) =	ssettag s2;
	_ =	strace s9  }
0x27: {  	s1 =	sld [smem:$0x3F89]  }
0x28: {  	s2 =	sld [smem:$0x3F8A]  }
0x29: {  	s4 =	sld [smem:$0x3F8C]  }
0x2a: {  	p0 =	seq.s32 s5, $0x0;
	s5 =	sld [smem:$0x3F8D]  }
0x2b: {  	s6 =	sld [smem:$0x3F8E]  }
0x2c: {  	s7 =	sld [smem:$0x3F8F]  }
0x2d: {  	s3 =	simm.s32 $0x108;
	s8 =	sld [smem:$0x3F90]  }
0x2e: {  	s3 =	simm.s32 @!p0 $0x1082;
	s9 =	sld [smem:$0x3F91]  }
0x2f: {  	lr =	sadd.s32 s0, s3;
	s0 =	sld [smem:$0x3F88]  }
0x30: {  	s3 =	sld [smem:$0x3F8B]  }
0x31: {  	[smem:$0x3F94] =	sst s10  }
0x32: {  	s10 =	sld [smem:$0x3F92];
	_ =	sdelay $0x3  }
0x33: {  	p0 =	seq.s32 s10, $0x1;
	s10 =	sld [smem:$0x3F94];
	_ =	sdelay $0x3  }
0x34: {  	[smem:$0x3F94] =	sst s10  }
0x35: {  	s10 =	sld [smem:$0x3F93];
	_ =	sdelay $0x3  }
0x36: {  	p1 =	seq.s32 s10, $0x1;
	s10 =	sld [smem:$0x3F94];
	_ =	sdelay $0x3  }
0x37: {  	[smem:$0x3F94] =	sst s10  }
0x38: {  	s10 =	sld [smem:$0x3F95]  }
0x39: {  	_ = 	snop;
	(pc) =	sbr.ind lr, $3  }
0x3a: {  	_ = 	snop  }
0x3b: {  	_ = 	snop  }
0x3c: {  	p2 =	seq.s32 s10, $0x1;
	s10 =	sld [smem:$0x3F94]  }
0x3d: {  	_ =	shalt  }
0x3e: {  	_ =	shalt  }
0x3f: {  	_ =	shalt  }
0x40: {  	_ =	shalt  }
0x41: {  	_ =	shalt  }
0x42: {  	_ =	shalt  }
0x43: {  	_ =	shalt  }
0x44: {  	_ =	shalt  }
0x45: {  	_ =	shalt  }
0x46: {  	_ =	shalt  }
0x47: {  	_ =	shalt  }
0x48: {  	_ =	shalt  }
0x49: {  	_ =	shalt  }
0x4a: {  	_ =	shalt  }
0x4b: {  	_ =	shalt  }
0x4c: {  	_ =	shalt  }
0x4d: {  	_ =	shalt  }
0x4e: {  	_ =	shalt  }
0x4f: {  	_ =	shalt  }
0x50: {  	_ =	shalt  }
0x51: {  	_ =	shalt  }
0x52: {  	_ =	shalt  }
0x53: {  	_ =	shalt  }
0x54: {  	_ =	shalt  }
0x55: {  	_ =	shalt  }
0x56: {  	_ =	shalt  }
0x57: {  	_ =	shalt  }
0x58: {  	_ =	shalt  }
0x59: {  	_ =	shalt  }
0x5a: {  	_ =	shalt  }
0x5b: {  	_ =	shalt  }
0x5c: {  	_ =	shalt  }
0x5d: {  	_ =	shalt  }
0x5e: {  	_ =	shalt  }
0x5f: {  	_ =	shalt  }
0x60: {  	_ =	shalt  }
0x61: {  	_ =	shalt  }
0x62: {  	_ =	shalt  }
0x63: {  	_ =	shalt  }
0x64: {  	_ =	shalt  }
0x65: {  	_ =	shalt  }
0x66: {  	_ =	shalt  }
0x67: {  	_ =	shalt  }
0x68: {  	_ =	shalt  }
0x69: {  	_ =	shalt  }
0x6a: {  	_ =	shalt  }
0x6b: {  	_ =	shalt  }
0x6c: {  	_ =	shalt  }
0x6d: {  	_ =	shalt  }
0x6e: {  	_ =	shalt  }
0x6f: {  	_ =	shalt  }
0x70: {  	_ =	shalt  }
0x71: {  	_ =	shalt  }
0x72: {  	_ =	shalt  }
0x73: {  	_ =	shalt  }
0x74: {  	_ =	shalt  }
0x75: {  	_ =	shalt  }
0x76: {  	_ =	shalt  }
0x77: {  	_ =	shalt  }
0x78: {  	_ =	shalt  }
0x79: {  	_ =	shalt  }
0x7a: {  	_ =	shalt  }
0x7b: {  	_ =	shalt  }
0x7c: {  	_ =	shalt  }
0x7d: {  	_ =	shalt  }
0x7e: {  	_ =	shalt  }
0x7f: {  	_ =	shalt  }
0x80: {  	_ =	shalt  }
0x81: {  	_ =	shalt  }
0x82: {  	_ =	shalt  }
0x83: {  	_ =	shalt  }
0x84: {  	_ =	shalt  }
0x85: {  	_ =	shalt  }
0x86: {  	_ =	shalt  }
0x87: {  	_ =	shalt  }
.Lfunc_end0:
.L_simem_size_0:
called_computation_lowered:
.L_overlay_start_0:
0x88: {  	s2 =	sld [smem:$0x3FD9]  }
0x89: {  	s3 =	sld [smem:$0x3FFE];
	_ =	sdelay $0x1  }
0x8a: {  	s1 =	srdreg.scid  }
0x8b: {  	s0 =	sand.u32 $0x1, s1  }
0x8c: {  	s17 =	sshll.u32 s0, $0xA;
	s2 =	sadd.s32 s3, s2  }
0x8d: {  	s2 =	sadd.s32 s2, s17  }
0x8e: {  	[smem:$0x3FA0] =	sst s2  }
0x8f: {  	_ = 	snop  }
0x90: {  	s2 =	sld [smem:$0x3FC6];
	(tm) =	ssettm $0x1  }
0x91: {  	s18 =	sld [smem:$0x3FFB];
	_ =	sdelay $0x3  }
0x92: {  	_ =	strace s18  }
0x93: {  	s3 =	sld [smem:$0x3FFC];
	_ =	sdelay $0x3  }
0x94: {  	_ =	strace s3  }
0x95: {  	s3 =	sld [smem:$0x3FFD];
	_ =	sdelay $0x3  }
0x96: {  	_ =	strace s3  }
0x97: {  	_ =	strace $0x8FFFFFFF  }
0x98: {  	s19 =	sld [smem:$0x3FDB];
	_ =	sdelay $0x1  }
0x99: {  	s4 =	simm.s32 $_scs_section_size  }
0x9a: {  	s5 =	simm.s32 $_size__tile_overlayer_lowered;
	s6 =	simm.s32 $_tile_overlayer_lowered  }
0x9b: {  	s22 =	simm.s32 $0x1BFF;
	s21 =	sshll.u32 s6, $0x1;
	s3 =	sadd.s32 s4, s19  }
0x9c: {  	s7 =	simm.s32 $0x0;
	s20 =	sshll.u32 s5, $0x1;
	s5 =	sadd.s32 s21, s3  }
0x9d: {  	[timem:s7], [sflag:s22] =	dma.local [hbm:s5], s20  }
0x9e: {  	_ =	swait.ge [sflag:s22], s20  }
0x9f: {  	s4 =	ssub.s32 $0x0, s20;
	[sflag:s22] =	ssyncset.done $0x0  }
0xa0: {  	[sflag:s22] =	ssyncadd.s32 s4;
	_ =	sdelay $0x1  }
0xa1: {  	s23 =	simm.s32 $0x1B8B  }
0xa2: {  	_ =	swait.ge [sflag:s23], $0x1  }
0xa3: {  	[sflag:s23] =	ssyncset.done $0x0  }
0xa4: {  	s25 =	simm.s32 $0x1B8E;
	s24 =	sld [smem:$0x3FFE];
	[sflag:s23] =	ssyncadd.s32 $0xFFFFFFFF  }
0xa5: {  	s26 =	simm.s32 $execute0_lowered;
	[smem:$0x3FD2] =	sst s25  }
0xa6: {  	s5 =	sshll.u32 s26, $0x1;
	_ =	strace $0x80000046;
	[dreg:$0x1] =	wrdreg $0xFFFFFFFF  }
0xa7: {  	s28 =	simm.s32 $_size_execute0_lowered;
	s3 =	sadd.s32 s3, s5;
	[dreg:$0x0] =	wrdreg $0x0  }
0xa8: {  	s5 =	sshll.u32 s28, $0x1;
	[dreg:$0x2] =	wrdreg s3  }
0xa9: {  	[dreg:$0x3] =	wrdreg s5  }
0xaa: {  	[dreg:$0x4] =	wrdreg $0xC0  }
0xab: {  	_ =	task [dreg:s7], $0x5FFFF  }
0xac: {  	[dreg:$0x1] =	wrdreg $0xFFFFFFFF  }
0xad: {  	[dreg:$0x0] =	wrdreg $0x60  }
0xae: {  	[dreg:$0x2] =	wrdreg s24  }
0xaf: {  	[dreg:$0x3] =	wrdreg s2  }
0xb0: {  	[dreg:$0x4] =	wrdreg $0x9  }
0xb1: {  	_ =	task.clear_ibuf [dreg:s7], $0x5FFFF;
	_ =	strace $0x90000046  }
0xb2: {  	s29 =	simm.s32 $0x9;
	_ =	strace $0x80000048  }
0xb3: {  	_ =	swait.ge [sflag:s29], $0x1  }
0xb4: {  	[sflag:s29] =	ssyncadd.s32 $0xFFFFFFFF  }
0xb5: {  	_ =	strace $0x90000048  }
0xb6: {  	_ =	sfence  }
0xb7: {  	s30 =	sld [smem:$0x0];
	_ =	sdelay $0x2  }
0xb8: {  	s31 =	sshll.u32 s1, $0xD;
	s1 =	sshrl.u32 s1, $0x2  }
0xb9: {  	s3 =	sand.u32 $0x4000, s31;
	s1 =	sadd.s32 s1, s30  }
0xba: {  	s0 =	sor.u32 s3, s0;
	s1 =	sshll.u32 s1, $0x11  }
0xbb: {  	s0 =	sor.u32 s1, s0  }
0xbc: {  	s0 =	sadd.s32 $0x8F2B, s0  }
0xbd: {  	[sflag:s0] =	ssyncadd.remote.s32 $0x1  }
0xbe: {  	_ =	sfence.sel $0xFFFF  }
0xbf: {  	[dreg:$0x0] =	wrdreg $0xFFFFFFFF;
	(pc) =	sbr.abs _section_cstart, $3  }
0xc0: {  	[dreg:$0x1] =	wrdreg $0xFFFFFFFF  }
0xc1: {  	_ =	task.clear_ibuf [dreg:s7], $0x2FFFF;
	_ =	strace $0x9FFFFFFF  }
0xc2: {  	(tm) =	ssettm $0x7FFFFFFF  }
0xc3: {  	_ =	shalt  }
tec
execute0_lowered:
.L_overlay_start_1:
0x0: {  	(tag) =	ssettag $0x1  }
0x1: {  	s1 =	srdreg.scid;
	s4 =	rddreg [dreg:$0x0]  }
0x2: {  	s0 =	stileid.u32;
	s6 =	rddreg [dreg:$0x1];
	s2 =	simm.s32 $0x0  }
0x3: {  	s16 =	simm.s32 $0x80;
	s17 =	simm.s32 $0x3280;
	s18 =	simm.s32 $0x5280  }
0x4: {  	s19 =	simm.s32 $0x1;
	s20 =	simm.s32 $0x2;
	s21 =	simm.s32 $0x0  }
0x5: {  	s10 =	sand.u32 $0x1, s1;
	s1 =	rddreg [dreg:$0x2];
	s9 =	smul.u32 $0x64, s0  }
0x6: {  	s24 =	sshll.u32 s0, $0x1;
	[smem:$0x7FF] =	sst s2;
	s28 =	smul.u32 $0x19000, s0  }
0x7: {  	s3 =	sadd.s32 $0xF75600, s4;
	s11 =	sadd.s32 $0x33200, s4;
	s14 =	smul.u32 $0x32, s10  }
0x8: {  	s15 =	sadd.s32 $0x1C3200, s4;
	s5 =	sor.u32 s10, s24;
	s29 =	smul.u32 $0xC800, s10  }
0x9: {  	_ =	strace $0x80000047;
	s8 =	ssub.s32 $0x2, s10;
	s7 =	smul.u32 $0x320, s5  }
0xa: {  	s12 =	sshll.u32 s5, $0xA;
	s13 =	sshrl.u32 s8, $0x1;
	s25 =	sshll.u32 s5, $0x4  }
0xb: {  	s30 =	sadd.s32 s28, s11;
	s12 =	sadd.s32 s12, s4;
	s8 =	ssub.s32 s8, s13  }
0xc: {  	s9 =	sadd.s32 s14, s9;
	s6 =	sadd.s32 s6, s25;
	s10 =	sadd.s32 s29, s30  }
0xd: {  	s13 =	simm.s32 $0x3;
	s14 =	simm.s32 $0x1900;
	s7 =	sadd.s32 s7, s4  }
0xe: {  	s26 =	sshll.u32 s9, $0xA;
	s8 =	smax.u32 s8, $0x1;
	s4 =	sadd.s32 $0x2CE00, s7  }
0xf: {  	s5 =	sadd.s32 $0x16A00, s7;
	s7 =	sadd.s32 $0x353200, s12;
	s9 =	sadd.s32 s26, s11  }
0x10: {  	s31 =	sadd.s32 s26, s15;
	s12 =	sadd.s32 s28, s15;
	s15 =	simm.s32 $0x3200  }
0x11: {  	s9 =	sadd.s32 $0x400, s9;
	s11 =	sadd.s32 $0x400, s31;
	s12 =	sadd.s32 s29, s12  }
.LBB2_1:
0x12: {  	[tilespmem:s2], [sflag:$0x3] =	stream.linear.gather [hbm4b:s4+s2], $0x1900, $0x38;
	[tilespmem:$0x7280] =	vst v63  }
0x13: {  	_ =	swait.ge [sflag:s13], $0x1900  }
0x14: {  	[sflag:s13] =	ssyncset.done $0x0  }
0x15: {  	[sflag:s13] =	ssyncadd.s32 $0xFFFFE700  }
0x16: {  	[tilespmem:s14], [sflag:$0x3] =	stream.linear.gather [hbm4b:s5+s2], $0x1900, $0x38;
	[tilespmem:$0x7280] =	vst v63  }
0x17: {  	_ =	swait.ge [sflag:s13], $0x1900  }
0x18: {  	[sflag:s13] =	ssyncset.done $0x0  }
0x19: {  	[sflag:s13] =	ssyncadd.s32 $0xFFFFE700  }
0x1a: {  	[tilespmem:s15], [sflag:$0x3] =	stream.linear.gather [hbm4b:s6+s2], $0x80, $0x38;
	[tilespmem:$0x7280] =	vst v63  }
0x1b: {  	_ =	swait.ge [sflag:s13], $0x80  }
0x1c: {  	[sflag:s13] =	ssyncset.done $0x0  }
0x1d: {  	[sflag:s13] =	ssyncadd.s32 $0xFFFFFF80  }
0x1e: {  	[tilespmem:s17], [sflag:$0x1] =	stream.indirect.gather [hbm4b:s3+s16], $0x40, s2, s16, $0xb8;
	[tilespmem:$0x7280] =	vst v63  }
0x1f: {  	s22 =	simm.s32 $0x80  }
0x20: {  	[tilespmem:s18], [sflag:$0x2] =	stream.indirect.gather [hbm4b:s3+s16], $0x40, s22, s16, $0xb8;
	[tilespmem:$0x7280] =	vst v63  }
0x21: {  	_ =	swait.ge [sflag:s19], $0x2000  }
0x22: {  	[sflag:s19] =	ssyncset.done $0x0  }
0x23: {  	s30 =	sadd.s32 $0x0, s10;
	[sflag:s19] =	ssyncadd.s32 $0xFFFFE000  }
0x24: {  	[hbm4b:s30+s2] =	stream.linear.scatter [tilespmem:s17], [sflag:$0x3], $0x2000, $0x38;
	[tilespmem:$0x7280] =	vst v63  }
0x25: {  	_ =	swait.ge [sflag:s13], $0x2000  }
0x26: {  	[sflag:s13] =	ssyncset.done $0x0  }
0x27: {  	[sflag:s13] =	ssyncadd.s32 $0xFFFFE000  }
0x28: {  	_ =	swait.ge [sflag:s20], $0x2000  }
0x29: {  	[sflag:s20] =	ssyncset.done $0x0  }
0x2a: {  	s31 =	sadd.s32 $0x0, s9;
	[sflag:s20] =	ssyncadd.s32 $0xFFFFE000  }
0x2b: {  	[hbm4b:s31+s2] =	stream.linear.scatter [tilespmem:s18], [sflag:$0x3], $0x2000, $0x38;
	[tilespmem:$0x7280] =	vst v63  }
0x2c: {  	_ =	swait.ge [sflag:s13], $0x2000  }
0x2d: {  	s23 =	simm.s32 $0x0;
	s22 =	simm.s32 $0x800;
	[sflag:s13] =	ssyncset.done $0x0  }
.LBB2_2:
0x2e: {  	p0 =	sne.s32 s22, $0xC000;
	[sflag:s13] =	ssyncadd.s32 $0xFFFFE000;
	s23 =	sadd.s32 $0x100, s23  }
0x2f: {  	[tilespmem:s17], [sflag:$0x1] =	stream.indirect.gather [hbm4b:s3+s16], $0x40, s23, s16, $0xb8;
	[tilespmem:$0x7280] =	vst v63  }
0x30: {  	s25 =	smov.u32 s22;
	s22 =	sadd.s32 $0x800, s22;
	s24 =	sadd.s32 $0x80, s23  }
0x31: {  	[tilespmem:s18], [sflag:$0x2] =	stream.indirect.gather [hbm4b:s3+s16], $0x40, s24, s16, $0xb8;
	[tilespmem:$0x7280] =	vst v63  }
0x32: {  	_ =	swait.ge [sflag:s19], $0x2000  }
0x33: {  	[sflag:s19] =	ssyncset.done $0x0  }
0x34: {  	s26 =	simm.s32 $0x0;
	s24 =	sadd.s32 s25, s10;
	[sflag:s19] =	ssyncadd.s32 $0xFFFFE000  }
0x35: {  	[hbm4b:s24+s26] =	stream.linear.scatter [tilespmem:s17], [sflag:$0x3], $0x2000, $0x38;
	[tilespmem:$0x7280] =	vst v63  }
0x36: {  	_ =	swait.ge [sflag:s13], $0x2000  }
0x37: {  	[sflag:s13] =	ssyncset.done $0x0  }
0x38: {  	[sflag:s13] =	ssyncadd.s32 $0xFFFFE000  }
0x39: {  	_ =	swait.ge [sflag:s20], $0x2000  }
.Ltmp0:
0x3a: {  	[sflag:s20] =	ssyncset.done $0x0;
	(pc) =	sbr.rel @p0 .LBB2_2-.Ltmp0, $4  }
0x3b: {  	s24 =	sadd.s32 s25, s9;
	[sflag:s20] =	ssyncadd.s32 $0xFFFFE000  }
0x3c: {  	[hbm4b:s24+s26] =	stream.linear.scatter [tilespmem:s18], [sflag:$0x3], $0x2000, $0x38;
	[tilespmem:$0x7280] =	vst v63  }
0x3d: {  	_ =	swait.ge [sflag:s13], $0x2000  }
0x3e: {  	[sflag:s13] =	ssyncset.done $0x0  }
0x3f: {  	[sflag:s13] =	ssyncadd.s32 $0xFFFFE000;
	s22 =	simm.s32 $0x1900  }
0x40: {  	[tilespmem:s17], [sflag:$0x1] =	stream.indirect.gather [hbm4b:s3+s16], $0x40, s22, s16, $0xb8;
	[tilespmem:$0x7280] =	vst v63  }
0x41: {  	s29 =	simm.s32 $0x1980  }
0x42: {  	[tilespmem:s18], [sflag:$0x2] =	stream.indirect.gather [hbm4b:s3+s16], $0x40, s29, s16, $0xb8;
	[tilespmem:$0x7280] =	vst v63  }
0x43: {  	_ =	swait.ge [sflag:s19], $0x2000  }
0x44: {  	[sflag:s19] =	ssyncset.done $0x0  }
0x45: {  	s30 =	sadd.s32 $0x0, s12;
	[sflag:s19] =	ssyncadd.s32 $0xFFFFE000  }
0x46: {  	[hbm4b:s30+s2] =	stream.linear.scatter [tilespmem:s17], [sflag:$0x3], $0x2000, $0x38;
	[tilespmem:$0x7280] =	vst v63  }
0x47: {  	_ =	swait.ge [sflag:s13], $0x2000  }
0x48: {  	[sflag:s13] =	ssyncset.done $0x0  }
0x49: {  	[sflag:s13] =	ssyncadd.s32 $0xFFFFE000  }
0x4a: {  	_ =	swait.ge [sflag:s20], $0x2000  }
0x4b: {  	[sflag:s20] =	ssyncset.done $0x0  }
0x4c: {  	s31 =	sadd.s32 $0x0, s11;
	[sflag:s20] =	ssyncadd.s32 $0xFFFFE000  }
0x4d: {  	[hbm4b:s31+s2] =	stream.linear.scatter [tilespmem:s18], [sflag:$0x3], $0x2000, $0x38;
	[tilespmem:$0x7280] =	vst v63  }
0x4e: {  	s24 =	simm.s32 $0x1000;
	_ =	swait.ge [sflag:s13], $0x2000  }
0x4f: {  	s23 =	simm.s32 $0x1A80;
	s22 =	simm.s32 $0x800;
	[sflag:s13] =	ssyncset.done $0x0  }
.LBB2_4:
0x50: {  	p0 =	sne.s32 s24, $0xC000;
	s25 =	sadd.s32 $0xFFFFFF80, s23;
	[sflag:s13] =	ssyncadd.s32 $0xFFFFE000  }
0x51: {  	[tilespmem:s17], [sflag:$0x1] =	stream.indirect.gather [hbm4b:s3+s16], $0x40, s25, s16, $0xb8;
	[tilespmem:$0x7280] =	vst v63  }
0x52: {  	s25 =	smov.u32 s24;
	s24 =	sadd.s32 $0x800, s24  }
0x53: {  	[tilespmem:s18], [sflag:$0x2] =	stream.indirect.gather [hbm4b:s3+s16], $0x40, s23, s16, $0xb8;
	[tilespmem:$0x7280] =	vst v63  }
0x54: {  	_ =	swait.ge [sflag:s19], $0x2000  }
0x55: {  	[sflag:s19] =	ssyncset.done $0x0  }
0x56: {  	s26 =	sadd.s32 s22, s12;
	[sflag:s19] =	ssyncadd.s32 $0xFFFFE000  }
0x57: {  	[hbm4b:s26+s2] =	stream.linear.scatter [tilespmem:s17], [sflag:$0x3], $0x2000, $0x38;
	[tilespmem:$0x7280] =	vst v63  }
0x58: {  	_ =	swait.ge [sflag:s13], $0x2000  }
0x59: {  	[sflag:s13] =	ssyncset.done $0x0  }
0x5a: {  	[sflag:s13] =	ssyncadd.s32 $0xFFFFE000  }
0x5b: {  	_ =	swait.ge [sflag:s20], $0x2000  }
.Ltmp1:
0x5c: {  	[sflag:s20] =	ssyncset.done $0x0;
	(pc) =	sbr.rel @p0 .LBB2_4-.Ltmp1, $4  }
0x5d: {  	s26 =	sadd.s32 s22, s11;
	s22 =	smov.u32 s25;
	[sflag:s20] =	ssyncadd.s32 $0xFFFFE000  }
0x5e: {  	[hbm4b:s26+s2] =	stream.linear.scatter [tilespmem:s18], [sflag:$0x3], $0x2000, $0x38;
	[tilespmem:$0x7280] =	vst v63  }
0x5f: {  	_ =	swait.ge [sflag:s13], $0x2000  }
0x60: {  	s23 =	sadd.s32 $0x100, s23;
	[sflag:s13] =	ssyncset.done $0x0  }
0x61: {  	s24 =	sadd.s32 $0xFFFFFF80, s23;
	[sflag:s13] =	ssyncadd.s32 $0xFFFFE000  }
0x62: {  	[tilespmem:s17], [sflag:$0x1] =	stream.indirect.gather [hbm4b:s3+s16], $0x40, s24, s16, $0xb8;
	[tilespmem:$0x7280] =	vst v63  }
0x63: {  	_ = 	snop  }
0x64: {  	[tilespmem:s18], [sflag:$0x2] =	stream.indirect.gather [hbm4b:s3+s16], $0x40, s23, s16, $0xb8;
	[tilespmem:$0x7280] =	vst v63  }
0x65: {  	_ =	swait.ge [sflag:s19], $0x2000  }
0x66: {  	[sflag:s19] =	ssyncset.done $0x0  }
0x67: {  	s30 =	sadd.s32 s22, s12;
	[sflag:s19] =	ssyncadd.s32 $0xFFFFE000  }
0x68: {  	[hbm4b:s30+s2] =	stream.linear.scatter [tilespmem:s17], [sflag:$0x3], $0x2000, $0x38;
	[tilespmem:$0x7280] =	vst v63  }
0x69: {  	_ =	swait.ge [sflag:s13], $0x2000  }
0x6a: {  	[sflag:s13] =	ssyncset.done $0x0  }
0x6b: {  	[sflag:s13] =	ssyncadd.s32 $0xFFFFE000  }
0x6c: {  	_ =	swait.ge [sflag:s20], $0x2000  }
0x6d: {  	[sflag:s20] =	ssyncset.done $0x0  }
0x6e: {  	s31 =	sadd.s32 s22, s11;
	[sflag:s20] =	ssyncadd.s32 $0xFFFFE000  }
0x6f: {  	[hbm4b:s31+s2] =	stream.linear.scatter [tilespmem:s18], [sflag:$0x3], $0x2000, $0x38;
	[tilespmem:$0x7280] =	vst v63  }
0x70: {  	_ =	swait.ge [sflag:s13], $0x2000  }
0x71: {  	[sflag:s13] =	ssyncset.done $0x0  }
0x72: {  	[sflag:s13] =	ssyncadd.s32 $0xFFFFE000  }
0x73: {  	[tilespmem:s17], [sflag:$0x1] =	stream.indirect.gather [hbm4b:s3+s16], $0x40, s15, s16, $0xb8;
	[tilespmem:$0x7280] =	vst v63  }
0x74: {  	s21 =	sadd.s32 $0x1, s21;
	_ =	swait.ge [sflag:s19], $0x2000  }
0x75: {  	p0 =	sne.s32 s21, s8;
	[sflag:s19] =	ssyncset.done $0x0  }
.Ltmp2:
0x76: {  	[sflag:s19] =	ssyncadd.s32 $0xFFFFE000;
	(pc) =	sbr.rel @p0 .LBB2_1-.Ltmp2, $4  }
0x77: {  	[hbm4b:s7+s2] =	stream.linear.scatter [tilespmem:s17], [sflag:$0x3], $0x2000, $0x38;
	[tilespmem:$0x7280] =	vst v63  }
0x78: {  	_ =	swait.ge [sflag:s13], $0x2000  }
0x79: {  	[sflag:s13] =	ssyncset.done $0x0  }
0x7a: {  	[sflag:s13] =	ssyncadd.s32 $0xFFFFE000  }
0x7b: {  	_ =	sfence.sel $0x180000  }
0x7c: {  	[bflag:$0x0] =	sbarrier.arrive $0xFFFF  }
0x7d: {  	p0 =	sne.s32 s0, $0x0;
	_ =	strace $0x90000047  }
0x7e: {  	s0 =	sadd.s32 @!p0 $0x100000, s1;
	[bflag:$0x2] =	sbarrier.arrive $0xFFFF  }
0x7f: {  	[sflag:s0] =	ssyncadd.tile.s32 @!p0 $0x1;
	_ =	shalt  }
.Lfunc_end2:
_tile_overlayer_lowered:
.L_overlay_start_2:
0x80: {  	(tag) =	ssettag $0x2  }
0x81: {  	s0 =	rddreg [dreg:$0x0];
	s2 =	stileid.u32  }
0x82: {  	s1 =	rddreg [dreg:$0x1];
	p0 =	sne.s32 s2, $0x0  }
0x83: {  	s3 =	rddreg [dreg:$0x2];
	[bflag:$0x3] =	sbarrier.arrive $0xFFFF;
	s2 =	simm.s32 @!p0 $0x1C03  }
0x84: {  	[timem:s3], [sflag:s2] =	dma.local @!p0 [hbm:s0], s1  }
0x85: {  	s0 =	simm.s32 @!p0 $0x3  }
0x86: {  	_ =	swait.ge @!p0 [sflag:s0], s1  }
0x87: {  	s1 =	ssub.s32 @!p0 $0x0, s1;
	[sflag:s0] =	ssyncset.done @!p0 $0x0  }
0x88: {  	[sflag:s0] =	ssyncadd.s32 @!p0 s1  }
0x89: {  	[bflag:$0x3] =	sbarrier.arrive $0xFFFF  }
0x8a: {  	_ =	shalt  }

// kernel: kernel.8.cloned.1.call-start
scs
__scs_entry_jumppad:
0x0: {  	(pc) =	sbr.rel $0x88, $3  }
0x1: {  	(tag) =	ssettag $0x0;
	lr =	simm.s32 $0x1  }
0x2: {  	[smem:$0x3F79] =	sst lr;
	_ =	strace $0xD0000000  }
0x3: {  	_ = 	snop  }
0x4: {  	_ = 	snop  }
0x5: {  	_ = 	snop  }
0x6: {  	_ = 	snop  }
0x7: {  	_ = 	snop  }
__scs_overlays_trampoline_lowered:
0x8: {  	[smem:$0x3F88] =	sst s0  }
0x9: {  	[smem:$0x3F89] =	sst s1  }
0xa: {  	[smem:$0x3F8A] =	sst s2  }
0xb: {  	[smem:$0x3F8B] =	sst s3  }
0xc: {  	[smem:$0x3F8C] =	sst s4  }
0xd: {  	[smem:$0x3F8D] =	sst s5  }
0xe: {  	[smem:$0x3F8E] =	sst s6  }
0xf: {  	[smem:$0x3F8F] =	sst s7  }
0x10: {  	[smem:$0x3F90] =	sst s8  }
0x11: {  	[smem:$0x3F91] =	sst s9;
	s0 =	simm.s32 @!p0 $0x0  }
0x12: {  	s1 =	sld [smem:$0x3F77];
	s0 =	simm.s32 @p0 $0x1  }
0x13: {  	[smem:$0x3F92] =	sst s0;
	s0 =	simm.s32 @!p1 $0x0  }
0x14: {  	s2 =	sld [smem:$0x3F76];
	s0 =	simm.s32 @p1 $0x1  }
0x15: {  	[smem:$0x3F93] =	sst s0;
	s0 =	simm.s32 @!p2 $0x0  }
0x16: {  	s3 =	sld [smem:$0x3FDB];
	s0 =	simm.s32 @p2 $0x1  }
0x17: {  	s4 =	simm.s32 $0x1BF5;
	[smem:$0x3F95] =	sst s0  }
0x18: {  	s0 =	sld [smem:$0x3F78];
	_ =	swait.ge [sflag:s4], $0x0  }
0x19: {  	s7 =	sld [smem:$0x3F79]  }
0x1a: {  	s8 =	sadd.s32 $0xFFFFE003, lr  }
0x1b: {  	s9 =	sadd.s32 $0xFFFFFEF7, lr;
	s5 =	simm.s32 $0xFFFFFFFF;
	p2 =	slt.u32 s8, $0xFFFFF086  }
0x1c: {  	p1 =	slt.u32 s9, $0xF7A;
	s5 =	simm.s32 @!p2 $0x0  }
0x1d: {  	s5 =	simm.s32 @p1 $0x1;
	p0 =	seq.s32 s7, s2  }
0x1e: {  	s7 =	smul.u32 @!p0 $0xF7A, s2;
	p2 =	seq.s32 @!p0 s5, $0x0  }
0x1f: {  	s9 =	smul.u32 $0xF7A, s1;
	s8 =	simm.s32 @!p0 $0x1BF5;
	p2 =	por !p2, p0  }
0x20: {  	[sflag:s8] =	ssyncset.s32 @!p0 $0xFFFFF086;
	s6 =	sadd.s32 @!p0 s3, s7;
	s7 =	simm.s32 @!p0 $0x108  }
0x21: {  	s3 =	sadd.s32 s3, s9;
	s6 =	sadd.s32 @!p0 $0x88, s6;
	s7 =	simm.s32 @p2 $0x1082  }
0x22: {  	[simem:s7], [sflag:s8] =	dma.local @!p0 [hbm:s6], $0xF7A  }
0x23: {  	s9 =	sor.u32 $0xD0000000, s2;
	s6 =	simm.s32 $0x108;
	_ =	swait.ge @!p0 [sflag:s8], $0x0  }
0x24: {  	s3 =	sadd.s32 $0x88, s3;
	s6 =	simm.s32 @!p1 $0x1082;
	[sflag:s4] =	ssyncset.s32 $0xFFFFF086  }
0x25: {  	[simem:s6], [sflag:s4] =	dma.local [hbm:s3], $0xF7A  }
0x26: {  	[smem:$0x3F79] =	sst s1;
	(tag) =	ssettag s2;
	_ =	strace s9  }
0x27: {  	s1 =	sld [smem:$0x3F89]  }
0x28: {  	s2 =	sld [smem:$0x3F8A]  }
0x29: {  	s4 =	sld [smem:$0x3F8C]  }
0x2a: {  	p0 =	seq.s32 s5, $0x0;
	s5 =	sld [smem:$0x3F8D]  }
0x2b: {  	s6 =	sld [smem:$0x3F8E]  }
0x2c: {  	s7 =	sld [smem:$0x3F8F]  }
0x2d: {  	s3 =	simm.s32 $0x108;
	s8 =	sld [smem:$0x3F90]  }
0x2e: {  	s3 =	simm.s32 @!p0 $0x1082;
	s9 =	sld [smem:$0x3F91]  }
0x2f: {  	lr =	sadd.s32 s0, s3;
	s0 =	sld [smem:$0x3F88]  }
0x30: {  	s3 =	sld [smem:$0x3F8B]  }
0x31: {  	[smem:$0x3F94] =	sst s10  }
0x32: {  	s10 =	sld [smem:$0x3F92];
	_ =	sdelay $0x3  }
0x33: {  	p0 =	seq.s32 s10, $0x1;
	s10 =	sld [smem:$0x3F94];
	_ =	sdelay $0x3  }
0x34: {  	[smem:$0x3F94] =	sst s10  }
0x35: {  	s10 =	sld [smem:$0x3F93];
	_ =	sdelay $0x3  }
0x36: {  	p1 =	seq.s32 s10, $0x1;
	s10 =	sld [smem:$0x3F94];
	_ =	sdelay $0x3  }
0x37: {  	[smem:$0x3F94] =	sst s10  }
0x38: {  	s10 =	sld [smem:$0x3F95]  }
0x39: {  	_ = 	snop;
	(pc) =	sbr.ind lr, $3  }
0x3a: {  	_ = 	snop  }
0x3b: {  	_ = 	snop  }
0x3c: {  	p2 =	seq.s32 s10, $0x1;
	s10 =	sld [smem:$0x3F94]  }
0x3d: {  	_ =	shalt  }
0x3e: {  	_ =	shalt  }
0x3f: {  	_ =	shalt  }
0x40: {  	_ =	shalt  }
0x41: {  	_ =	shalt  }
0x42: {  	_ =	shalt  }
0x43: {  	_ =	shalt  }
0x44: {  	_ =	shalt  }
0x45: {  	_ =	shalt  }
0x46: {  	_ =	shalt  }
0x47: {  	_ =	shalt  }
0x48: {  	_ =	shalt  }
0x49: {  	_ =	shalt  }
0x4a: {  	_ =	shalt  }
0x4b: {  	_ =	shalt  }
0x4c: {  	_ =	shalt  }
0x4d: {  	_ =	shalt  }
0x4e: {  	_ =	shalt  }
0x4f: {  	_ =	shalt  }
0x50: {  	_ =	shalt  }
0x51: {  	_ =	shalt  }
0x52: {  	_ =	shalt  }
0x53: {  	_ =	shalt  }
0x54: {  	_ =	shalt  }
0x55: {  	_ =	shalt  }
0x56: {  	_ =	shalt  }
0x57: {  	_ =	shalt  }
0x58: {  	_ =	shalt  }
0x59: {  	_ =	shalt  }
0x5a: {  	_ =	shalt  }
0x5b: {  	_ =	shalt  }
0x5c: {  	_ =	shalt  }
0x5d: {  	_ =	shalt  }
0x5e: {  	_ =	shalt  }
0x5f: {  	_ =	shalt  }
0x60: {  	_ =	shalt  }
0x61: {  	_ =	shalt  }
0x62: {  	_ =	shalt  }
0x63: {  	_ =	shalt  }
0x64: {  	_ =	shalt  }
0x65: {  	_ =	shalt  }
0x66: {  	_ =	shalt  }
0x67: {  	_ =	shalt  }
0x68: {  	_ =	shalt  }
0x69: {  	_ =	shalt  }
0x6a: {  	_ =	shalt  }
0x6b: {  	_ =	shalt  }
0x6c: {  	_ =	shalt  }
0x6d: {  	_ =	shalt  }
0x6e: {  	_ =	shalt  }
0x6f: {  	_ =	shalt  }
0x70: {  	_ =	shalt  }
0x71: {  	_ =	shalt  }
0x72: {  	_ =	shalt  }
0x73: {  	_ =	shalt  }
0x74: {  	_ =	shalt  }
0x75: {  	_ =	shalt  }
0x76: {  	_ =	shalt  }
0x77: {  	_ =	shalt  }
0x78: {  	_ =	shalt  }
0x79: {  	_ =	shalt  }
0x7a: {  	_ =	shalt  }
0x7b: {  	_ =	shalt  }
0x7c: {  	_ =	shalt  }
0x7d: {  	_ =	shalt  }
0x7e: {  	_ =	shalt  }
0x7f: {  	_ =	shalt  }
0x80: {  	_ =	shalt  }
0x81: {  	_ =	shalt  }
0x82: {  	_ =	shalt  }
0x83: {  	_ =	shalt  }
0x84: {  	_ =	shalt  }
0x85: {  	_ =	shalt  }
0x86: {  	_ =	shalt  }
0x87: {  	_ =	shalt  }
.Lfunc_end0:
.L_simem_size_0:
called_computation.1_lowered:
.L_overlay_start_0:
0x88: {  	s2 =	sld [smem:$0x3FD9]  }
0x89: {  	s3 =	sld [smem:$0x3FFE];
	_ =	sdelay $0x1  }
0x8a: {  	s1 =	srdreg.scid  }
0x8b: {  	s0 =	sand.u32 $0x1, s1  }
0x8c: {  	s17 =	sshll.u32 s0, $0xA;
	s2 =	sadd.s32 s3, s2  }
0x8d: {  	s2 =	sadd.s32 s2, s17  }
0x8e: {  	[smem:$0x3FA0] =	sst s2  }
0x8f: {  	_ = 	snop  }
0x90: {  	(tm) =	ssettm $0x1  }
0x91: {  	s18 =	sld [smem:$0x3FFB];
	_ =	sdelay $0x3  }
0x92: {  	_ =	strace s18  }
0x93: {  	s2 =	sld [smem:$0x3FFC];
	_ =	sdelay $0x3  }
0x94: {  	_ =	strace s2  }
0x95: {  	s2 =	sld [smem:$0x3FFD];
	_ =	sdelay $0x3  }
0x96: {  	_ =	strace s2  }
0x97: {  	_ =	strace $0x8FFFFFFF  }
0x98: {  	s19 =	sld [smem:$0x3FDB];
	_ =	sdelay $0x1  }
0x99: {  	s20 =	simm.s32 $_scs_section_size  }
0x9a: {  	s4 =	simm.s32 $_size__tile_overlayer_lowered;
	s5 =	simm.s32 $_tile_overlayer_lowered  }
0x9b: {  	s6 =	simm.s32 $0x1BFF;
	s21 =	sshll.u32 s5, $0x1;
	s3 =	sadd.s32 s20, s19  }
0x9c: {  	s22 =	simm.s32 $0x0;
	s4 =	sshll.u32 s4, $0x1;
	s5 =	sadd.s32 s21, s3  }
0x9d: {  	[timem:s22], [sflag:s6] =	dma.local [hbm:s5], s4  }
0x9e: {  	_ =	swait.ge [sflag:s6], s4  }
0x9f: {  	s4 =	ssub.s32 $0x0, s4;
	[sflag:s6] =	ssyncset.done $0x0  }
0xa0: {  	[sflag:s6] =	ssyncadd.s32 s4;
	_ =	sdelay $0x1  }
0xa1: {  	s23 =	simm.s32 $0x1B8B  }
0xa2: {  	_ =	swait.ge [sflag:s23], $0x1  }
0xa3: {  	[sflag:s23] =	ssyncset.done $0x0  }
0xa4: {  	[sflag:s23] =	ssyncadd.s32 $0xFFFFFFFF  }
0xa5: {  	s4 =	sld [smem:$0x0]  }
0xa6: {  	s5 =	sand.u32 $0xFFFFFFFE, s1  }
0xa7: {  	p0 =	sne.s32 s1, s5  }
0xa8: {  	s5 =	sshll.u32 @p0 s5, $0xE  }
0xa9: {  	s5 =	sadd.s32 @p0 $0x11B8D, s5;
	s6 =	sshll.u32 @p0 s4, $0x11  }
0xaa: {  	s5 =	sor.u32 @p0 s6, s5  }
0xab: {  	[sflag:s5] =	ssyncadd.remote.s32 @p0 $0x1;
	_ =	sdelay $0x1  }
0xac: {  	s5 =	simm.s32 @p0 $0x1B8D  }
0xad: {  	_ =	swait.eq @p0 [sflag:s5], $0x1  }
0xae: {  	[sflag:s5] =	ssyncadd.s32 @p0 $0xFFFFFFFF  }
0xaf: {  	s6 =	sshll.u32 @!p0 s1, $0xE  }
0xb0: {  	s6 =	sor.u32 @!p0 $0x4000, s6;
	s5 =	simm.s32 @!p0 $0x1B8D  }
0xb1: {  	s4 =	sshll.u32 @!p0 s4, $0x11;
	s6 =	sadd.s32 @!p0 $0x11B8D, s6;
	_ =	swait.eq @!p0 [sflag:s5], $0x1  }
0xb2: {  	s4 =	sor.u32 @!p0 s4, s6;
	[sflag:s5] =	ssyncadd.s32 @!p0 $0xFFFFFFFF  }
0xb3: {  	s25 =	simm.s32 $0x1B8E;
	s24 =	sld [smem:$0x3FFE];
	[sflag:s4] =	ssyncadd.remote.s32 @!p0 $0x1  }
0xb4: {  	s26 =	simm.s32 $execute0_lowered;
	[smem:$0x3FD2] =	sst s25  }
0xb5: {  	s5 =	sshll.u32 s26, $0x1;
	_ =	strace $0x80000049;
	[dreg:$0x1] =	wrdreg $0xFFFFFFFF  }
0xb6: {  	s28 =	simm.s32 $_size_execute0_lowered;
	s3 =	sadd.s32 s3, s5;
	[dreg:$0x0] =	wrdreg $0x0  }
0xb7: {  	s5 =	sshll.u32 s28, $0x1;
	[dreg:$0x2] =	wrdreg s3  }
0xb8: {  	[dreg:$0x3] =	wrdreg s5  }
0xb9: {  	[dreg:$0x4] =	wrdreg $0xC0  }
0xba: {  	_ =	task [dreg:s22], $0x5FFFF  }
0xbb: {  	[dreg:$0x1] =	wrdreg $0xFFFFFFFF  }
0xbc: {  	[dreg:$0x0] =	wrdreg $0x60  }
0xbd: {  	[dreg:$0x2] =	wrdreg s24  }
0xbe: {  	[dreg:$0x3] =	wrdreg $0xA  }
0xbf: {  	_ =	task.clear_ibuf [dreg:s22], $0x4FFFF;
	_ =	strace $0x90000049  }
0xc0: {  	s29 =	simm.s32 $0xA;
	_ =	strace $0x8000004B  }
0xc1: {  	_ =	swait.ge [sflag:s29], $0x1  }
0xc2: {  	[sflag:s29] =	ssyncadd.s32 $0xFFFFFFFF  }
0xc3: {  	_ =	strace $0x9000004B  }
0xc4: {  	_ =	sfence  }
0xc5: {  	s30 =	sld [smem:$0x0];
	_ =	sdelay $0x2  }
0xc6: {  	s31 =	sshll.u32 s1, $0xD;
	s1 =	sshrl.u32 s1, $0x2  }
0xc7: {  	s4 =	sand.u32 $0x4000, s31;
	s1 =	sadd.s32 s1, s30  }
0xc8: {  	s0 =	sor.u32 s4, s0;
	s1 =	sshll.u32 s1, $0x11  }
0xc9: {  	s0 =	sor.u32 s1, s0  }
0xca: {  	s0 =	sadd.s32 $0x8F2B, s0  }
0xcb: {  	[sflag:s0] =	ssyncadd.remote.s32 $0x1  }
0xcc: {  	_ =	sfence.sel $0xFFFF  }
0xcd: {  	[dreg:$0x0] =	wrdreg $0xFFFFFFFF;
	(pc) =	sbr.abs _section_cstart, $3  }
0xce: {  	[dreg:$0x1] =	wrdreg $0xFFFFFFFF  }
0xcf: {  	_ =	task.clear_ibuf [dreg:s22], $0x2FFFF;
	_ =	strace $0x9FFFFFFF  }
0xd0: {  	(tm) =	ssettm $0x7FFFFFFF  }
0xd1: {  	_ =	shalt  }
tec
execute0_lowered:
.L_overlay_start_1:
0x0: {  	(tag) =	ssettag $0x1  }
0x1: {  	s1 =	srdreg.scid  }
0x2: {  	s0 =	stileid.u32;
	s4 =	rddreg [dreg:$0x0]  }
0x3: {  	s2 =	simm.s32 $0x0;
	s15 =	simm.s32 $0x1900;
	s16 =	simm.s32 $0x80  }
0x4: {  	s17 =	simm.s32 $0x1B80;
	s18 =	simm.s32 $0x3B80;
	s19 =	simm.s32 $0x1  }
0x5: {  	s20 =	simm.s32 $0x2;
	s21 =	simm.s32 $0x1980;
	s26 =	smul.u32 $0x64, s0  }
0x6: {  	s22 =	simm.s32 $0x1A00;
	s10 =	sand.u32 $0x1, s1;
	s30 =	smul.u32 $0x19000, s0  }
0x7: {  	s23 =	sshll.u32 s0, $0x1;
	s1 =	rddreg [dreg:$0x1];
	s14 =	smul.u32 $0x32, s10  }
0x8: {  	[smem:$0x7FF] =	sst s2;
	s5 =	sor.u32 s10, s23;
	s31 =	smul.u32 $0xC800, s10  }
0x9: {  	s3 =	sadd.s32 $0x508A00, s4;
	s11 =	sadd.s32 $0x5CC000, s4;
	s6 =	smul.u32 $0x320, s5  }
0xa: {  	s12 =	sadd.s32 $0x382000, s4;
	s8 =	ssub.s32 $0x2, s10;
	s7 =	smul.u32 $0x50, s5  }
0xb: {  	_ =	strace $0x8000004A;
	s9 =	smul.u32 $0xA000, s5;
	s24 =	sshrl.u32 s8, $0x1  }
0xc: {  	s23 =	simm.s32 $0x1A80;
	s13 =	smul.u32 $0x1400, s5;
	s8 =	ssub.s32 s8, s24  }
0xd: {  	s29 =	sadd.s32 s14, s26;
	s14 =	simm.s32 $0x3;
	s24 =	simm.s32 $0x1B00  }
0xe: {  	s6 =	sadd.s32 s6, s4;
	s7 =	sadd.s32 s7, s4;
	s25 =	sshrl.u32 s9, $0x3  }
0xf: {  	s4 =	sadd.s32 $0x36B200, s6;
	s28 =	sadd.s32 s12, s25;
	s5 =	sadd.s32 $0x381600, s7  }
0x10: {  	s7 =	smax.u32 s8, $0x1;
	s8 =	sadd.s32 s12, s13;
	s12 =	sshll.u32 s29, $0xA  }
0x11: {  	s13 =	sadd.s32 s30, s11;
	s25 =	simm.s32 $0x0;
	s6 =	sadd.s32 $0x1000, s28  }
0x12: {  	s9 =	sadd.s32 $0x400, s8;
	s10 =	sadd.s32 $0x800, s8;
	s12 =	sadd.s32 s12, s11  }
0x13: {  	s11 =	sadd.s32 $0xC00, s8;
	s13 =	sadd.s32 s31, s13;
	s12 =	sadd.s32 $0x400, s12  }
.LBB2_1:
0x14: {  	[tilespmem:s2], [sflag:$0x3] =	stream.linear.gather [hbm4b:s4+s2], $0x1900, $0x38;
	[tilespmem:$0x5B80] =	vst v63  }
0x15: {  	_ =	swait.ge [sflag:s14], $0x1900  }
0x16: {  	[sflag:s14] =	ssyncset.done $0x0  }
0x17: {  	[sflag:s14] =	ssyncadd.s32 $0xFFFFE700  }
0x18: {  	[tilespmem:s15], [sflag:$0x3] =	stream.linear.gather [hbm4b:s5+s2], $0x280, $0x38;
	[tilespmem:$0x5B80] =	vst v63  }
0x19: {  	_ =	swait.ge [sflag:s14], $0x280  }
0x1a: {  	[sflag:s14] =	ssyncset.done $0x0  }
0x1b: {  	[sflag:s14] =	ssyncadd.s32 $0xFFFFFD80  }
0x1c: {  	[tilespmem:s17], [sflag:$0x1] =	stream.indirect.gather [hbm4b:s3+s16], $0x40, s2, s16, $0xb8;
	[tilespmem:$0x5B80] =	vst v63  }
0x1d: {  	s26 =	simm.s32 $0x80  }
0x1e: {  	[tilespmem:s18], [sflag:$0x2] =	stream.indirect.gather [hbm4b:s3+s16], $0x40, s26, s16, $0xb8;
	[tilespmem:$0x5B80] =	vst v63  }
0x1f: {  	_ =	swait.ge [sflag:s19], $0x2000  }
0x20: {  	[sflag:s19] =	ssyncset.done $0x0  }
0x21: {  	s30 =	sadd.s32 $0x0, s13;
	[sflag:s19] =	ssyncadd.s32 $0xFFFFE000  }
0x22: {  	[hbm4b:s30+s2] =	stream.linear.scatter [tilespmem:s17], [sflag:$0x3], $0x2000, $0x38;
	[tilespmem:$0x5B80] =	vst v63  }
0x23: {  	_ =	swait.ge [sflag:s14], $0x2000  }
0x24: {  	[sflag:s14] =	ssyncset.done $0x0  }
0x25: {  	[sflag:s14] =	ssyncadd.s32 $0xFFFFE000  }
0x26: {  	_ =	swait.ge [sflag:s20], $0x2000  }
0x27: {  	[sflag:s20] =	ssyncset.done $0x0  }
0x28: {  	s31 =	sadd.s32 $0x0, s12;
	[sflag:s20] =	ssyncadd.s32 $0xFFFFE000  }
0x29: {  	[hbm4b:s31+s2] =	stream.linear.scatter [tilespmem:s18], [sflag:$0x3], $0x2000, $0x38;
	[tilespmem:$0x5B80] =	vst v63  }
0x2a: {  	_ =	swait.ge [sflag:s14], $0x2000  }
0x2b: {  	s28 =	simm.s32 $0x0;
	s26 =	simm.s32 $0x800;
	[sflag:s14] =	ssyncset.done $0x0  }
.LBB2_2:
0x2c: {  	p0 =	sne.s32 s26, $0xC000;
	[sflag:s14] =	ssyncadd.s32 $0xFFFFE000;
	s28 =	sadd.s32 $0x100, s28  }
0x2d: {  	[tilespmem:s17], [sflag:$0x1] =	stream.indirect.gather [hbm4b:s3+s16], $0x40, s28, s16, $0xb8;
	[tilespmem:$0x5B80] =	vst v63  }
0x2e: {  	s30 =	smov.u32 s26;
	s26 =	sadd.s32 $0x800, s26;
	s29 =	sadd.s32 $0x80, s28  }
0x2f: {  	[tilespmem:s18], [sflag:$0x2] =	stream.indirect.gather [hbm4b:s3+s16], $0x40, s29, s16, $0xb8;
	[tilespmem:$0x5B80] =	vst v63  }
0x30: {  	_ =	swait.ge [sflag:s19], $0x2000  }
0x31: {  	[sflag:s19] =	ssyncset.done $0x0  }
0x32: {  	s29 =	sadd.s32 s30, s13;
	[sflag:s19] =	ssyncadd.s32 $0xFFFFE000  }
0x33: {  	[hbm4b:s29+s2] =	stream.linear.scatter [tilespmem:s17], [sflag:$0x3], $0x2000, $0x38;
	[tilespmem:$0x5B80] =	vst v63  }
0x34: {  	_ =	swait.ge [sflag:s14], $0x2000  }
0x35: {  	[sflag:s14] =	ssyncset.done $0x0  }
0x36: {  	[sflag:s14] =	ssyncadd.s32 $0xFFFFE000  }
0x37: {  	_ =	swait.ge [sflag:s20], $0x2000  }
.Ltmp0:
0x38: {  	[sflag:s20] =	ssyncset.done $0x0;
	(pc) =	sbr.rel @p0 .LBB2_2-.Ltmp0, $4  }
0x39: {  	s29 =	sadd.s32 s30, s12;
	[sflag:s20] =	ssyncadd.s32 $0xFFFFE000  }
0x3a: {  	[hbm4b:s29+s2] =	stream.linear.scatter [tilespmem:s18], [sflag:$0x3], $0x2000, $0x38;
	[tilespmem:$0x5B80] =	vst v63  }
0x3b: {  	_ =	swait.ge [sflag:s14], $0x2000  }
0x3c: {  	[sflag:s14] =	ssyncset.done $0x0  }
0x3d: {  	[sflag:s14] =	ssyncadd.s32 $0xFFFFE000  }
0x3e: {  	[tilespmem:s17], [sflag:$0x1] =	stream.indirect.gather [hbm4b:s3+s16], $0x40, s15, s16, $0xb8;
	[tilespmem:$0x5B80] =	vst v63  }
0x3f: {  	_ = 	snop  }
0x40: {  	[tilespmem:s18], [sflag:$0x2] =	stream.indirect.gather [hbm4b:s3+s16], $0x40, s21, s16, $0xb8;
	[tilespmem:$0x5B80] =	vst v63  }
0x41: {  	_ =	swait.ge [sflag:s19], $0x2000  }
0x42: {  	[sflag:s19] =	ssyncset.done $0x0  }
0x43: {  	[sflag:s19] =	ssyncadd.s32 $0xFFFFE000  }
0x44: {  	[hbm4b:s8+s2] =	stream.linear.scatter [tilespmem:s17], [sflag:$0x3], $0x2000, $0x38;
	[tilespmem:$0x5B80] =	vst v63  }
0x45: {  	_ =	swait.ge [sflag:s14], $0x2000  }
0x46: {  	[sflag:s14] =	ssyncset.done $0x0  }
0x47: {  	[sflag:s14] =	ssyncadd.s32 $0xFFFFE000  }
0x48: {  	_ =	swait.ge [sflag:s20], $0x2000  }
0x49: {  	[sflag:s20] =	ssyncset.done $0x0  }
0x4a: {  	[sflag:s20] =	ssyncadd.s32 $0xFFFFE000  }
0x4b: {  	[hbm4b:s9+s2] =	stream.linear.scatter [tilespmem:s18], [sflag:$0x3], $0x2000, $0x38;
	[tilespmem:$0x5B80] =	vst v63  }
0x4c: {  	_ =	swait.ge [sflag:s14], $0x2000  }
0x4d: {  	[sflag:s14] =	ssyncset.done $0x0  }
0x4e: {  	[sflag:s14] =	ssyncadd.s32 $0xFFFFE000  }
0x4f: {  	[tilespmem:s17], [sflag:$0x1] =	stream.indirect.gather [hbm4b:s3+s16], $0x40, s22, s16, $0xb8;
	[tilespmem:$0x5B80] =	vst v63  }
0x50: {  	_ = 	snop  }
0x51: {  	[tilespmem:s18], [sflag:$0x2] =	stream.indirect.gather [hbm4b:s3+s16], $0x40, s23, s16, $0xb8;
	[tilespmem:$0x5B80] =	vst v63  }
0x52: {  	_ =	swait.ge [sflag:s19], $0x2000  }
0x53: {  	[sflag:s19] =	ssyncset.done $0x0  }
0x54: {  	[sflag:s19] =	ssyncadd.s32 $0xFFFFE000  }
0x55: {  	[hbm4b:s10+s2] =	stream.linear.scatter [tilespmem:s17], [sflag:$0x3], $0x2000, $0x38;
	[tilespmem:$0x5B80] =	vst v63  }
0x56: {  	_ =	swait.ge [sflag:s14], $0x2000  }
0x57: {  	[sflag:s14] =	ssyncset.done $0x0  }
0x58: {  	[sflag:s14] =	ssyncadd.s32 $0xFFFFE000  }
0x59: {  	_ =	swait.ge [sflag:s20], $0x2000  }
0x5a: {  	[sflag:s20] =	ssyncset.done $0x0  }
0x5b: {  	[sflag:s20] =	ssyncadd.s32 $0xFFFFE000  }
0x5c: {  	[hbm4b:s11+s2] =	stream.linear.scatter [tilespmem:s18], [sflag:$0x3], $0x2000, $0x38;
	[tilespmem:$0x5B80] =	vst v63  }
0x5d: {  	_ =	swait.ge [sflag:s14], $0x2000  }
0x5e: {  	[sflag:s14] =	ssyncset.done $0x0  }
0x5f: {  	[sflag:s14] =	ssyncadd.s32 $0xFFFFE000  }
0x60: {  	[tilespmem:s17], [sflag:$0x1] =	stream.indirect.gather [hbm4b:s3+s16], $0x40, s24, s16, $0xb8;
	[tilespmem:$0x5B80] =	vst v63  }
0x61: {  	s25 =	sadd.s32 $0x1, s25;
	_ =	swait.ge [sflag:s19], $0x2000  }
0x62: {  	p0 =	sne.s32 s25, s7;
	[sflag:s19] =	ssyncset.done $0x0  }
.Ltmp1:
0x63: {  	[sflag:s19] =	ssyncadd.s32 $0xFFFFE000;
	(pc) =	sbr.rel @p0 .LBB2_1-.Ltmp1, $4  }
0x64: {  	[hbm4b:s6+s2] =	stream.linear.scatter [tilespmem:s17], [sflag:$0x3], $0x2000, $0x38;
	[tilespmem:$0x5B80] =	vst v63  }
0x65: {  	_ =	swait.ge [sflag:s14], $0x2000  }
0x66: {  	[sflag:s14] =	ssyncset.done $0x0  }
0x67: {  	[sflag:s14] =	ssyncadd.s32 $0xFFFFE000  }
0x68: {  	_ =	sfence.sel $0x180000  }
0x69: {  	[bflag:$0x0] =	sbarrier.arrive $0xFFFF  }
0x6a: {  	p0 =	sne.s32 s0, $0x0;
	_ =	strace $0x9000004A  }
0x6b: {  	s0 =	sadd.s32 @!p0 $0x100000, s1;
	[bflag:$0x2] =	sbarrier.arrive $0xFFFF  }
0x6c: {  	[sflag:s0] =	ssyncadd.tile.s32 @!p0 $0x1;
	_ =	shalt  }
.Lfunc_end2:
_tile_overlayer_lowered:
.L_overlay_start_2:
0x6d: {  	(tag) =	ssettag $0x2  }
0x6e: {  	s0 =	rddreg [dreg:$0x0];
	s2 =	stileid.u32  }
0x6f: {  	s1 =	rddreg [dreg:$0x1];
	p0 =	sne.s32 s2, $0x0  }
0x70: {  	s3 =	rddreg [dreg:$0x2];
	[bflag:$0x3] =	sbarrier.arrive $0xFFFF;
	s2 =	simm.s32 @!p0 $0x1C03  }
0x71: {  	[timem:s3], [sflag:s2] =	dma.local @!p0 [hbm:s0], s1  }
0x72: {  	s0 =	simm.s32 @!p0 $0x3  }
0x73: {  	_ =	swait.ge @!p0 [sflag:s0], s1  }
0x74: {  	s1 =	ssub.s32 @!p0 $0x0, s1;
	[sflag:s0] =	ssyncset.done @!p0 $0x0  }
0x75: {  	[sflag:s0] =	ssyncadd.s32 @!p0 s1  }
0x76: {  	[bflag:$0x3] =	sbarrier.arrive $0xFFFF  }
0x77: {  	_ =	shalt  }

</sc_bundles>
